<compile_context>
chip_gen: v7x
topology: tpu7x:2x2x1
jax: 0.10.2.dev20260603
libtpu: 0.0.44.dev20260713+nightly
codegen_flags: <defaults>
</compile_context>

<pallas_src>
import functools

import jax
import jax.numpy as jnp
from jax import lax
from jax.experimental import pallas as pl
from jax.experimental.pallas import tpu as pltpu
from jax.experimental.pallas import tpu_sc as plsc

B = 4096
S = 200
D = 64
NW = 32
BC = B // NW
NBUF = 4
LOOKAHEAD = 2
NQ = D // 16


def _embedder(idx_hbm, tok_hbm, pos_hbm, out_hbm, idx_v, pos_v, buf, buft, gsem, osem):
    wid = lax.axis_index("s") * 2 + lax.axis_index("c")
    b0 = wid * BC
    pltpu.sync_copy(pos_hbm, pos_v)
    pltpu.sync_copy(idx_hbm.at[:, pl.ds(b0, BC)], idx_v)

    def start_gather(i, slot):
        pltpu.async_copy(tok_hbm.at[idx_v.at[i]], buf.at[slot], gsem.at[slot])

    def start_store(i, slot):
        pltpu.async_copy(
            buft.at[slot, :, :, pl.ds(0, BC)], out_hbm.at[i, :, wid], osem.at[slot]
        )

    def wait_gather(i, slot):
        pltpu.make_async_copy(tok_hbm.at[idx_v.at[i]], buf.at[slot], gsem.at[slot]).wait()

    def wait_store(i, slot):
        pltpu.make_async_copy(
            buft.at[slot, :, :, pl.ds(0, BC)], out_hbm.at[i, :, wid], osem.at[slot]
        ).wait()

    for j in range(LOOKAHEAD):
        start_gather(j, j)

    row16 = jnp.arange(16, dtype=jnp.int32)
    dbx = [(row16 + q * 16) // 8 for q in range(NQ)]
    drx = [(row16 + q * 16) % 8 for q in range(NQ)]

    def group(g, carry):
        for slot in range(NBUF):
            i = g * NBUF + slot
            j = i + LOOKAHEAD
            slot_j = (slot + LOOKAHEAD) % NBUF

            @pl.when(j < S)
            def _prefetch():
                @pl.when(j >= NBUF)
                def _drain():
                    wait_store(j - NBUF, slot_j)

                start_gather(j, slot_j)

            wait_gather(i, slot)

            pos_q = [pos_v[i, pl.ds(q * 16, 16)] for q in range(NQ)]

            def do_b(b, _slot=slot, _pos=pos_q):
                bspl = jnp.full((16,), b, dtype=jnp.int32)
                for q in range(NQ):
                    v = buf[_slot, b, pl.ds(q * 16, 16)]
                    plsc.store_scatter(
                        buft.at[_slot], [dbx[q], drx[q], bspl], v + _pos[q]
                    )

            plsc.parallel_loop(0, BC, 1, unroll=4)(do_b)
            start_store(i, slot)
        return carry

    lax.fori_loop(0, S // NBUF, group, 0)

    for i in range(S - NBUF, S):
        wait_store(i, i % NBUF)


@jax.jit
def _run(idx_t, token_table, pos_table):
    kern = pl.kernel(
        _embedder,
        out_type=jax.ShapeDtypeStruct((S, D // 8, NW, 8, BC), jnp.float32),
        mesh=plsc.VectorSubcoreMesh(core_axis_name="c", subcore_axis_name="s"),
        scratch_types=[
            pltpu.VMEM((S, BC), jnp.int32),
            pltpu.VMEM((S, D), jnp.float32),
            pltpu.VMEM((NBUF, BC, D), jnp.float32),
            pltpu.VMEM((NBUF, D // 8, 8, BC + 1), jnp.float32),
            pltpu.SemaphoreType.DMA((NBUF,)),
            pltpu.SemaphoreType.DMA((NBUF,)),
        ],
        compiler_params=pltpu.CompilerParams(
            use_tc_tiling_on_sc=False, needs_layout_passes=False
        ),
    )
    out5 = kern(idx_t, token_table, pos_table)
    return out5.transpose(2, 4, 0, 1, 3).reshape(B, S, D)


def kernel(input, token_table, pos_table):
    idx_t = jnp.maximum(input.T.astype(jnp.int32), 0)
    return _run(idx_t, token_table, pos_table)

# --- scband reference (transcript-rebuilt; emitter-appended) ---
"""Pipeline reference for scband-my-embedder-38809324487014 (READ-ONLY COPY).

The authoritative reference and input builder live on the scoring server;
editing this copy changes nothing except your own understanding.
"""

import jax, jax.numpy as jnp
import numpy as np

VOCAB = 1000000
EMBED_DIM = 64
SEQ_LEN = 200
BATCH = 4096

def setup_inputs(seed: int = 0) -> dict:
    key = jax.random.key(seed)
    k1, k2, k3 = jax.random.split(key, 3)
    inp = jax.random.randint(k1, (BATCH, SEQ_LEN), 0, VOCAB, dtype=jnp.int64 if jax.config.jax_enable_x64 else jnp.int32)
    token_table = jax.random.normal(k2, (VOCAB, EMBED_DIM), dtype=jnp.float32) * 0.05
    pos_table = jax.random.normal(k3, (SEQ_LEN, EMBED_DIM), dtype=jnp.float32) * 0.05
    return {"input": inp, "token_table": token_table, "pos_table": pos_table}

def reference(input, token_table, pos_table):
    # token embedding: gather rows from token_table
    token_embedding = jnp.take(token_table, input, axis=0)  # [B, S, D]
    # positional indices: tile range over batch
    positions = jnp.tile(jnp.arange(SEQ_LEN)[None, :], (input.shape[0], 1))  # [B, S]
    indices_embedding = jnp.take(pos_table, positions, axis=0)  # [B, S, D]
    return token_embedding + indices_embedding

if __name__ == "__main__":
    import jax
    _d = setup_inputs()
    print(jax.jit(kernel)(*tuple(_d.values())))

</pallas_src>

<mosaic_0001>
#map = affine_map<(d0, d1) -> (0, 0)>
#map1 = affine_map<(d0, d1) -> (0, 0, 0, 0, 0)>
module attributes {stable_mosaic.version = 14 : i64} {
  func.func @_embedder(%arg0: i32, %arg1: i32, %arg2: memref<200x4096xi32, #tpu.memory_space<hbm>>, %arg3: memref<1000000x64xf32, #tpu.memory_space<hbm>>, %arg4: memref<200x64xf32, #tpu.memory_space<hbm>>, %arg5: memref<200x8x32x8x128xf32, #tpu.memory_space<hbm>>, %arg6: memref<200x128xi32, #tpu.memory_space<vmem>>, %arg7: memref<200x64xf32, #tpu.memory_space<vmem>>, %arg8: memref<4x128x64xf32, #tpu.memory_space<vmem>>, %arg9: memref<4x8x8x129xf32, #tpu.memory_space<vmem>>, %arg10: memref<4x!tpu.dma_semaphore, #tpu.memory_space<semaphore_mem>>, %arg11: memref<4x!tpu.dma_semaphore, #tpu.memory_space<semaphore_mem>>) attributes {dimension_semantics = [#tpu.dimension_semantics<core_parallel>, #tpu.dimension_semantics<subcore_parallel>], iteration_bounds = array<i64: 2, 16>, scalar_prefetch = 0 : i64, scratch_operands = 6 : i64, tpu.core_type = #tpu.core_type<sc_vector_subcore>, window_params = [{transform_indices = #map}, {transform_indices = #map}, {transform_indices = #map}, {transform_indices = #map1}]} {
    %mul3A = arith.constant 2 : i32
    %mul3A_0 = arith.muli %arg1, %mul3A : i32
    %add3A = arith.addi %mul3A_0, %arg0 : i32
    %mul3A_1 = arith.constant 128 : i32
    %mul3A_2 = arith.muli %add3A, %mul3A_1 : i32
    "tpu.region"() ({
      %run_scoped3A = tpu.sem_alloc : memref<!tpu.dma_semaphore, #tpu.memory_space<semaphore_mem>>
      tpu.enqueue_dma source(%arg4 : memref<200x64xf32, #tpu.memory_space<hbm>>) target(%arg7 : memref<200x64xf32, #tpu.memory_space<vmem>>) target_semaphore(%run_scoped3A : memref<!tpu.dma_semaphore, #tpu.memory_space<semaphore_mem>>)
      tpu.wait_dma2 semaphore(%run_scoped3A : memref<!tpu.dma_semaphore, #tpu.memory_space<semaphore_mem>>) src(%arg4 : memref<200x64xf32, #tpu.memory_space<hbm>>) dst(%arg7 : memref<200x64xf32, #tpu.memory_space<vmem>>)
      tpu.yield
    }) : () -> ()
    "tpu.region"() ({
      %run_scoped3A = tpu.sem_alloc : memref<!tpu.dma_semaphore, #tpu.memory_space<semaphore_mem>>
      %dma_start3A_362 = arith.constant 0 : i32
      %dma_start3A_363 = tpu.memref_slice %arg2[%dma_start3A_362, %mul3A_2] : memref<200x4096xi32, #tpu.memory_space<hbm>> -> memref<200x128xi32, #tpu.memory_space<hbm>>
      %dma_start3A_364 = arith.constant 0 : i32
      %dma_start3A_365 = tpu.memref_slice %arg2[%dma_start3A_364, %mul3A_2] : memref<200x4096xi32, #tpu.memory_space<hbm>> -> memref<200x128xi32, #tpu.memory_space<hbm>>
      tpu.enqueue_dma source(%dma_start3A_365 : memref<200x128xi32, #tpu.memory_space<hbm>>) target(%arg6 : memref<200x128xi32, #tpu.memory_space<vmem>>) target_semaphore(%run_scoped3A : memref<!tpu.dma_semaphore, #tpu.memory_space<semaphore_mem>>)
      %dma_wait3A_366 = arith.constant 0 : i32
      %dma_wait3A_367 = tpu.memref_slice %arg2[%dma_wait3A_366, %mul3A_2] : memref<200x4096xi32, #tpu.memory_space<hbm>> -> memref<200x128xi32, #tpu.memory_space<hbm>>
      %dma_wait3A_368 = arith.constant 0 : i32
      %dma_wait3A_369 = tpu.memref_slice %arg2[%dma_wait3A_368, %mul3A_2] : memref<200x4096xi32, #tpu.memory_space<hbm>> -> memref<200x128xi32, #tpu.memory_space<hbm>>
      tpu.wait_dma2 semaphore(%run_scoped3A : memref<!tpu.dma_semaphore, #tpu.memory_space<semaphore_mem>>) src(%dma_wait3A_369 : memref<200x128xi32, #tpu.memory_space<hbm>>) dst(%arg6 : memref<200x128xi32, #tpu.memory_space<vmem>>)
      tpu.yield
    }) : () -> ()
    %dma_start3A = arith.constant 0 : i32
    %dma_start3A_3 = arith.constant 0 : i32
    %dma_start3A_4 = arith.constant 0 : i32
    %dma_start3A_5 = arith.constant 0 : i32
    %dma_start3A_6 = arith.constant 0 : i32
    %dma_start3A_7 = tpu.memref_slice %arg8[%dma_start3A_3, %dma_start3A_5, %dma_start3A_6] : memref<4x128x64xf32, #tpu.memory_space<vmem>> -> memref<1x128x64xf32, #tpu.memory_space<vmem>>
    %dma_start3A_8 = tpu.memref_squeeze %dma_start3A_7 : memref<1x128x64xf32, #tpu.memory_space<vmem>> -> memref<128x64xf32, #tpu.memory_space<vmem>>
    %dma_start3A_9 = arith.constant 0 : i32
    %dma_start3A_10 = tpu.memref_slice %arg6[%dma_start3A, %dma_start3A_9] : memref<200x128xi32, #tpu.memory_space<vmem>> -> memref<1x128xi32, #tpu.memory_space<vmem>>
    %dma_start3A_11 = tpu.memref_squeeze %dma_start3A_10 : memref<1x128xi32, #tpu.memory_space<vmem>> -> memref<128xi32, #tpu.memory_space<vmem>>
    %dma_start3A_12 = arith.constant 0 : i32
    %dma_start3A_13 = arith.constant 0 : i32
    %dma_start3A_14 = tpu.memref_slice %arg3[%dma_start3A_12, %dma_start3A_13] : memref<1000000x64xf32, #tpu.memory_space<hbm>> -> memref<1000000x64xf32, #tpu.memory_space<hbm>>
    %dma_start3A_15 = tpu.memref_slice %arg10[%dma_start3A_4] : memref<4x!tpu.dma_semaphore, #tpu.memory_space<semaphore_mem>> -> memref<1x!tpu.dma_semaphore, #tpu.memory_space<semaphore_mem>>
    %dma_start3A_16 = tpu.memref_squeeze %dma_start3A_15 : memref<1x!tpu.dma_semaphore, #tpu.memory_space<semaphore_mem>> -> memref<!tpu.dma_semaphore, #tpu.memory_space<semaphore_mem>>
    tpu.enqueue_indirect_dma source(%dma_start3A_14 : memref<1000000x64xf32, #tpu.memory_space<hbm>>) target(%dma_start3A_8 : memref<128x64xf32, #tpu.memory_space<vmem>>) offsets(%dma_start3A_11 : memref<128xi32, #tpu.memory_space<vmem>>) semaphore(%dma_start3A_16 : memref<!tpu.dma_semaphore, #tpu.memory_space<semaphore_mem>>)
    %dma_start3A_17 = arith.constant 1 : i32
    %dma_start3A_18 = arith.constant 1 : i32
    %dma_start3A_19 = arith.constant 1 : i32
    %dma_start3A_20 = arith.constant 0 : i32
    %dma_start3A_21 = arith.constant 0 : i32
    %dma_start3A_22 = tpu.memref_slice %arg8[%dma_start3A_18, %dma_start3A_20, %dma_start3A_21] : memref<4x128x64xf32, #tpu.memory_space<vmem>> -> memref<1x128x64xf32, #tpu.memory_space<vmem>>
    %dma_start3A_23 = tpu.memref_squeeze %dma_start3A_22 : memref<1x128x64xf32, #tpu.memory_space<vmem>> -> memref<128x64xf32, #tpu.memory_space<vmem>>
    %dma_start3A_24 = arith.constant 0 : i32
    %dma_start3A_25 = tpu.memref_slice %arg6[%dma_start3A_17, %dma_start3A_24] : memref<200x128xi32, #tpu.memory_space<vmem>> -> memref<1x128xi32, #tpu.memory_space<vmem>>
    %dma_start3A_26 = tpu.memref_squeeze %dma_start3A_25 : memref<1x128xi32, #tpu.memory_space<vmem>> -> memref<128xi32, #tpu.memory_space<vmem>>
    %dma_start3A_27 = arith.constant 0 : i32
    %dma_start3A_28 = arith.constant 0 : i32
    %dma_start3A_29 = tpu.memref_slice %arg3[%dma_start3A_27, %dma_start3A_28] : memref<1000000x64xf32, #tpu.memory_space<hbm>> -> memref<1000000x64xf32, #tpu.memory_space<hbm>>
    %dma_start3A_30 = tpu.memref_slice %arg10[%dma_start3A_19] : memref<4x!tpu.dma_semaphore, #tpu.memory_space<semaphore_mem>> -> memref<1x!tpu.dma_semaphore, #tpu.memory_space<semaphore_mem>>
    %dma_start3A_31 = tpu.memref_squeeze %dma_start3A_30 : memref<1x!tpu.dma_semaphore, #tpu.memory_space<semaphore_mem>> -> memref<!tpu.dma_semaphore, #tpu.memory_space<semaphore_mem>>
    tpu.enqueue_indirect_dma source(%dma_start3A_29 : memref<1000000x64xf32, #tpu.memory_space<hbm>>) target(%dma_start3A_23 : memref<128x64xf32, #tpu.memory_space<vmem>>) offsets(%dma_start3A_26 : memref<128xi32, #tpu.memory_space<vmem>>) semaphore(%dma_start3A_31 : memref<!tpu.dma_semaphore, #tpu.memory_space<semaphore_mem>>)
    %iota3A = tpu.iota {dimensions = array<i32: 0>} : vector<16xi32>
    %add3A_32 = arith.constant 0 : i32
    %add3A_33 = vector.broadcast %add3A_32 : i32 to vector<16xi32>
    %add3A_34 = arith.addi %iota3A, %add3A_33 : vector<16xi32>
    %jit3A = arith.constant 8 : i32
    %div3A = vector.broadcast %jit3A : i32 to vector<16xi32>
    %div3A_35 = arith.divsi %add3A_34, %div3A : vector<16xi32>
    %sign3A = arith.constant 0 : i32
    %sign3A_36 = vector.broadcast %sign3A : i32 to vector<16xi32>
    %sign3A_37 = arith.cmpi sgt, %add3A_34, %sign3A_36 : vector<16xi32>
    %sign3A_38 = arith.extui %sign3A_37 : vector<16xi1> to vector<16xi32>
    %sign3A_39 = arith.constant 0 : i32
    %sign3A_40 = vector.broadcast %sign3A_39 : i32 to vector<16xi32>
    %sign3A_41 = arith.cmpi slt, %add3A_34, %sign3A_40 : vector<16xi32>
    %sign3A_42 = arith.extui %sign3A_41 : vector<16xi1> to vector<16xi32>
    %sign3A_43 = arith.subi %sign3A_38, %sign3A_42 : vector<16xi32>
    %sign3A_44 = arith.constant 0 : i32
    %sign3A_45 = arith.cmpi sgt, %jit3A, %sign3A_44 : i32
    %sign3A_46 = arith.extui %sign3A_45 : i1 to i32
    %sign3A_47 = arith.constant 0 : i32
    %sign3A_48 = arith.cmpi slt, %jit3A, %sign3A_47 : i32
    %sign3A_49 = arith.extui %sign3A_48 : i1 to i32
    %sign3A_50 = arith.subi %sign3A_46, %sign3A_49 : i32
    %ne3A = vector.broadcast %sign3A_50 : i32 to vector<16xi32>
    %ne3A_51 = arith.cmpi ne, %sign3A_43, %ne3A : vector<16xi32>
    %rem3A = vector.broadcast %jit3A : i32 to vector<16xi32>
    %rem3A_52 = arith.remsi %add3A_34, %rem3A : vector<16xi32>
    %ne3A_53 = arith.constant 0 : i32
    %ne3A_54 = vector.broadcast %ne3A_53 : i32 to vector<16xi32>
    %ne3A_55 = arith.cmpi ne, %rem3A_52, %ne3A_54 : vector<16xi32>
    %and3A = arith.andi %ne3A_51, %ne3A_55 : vector<16xi1>
    %sub3A = arith.constant 1 : i32
    %sub3A_56 = vector.broadcast %sub3A : i32 to vector<16xi32>
    %sub3A_57 = arith.subi %div3A_35, %sub3A_56 : vector<16xi32>
    %select_n3A = arith.select %and3A, %sub3A_57, %div3A_35 : vector<16xi1>, vector<16xi32>
    %add3A_58 = arith.constant 16 : i32
    %add3A_59 = vector.broadcast %add3A_58 : i32 to vector<16xi32>
    %add3A_60 = arith.addi %iota3A, %add3A_59 : vector<16xi32>
    %jit3A_61 = arith.constant 8 : i32
    %div3A_62 = vector.broadcast %jit3A_61 : i32 to vector<16xi32>
    %div3A_63 = arith.divsi %add3A_60, %div3A_62 : vector<16xi32>
    %sign3A_64 = arith.constant 0 : i32
    %sign3A_65 = vector.broadcast %sign3A_64 : i32 to vector<16xi32>
    %sign3A_66 = arith.cmpi sgt, %add3A_60, %sign3A_65 : vector<16xi32>
    %sign3A_67 = arith.extui %sign3A_66 : vector<16xi1> to vector<16xi32>
    %sign3A_68 = arith.constant 0 : i32
    %sign3A_69 = vector.broadcast %sign3A_68 : i32 to vector<16xi32>
    %sign3A_70 = arith.cmpi slt, %add3A_60, %sign3A_69 : vector<16xi32>
    %sign3A_71 = arith.extui %sign3A_70 : vector<16xi1> to vector<16xi32>
    %sign3A_72 = arith.subi %sign3A_67, %sign3A_71 : vector<16xi32>
    %sign3A_73 = arith.constant 0 : i32
    %sign3A_74 = arith.cmpi sgt, %jit3A_61, %sign3A_73 : i32
    %sign3A_75 = arith.extui %sign3A_74 : i1 to i32
    %sign3A_76 = arith.constant 0 : i32
    %sign3A_77 = arith.cmpi slt, %jit3A_61, %sign3A_76 : i32
    %sign3A_78 = arith.extui %sign3A_77 : i1 to i32
    %sign3A_79 = arith.subi %sign3A_75, %sign3A_78 : i32
    %ne3A_80 = vector.broadcast %sign3A_79 : i32 to vector<16xi32>
    %ne3A_81 = arith.cmpi ne, %sign3A_72, %ne3A_80 : vector<16xi32>
    %rem3A_82 = vector.broadcast %jit3A_61 : i32 to vector<16xi32>
    %rem3A_83 = arith.remsi %add3A_60, %rem3A_82 : vector<16xi32>
    %ne3A_84 = arith.constant 0 : i32
    %ne3A_85 = vector.broadcast %ne3A_84 : i32 to vector<16xi32>
    %ne3A_86 = arith.cmpi ne, %rem3A_83, %ne3A_85 : vector<16xi32>
    %and3A_87 = arith.andi %ne3A_81, %ne3A_86 : vector<16xi1>
    %sub3A_88 = arith.constant 1 : i32
    %sub3A_89 = vector.broadcast %sub3A_88 : i32 to vector<16xi32>
    %sub3A_90 = arith.subi %div3A_63, %sub3A_89 : vector<16xi32>
    %select_n3A_91 = arith.select %and3A_87, %sub3A_90, %div3A_63 : vector<16xi1>, vector<16xi32>
    %add3A_92 = arith.constant 32 : i32
    %add3A_93 = vector.broadcast %add3A_92 : i32 to vector<16xi32>
    %add3A_94 = arith.addi %iota3A, %add3A_93 : vector<16xi32>
    %jit3A_95 = arith.constant 8 : i32
    %div3A_96 = vector.broadcast %jit3A_95 : i32 to vector<16xi32>
    %div3A_97 = arith.divsi %add3A_94, %div3A_96 : vector<16xi32>
    %sign3A_98 = arith.constant 0 : i32
    %sign3A_99 = vector.broadcast %sign3A_98 : i32 to vector<16xi32>
    %sign3A_100 = arith.cmpi sgt, %add3A_94, %sign3A_99 : vector<16xi32>
    %sign3A_101 = arith.extui %sign3A_100 : vector<16xi1> to vector<16xi32>
    %sign3A_102 = arith.constant 0 : i32
    %sign3A_103 = vector.broadcast %sign3A_102 : i32 to vector<16xi32>
    %sign3A_104 = arith.cmpi slt, %add3A_94, %sign3A_103 : vector<16xi32>
    %sign3A_105 = arith.extui %sign3A_104 : vector<16xi1> to vector<16xi32>
    %sign3A_106 = arith.subi %sign3A_101, %sign3A_105 : vector<16xi32>
    %sign3A_107 = arith.constant 0 : i32
    %sign3A_108 = arith.cmpi sgt, %jit3A_95, %sign3A_107 : i32
    %sign3A_109 = arith.extui %sign3A_108 : i1 to i32
    %sign3A_110 = arith.constant 0 : i32
    %sign3A_111 = arith.cmpi slt, %jit3A_95, %sign3A_110 : i32
    %sign3A_112 = arith.extui %sign3A_111 : i1 to i32
    %sign3A_113 = arith.subi %sign3A_109, %sign3A_112 : i32
    %ne3A_114 = vector.broadcast %sign3A_113 : i32 to vector<16xi32>
    %ne3A_115 = arith.cmpi ne, %sign3A_106, %ne3A_114 : vector<16xi32>
    %rem3A_116 = vector.broadcast %jit3A_95 : i32 to vector<16xi32>
    %rem3A_117 = arith.remsi %add3A_94, %rem3A_116 : vector<16xi32>
    %ne3A_118 = arith.constant 0 : i32
    %ne3A_119 = vector.broadcast %ne3A_118 : i32 to vector<16xi32>
    %ne3A_120 = arith.cmpi ne, %rem3A_117, %ne3A_119 : vector<16xi32>
    %and3A_121 = arith.andi %ne3A_115, %ne3A_120 : vector<16xi1>
    %sub3A_122 = arith.constant 1 : i32
    %sub3A_123 = vector.broadcast %sub3A_122 : i32 to vector<16xi32>
    %sub3A_124 = arith.subi %div3A_97, %sub3A_123 : vector<16xi32>
    %select_n3A_125 = arith.select %and3A_121, %sub3A_124, %div3A_97 : vector<16xi1>, vector<16xi32>
    %add3A_126 = arith.constant 48 : i32
    %add3A_127 = vector.broadcast %add3A_126 : i32 to vector<16xi32>
    %add3A_128 = arith.addi %iota3A, %add3A_127 : vector<16xi32>
    %jit3A_129 = arith.constant 8 : i32
    %div3A_130 = vector.broadcast %jit3A_129 : i32 to vector<16xi32>
    %div3A_131 = arith.divsi %add3A_128, %div3A_130 : vector<16xi32>
    %sign3A_132 = arith.constant 0 : i32
    %sign3A_133 = vector.broadcast %sign3A_132 : i32 to vector<16xi32>
    %sign3A_134 = arith.cmpi sgt, %add3A_128, %sign3A_133 : vector<16xi32>
    %sign3A_135 = arith.extui %sign3A_134 : vector<16xi1> to vector<16xi32>
    %sign3A_136 = arith.constant 0 : i32
    %sign3A_137 = vector.broadcast %sign3A_136 : i32 to vector<16xi32>
    %sign3A_138 = arith.cmpi slt, %add3A_128, %sign3A_137 : vector<16xi32>
    %sign3A_139 = arith.extui %sign3A_138 : vector<16xi1> to vector<16xi32>
    %sign3A_140 = arith.subi %sign3A_135, %sign3A_139 : vector<16xi32>
    %sign3A_141 = arith.constant 0 : i32
    %sign3A_142 = arith.cmpi sgt, %jit3A_129, %sign3A_141 : i32
    %sign3A_143 = arith.extui %sign3A_142 : i1 to i32
    %sign3A_144 = arith.constant 0 : i32
    %sign3A_145 = arith.cmpi slt, %jit3A_129, %sign3A_144 : i32
    %sign3A_146 = arith.extui %sign3A_145 : i1 to i32
    %sign3A_147 = arith.subi %sign3A_143, %sign3A_146 : i32
    %ne3A_148 = vector.broadcast %sign3A_147 : i32 to vector<16xi32>
    %ne3A_149 = arith.cmpi ne, %sign3A_140, %ne3A_148 : vector<16xi32>
    %rem3A_150 = vector.broadcast %jit3A_129 : i32 to vector<16xi32>
    %rem3A_151 = arith.remsi %add3A_128, %rem3A_150 : vector<16xi32>
    %ne3A_152 = arith.constant 0 : i32
    %ne3A_153 = vector.broadcast %ne3A_152 : i32 to vector<16xi32>
    %ne3A_154 = arith.cmpi ne, %rem3A_151, %ne3A_153 : vector<16xi32>
    %and3A_155 = arith.andi %ne3A_149, %ne3A_154 : vector<16xi1>
    %sub3A_156 = arith.constant 1 : i32
    %sub3A_157 = vector.broadcast %sub3A_156 : i32 to vector<16xi32>
    %sub3A_158 = arith.subi %div3A_131, %sub3A_157 : vector<16xi32>
    %select_n3A_159 = arith.select %and3A_155, %sub3A_158, %div3A_131 : vector<16xi1>, vector<16xi32>
    %add3A_160 = arith.constant 0 : i32
    %add3A_161 = vector.broadcast %add3A_160 : i32 to vector<16xi32>
    %add3A_162 = arith.addi %iota3A, %add3A_161 : vector<16xi32>
    %jit3A_163 = arith.constant 8 : i32
    %eq3A = arith.constant 0 : i32
    %eq3A_164 = arith.cmpi eq, %jit3A_163, %eq3A : i32
    %jit3A_165 = arith.constant 1 : i32
    %select_n3A_166 = arith.select %eq3A_164, %jit3A_165, %jit3A_163 : i32
    %rem3A_167 = vector.broadcast %select_n3A_166 : i32 to vector<16xi32>
    %rem3A_168 = arith.remsi %add3A_162, %rem3A_167 : vector<16xi32>
    %ne3A_169 = arith.constant 0 : i32
    %ne3A_170 = vector.broadcast %ne3A_169 : i32 to vector<16xi32>
    %ne3A_171 = arith.cmpi ne, %rem3A_168, %ne3A_170 : vector<16xi32>
    %lt3A = arith.constant 0 : i32
    %lt3A_172 = vector.broadcast %lt3A : i32 to vector<16xi32>
    %lt3A_173 = arith.cmpi slt, %rem3A_168, %lt3A_172 : vector<16xi32>
    %lt3A_174 = arith.constant 0 : i32
    %lt3A_175 = arith.cmpi slt, %select_n3A_166, %lt3A_174 : i32
    %ne3A_176 = vector.broadcast %lt3A_175 : i1 to vector<16xi1>
    %ne3A_177 = vector.broadcast %ne3A_176 : vector<16xi1> to vector<16xi1>
    %ne3A_178 = arith.xori %lt3A_173, %ne3A_177 : vector<16xi1>
    %and3A_179 = arith.andi %ne3A_178, %ne3A_171 : vector<16xi1>
    %add3A_180 = vector.broadcast %select_n3A_166 : i32 to vector<16xi32>
    %add3A_181 = arith.addi %rem3A_168, %add3A_180 : vector<16xi32>
    %select_n3A_182 = arith.select %and3A_179, %add3A_181, %rem3A_168 : vector<16xi1>, vector<16xi32>
    %add3A_183 = arith.constant 16 : i32
    %add3A_184 = vector.broadcast %add3A_183 : i32 to vector<16xi32>
    %add3A_185 = arith.addi %iota3A, %add3A_184 : vector<16xi32>
    %jit3A_186 = arith.constant 8 : i32
    %eq3A_187 = arith.constant 0 : i32
    %eq3A_188 = arith.cmpi eq, %jit3A_186, %eq3A_187 : i32
    %jit3A_189 = arith.constant 1 : i32
    %select_n3A_190 = arith.select %eq3A_188, %jit3A_189, %jit3A_186 : i32
    %rem3A_191 = vector.broadcast %select_n3A_190 : i32 to vector<16xi32>
    %rem3A_192 = arith.remsi %add3A_185, %rem3A_191 : vector<16xi32>
    %ne3A_193 = arith.constant 0 : i32
    %ne3A_194 = vector.broadcast %ne3A_193 : i32 to vector<16xi32>
    %ne3A_195 = arith.cmpi ne, %rem3A_192, %ne3A_194 : vector<16xi32>
    %lt3A_196 = arith.constant 0 : i32
    %lt3A_197 = vector.broadcast %lt3A_196 : i32 to vector<16xi32>
    %lt3A_198 = arith.cmpi slt, %rem3A_192, %lt3A_197 : vector<16xi32>
    %lt3A_199 = arith.constant 0 : i32
    %lt3A_200 = arith.cmpi slt, %select_n3A_190, %lt3A_199 : i32
    %ne3A_201 = vector.broadcast %lt3A_200 : i1 to vector<16xi1>
    %ne3A_202 = vector.broadcast %ne3A_201 : vector<16xi1> to vector<16xi1>
    %ne3A_203 = arith.xori %lt3A_198, %ne3A_202 : vector<16xi1>
    %and3A_204 = arith.andi %ne3A_203, %ne3A_195 : vector<16xi1>
    %add3A_205 = vector.broadcast %select_n3A_190 : i32 to vector<16xi32>
    %add3A_206 = arith.addi %rem3A_192, %add3A_205 : vector<16xi32>
    %select_n3A_207 = arith.select %and3A_204, %add3A_206, %rem3A_192 : vector<16xi1>, vector<16xi32>
    %add3A_208 = arith.constant 32 : i32
    %add3A_209 = vector.broadcast %add3A_208 : i32 to vector<16xi32>
    %add3A_210 = arith.addi %iota3A, %add3A_209 : vector<16xi32>
    %jit3A_211 = arith.constant 8 : i32
    %eq3A_212 = arith.constant 0 : i32
    %eq3A_213 = arith.cmpi eq, %jit3A_211, %eq3A_212 : i32
    %jit3A_214 = arith.constant 1 : i32
    %select_n3A_215 = arith.select %eq3A_213, %jit3A_214, %jit3A_211 : i32
    %rem3A_216 = vector.broadcast %select_n3A_215 : i32 to vector<16xi32>
    %rem3A_217 = arith.remsi %add3A_210, %rem3A_216 : vector<16xi32>
    %ne3A_218 = arith.constant 0 : i32
    %ne3A_219 = vector.broadcast %ne3A_218 : i32 to vector<16xi32>
    %ne3A_220 = arith.cmpi ne, %rem3A_217, %ne3A_219 : vector<16xi32>
    %lt3A_221 = arith.constant 0 : i32
    %lt3A_222 = vector.broadcast %lt3A_221 : i32 to vector<16xi32>
    %lt3A_223 = arith.cmpi slt, %rem3A_217, %lt3A_222 : vector<16xi32>
    %lt3A_224 = arith.constant 0 : i32
    %lt3A_225 = arith.cmpi slt, %select_n3A_215, %lt3A_224 : i32
    %ne3A_226 = vector.broadcast %lt3A_225 : i1 to vector<16xi1>
    %ne3A_227 = vector.broadcast %ne3A_226 : vector<16xi1> to vector<16xi1>
    %ne3A_228 = arith.xori %lt3A_223, %ne3A_227 : vector<16xi1>
    %and3A_229 = arith.andi %ne3A_228, %ne3A_220 : vector<16xi1>
    %add3A_230 = vector.broadcast %select_n3A_215 : i32 to vector<16xi32>
    %add3A_231 = arith.addi %rem3A_217, %add3A_230 : vector<16xi32>
    %select_n3A_232 = arith.select %and3A_229, %add3A_231, %rem3A_217 : vector<16xi1>, vector<16xi32>
    %add3A_233 = arith.constant 48 : i32
    %add3A_234 = vector.broadcast %add3A_233 : i32 to vector<16xi32>
    %add3A_235 = arith.addi %iota3A, %add3A_234 : vector<16xi32>
    %jit3A_236 = arith.constant 8 : i32
    %eq3A_237 = arith.constant 0 : i32
    %eq3A_238 = arith.cmpi eq, %jit3A_236, %eq3A_237 : i32
    %jit3A_239 = arith.constant 1 : i32
    %select_n3A_240 = arith.select %eq3A_238, %jit3A_239, %jit3A_236 : i32
    %rem3A_241 = vector.broadcast %select_n3A_240 : i32 to vector<16xi32>
    %rem3A_242 = arith.remsi %add3A_235, %rem3A_241 : vector<16xi32>
    %ne3A_243 = arith.constant 0 : i32
    %ne3A_244 = vector.broadcast %ne3A_243 : i32 to vector<16xi32>
    %ne3A_245 = arith.cmpi ne, %rem3A_242, %ne3A_244 : vector<16xi32>
    %lt3A_246 = arith.constant 0 : i32
    %lt3A_247 = vector.broadcast %lt3A_246 : i32 to vector<16xi32>
    %lt3A_248 = arith.cmpi slt, %rem3A_242, %lt3A_247 : vector<16xi32>
    %lt3A_249 = arith.constant 0 : i32
    %lt3A_250 = arith.cmpi slt, %select_n3A_240, %lt3A_249 : i32
    %ne3A_251 = vector.broadcast %lt3A_250 : i1 to vector<16xi1>
    %ne3A_252 = vector.broadcast %ne3A_251 : vector<16xi1> to vector<16xi1>
    %ne3A_253 = arith.xori %lt3A_248, %ne3A_252 : vector<16xi1>
    %and3A_254 = arith.andi %ne3A_253, %ne3A_245 : vector<16xi1>
    %add3A_255 = vector.broadcast %select_n3A_240 : i32 to vector<16xi32>
    %add3A_256 = arith.addi %rem3A_242, %add3A_255 : vector<16xi32>
    %select_n3A_257 = arith.select %and3A_254, %add3A_256, %rem3A_242 : vector<16xi1>, vector<16xi32>
    %scan3A = arith.constant 0 : i32
    %scan3A_258 = arith.constant 0 : i32
    %scan3A_259 = arith.constant 50 : i32
    %scan3A_260 = arith.addi %scan3A_258, %scan3A_259 : i32
    %scan3A_261 = arith.constant 1 : i32
    scf.for %scan3A_362 = %scan3A_258 to %scan3A_260 step %scan3A_261  : i32 {
      %mul3A_363 = arith.constant 4 : i32
      %mul3A_364 = arith.muli %scan3A_362, %mul3A_363 : i32
      %add3A_365 = arith.constant 0 : i32
      %add3A_366 = arith.addi %mul3A_364, %add3A_365 : i32
      %add3A_367 = arith.constant 2 : i32
      %add3A_368 = arith.addi %add3A_366, %add3A_367 : i32
      %lt3A_369 = arith.constant 200 : i32
      %lt3A_370 = arith.cmpi slt, %add3A_368, %lt3A_369 : i32
      %convert_element_type3A = arith.extui %lt3A_370 : i1 to i32
      %cond3A = arith.constant 0 : i32
      %cond3A_371 = arith.cmpi ne, %convert_element_type3A, %cond3A : i32
      scf.if %cond3A_371 {
        %ge3A = arith.constant 4 : i32
        %ge3A_615 = arith.cmpi sge, %add3A_368, %ge3A : i32
        %convert_element_type3A_616 = arith.extui %ge3A_615 : i1 to i32
        %cond3A_617 = arith.constant 0 : i32
        %cond3A_618 = arith.cmpi ne, %convert_element_type3A_616, %cond3A_617 : i32
        scf.if %cond3A_618 {
          %sub3A_633 = arith.constant 4 : i32
          %sub3A_634 = arith.subi %add3A_368, %sub3A_633 : i32
          %dma_wait3A_635 = arith.constant 2 : i32
          %dma_wait3A_636 = arith.constant 2 : i32
          %dma_wait3A_637 = arith.constant 0 : i32
          %dma_wait3A_638 = arith.constant 0 : i32
          %dma_wait3A_639 = arith.constant 0 : i32
          %dma_wait3A_640 = tpu.memref_slice %arg9[%dma_wait3A_635, %dma_wait3A_637, %dma_wait3A_638, %dma_wait3A_639] : memref<4x8x8x129xf32, #tpu.memory_space<vmem>> -> memref<1x8x8x128xf32, #tpu.memory_space<vmem>>
          %dma_wait3A_641 = tpu.memref_squeeze %dma_wait3A_640 : memref<1x8x8x128xf32, #tpu.memory_space<vmem>> -> memref<8x8x128xf32, #tpu.memory_space<vmem>>
          %dma_wait3A_642 = arith.constant 0 : i32
          %dma_wait3A_643 = arith.constant 0 : i32
          %dma_wait3A_644 = arith.constant 0 : i32
          %dma_wait3A_645 = tpu.memref_slice %arg5[%sub3A_634, %dma_wait3A_642, %add3A, %dma_wait3A_643, %dma_wait3A_644] : memref<200x8x32x8x128xf32, #tpu.memory_space<hbm>> -> memref<1x8x1x8x128xf32, #tpu.memory_space<hbm>>
          %dma_wait3A_646 = tpu.memref_squeeze %dma_wait3A_645 : memref<1x8x1x8x128xf32, #tpu.memory_space<hbm>> -> memref<8x8x128xf32, #tpu.memory_space<hbm>>
          %dma_wait3A_647 = tpu.memref_slice %arg11[%dma_wait3A_636] : memref<4x!tpu.dma_semaphore, #tpu.memory_space<semaphore_mem>> -> memref<1x!tpu.dma_semaphore, #tpu.memory_space<semaphore_mem>>
          %dma_wait3A_648 = tpu.memref_squeeze %dma_wait3A_647 : memref<1x!tpu.dma_semaphore, #tpu.memory_space<semaphore_mem>> -> memref<!tpu.dma_semaphore, #tpu.memory_space<semaphore_mem>>
          %dma_wait3A_649 = arith.constant 0 : i32
          %dma_wait3A_650 = arith.constant 0 : i32
          %dma_wait3A_651 = arith.constant 0 : i32
          %dma_wait3A_652 = tpu.memref_slice %arg5[%sub3A_634, %dma_wait3A_649, %add3A, %dma_wait3A_650, %dma_wait3A_651] : memref<200x8x32x8x128xf32, #tpu.memory_space<hbm>> -> memref<1x8x1x8x128xf32, #tpu.memory_space<hbm>>
          %dma_wait3A_653 = tpu.memref_squeeze %dma_wait3A_652 : memref<1x8x1x8x128xf32, #tpu.memory_space<hbm>> -> memref<8x8x128xf32, #tpu.memory_space<hbm>>
          %dma_wait3A_654 = arith.constant 0 : i32
          %dma_wait3A_655 = arith.constant 0 : i32
          %dma_wait3A_656 = arith.constant 0 : i32
          %dma_wait3A_657 = tpu.memref_slice %arg9[%dma_wait3A_635, %dma_wait3A_654, %dma_wait3A_655, %dma_wait3A_656] : memref<4x8x8x129xf32, #tpu.memory_space<vmem>> -> memref<1x8x8x128xf32, #tpu.memory_space<vmem>>
          %dma_wait3A_658 = tpu.memref_squeeze %dma_wait3A_657 : memref<1x8x8x128xf32, #tpu.memory_space<vmem>> -> memref<8x8x128xf32, #tpu.memory_space<vmem>>
          tpu.wait_dma2 semaphore(%dma_wait3A_648 : memref<!tpu.dma_semaphore, #tpu.memory_space<semaphore_mem>>) src(%dma_wait3A_658 : memref<8x8x128xf32, #tpu.memory_space<vmem>>) dst(%dma_wait3A_653 : memref<8x8x128xf32, #tpu.memory_space<hbm>>)
        } else {
        }
        %dma_start3A_619 = arith.constant 2 : i32
        %dma_start3A_620 = arith.constant 2 : i32
        %dma_start3A_621 = arith.constant 0 : i32
        %dma_start3A_622 = arith.constant 0 : i32
        %dma_start3A_623 = tpu.memref_slice %arg8[%dma_start3A_619, %dma_start3A_621, %dma_start3A_622] : memref<4x128x64xf32, #tpu.memory_space<vmem>> -> memref<1x128x64xf32, #tpu.memory_space<vmem>>
        %dma_start3A_624 = tpu.memref_squeeze %dma_start3A_623 : memref<1x128x64xf32, #tpu.memory_space<vmem>> -> memref<128x64xf32, #tpu.memory_space<vmem>>
        %dma_start3A_625 = arith.constant 0 : i32
        %dma_start3A_626 = tpu.memref_slice %arg6[%add3A_368, %dma_start3A_625] : memref<200x128xi32, #tpu.memory_space<vmem>> -> memref<1x128xi32, #tpu.memory_space<vmem>>
        %dma_start3A_627 = tpu.memref_squeeze %dma_start3A_626 : memref<1x128xi32, #tpu.memory_space<vmem>> -> memref<128xi32, #tpu.memory_space<vmem>>
        %dma_start3A_628 = arith.constant 0 : i32
        %dma_start3A_629 = arith.constant 0 : i32
        %dma_start3A_630 = tpu.memref_slice %arg3[%dma_start3A_628, %dma_start3A_629] : memref<1000000x64xf32, #tpu.memory_space<hbm>> -> memref<1000000x64xf32, #tpu.memory_space<hbm>>
        %dma_start3A_631 = tpu.memref_slice %arg10[%dma_start3A_620] : memref<4x!tpu.dma_semaphore, #tpu.memory_space<semaphore_mem>> -> memref<1x!tpu.dma_semaphore, #tpu.memory_space<semaphore_mem>>
        %dma_start3A_632 = tpu.memref_squeeze %dma_start3A_631 : memref<1x!tpu.dma_semaphore, #tpu.memory_space<semaphore_mem>> -> memref<!tpu.dma_semaphore, #tpu.memory_space<semaphore_mem>>
        tpu.enqueue_indirect_dma source(%dma_start3A_630 : memref<1000000x64xf32, #tpu.memory_space<hbm>>) target(%dma_start3A_624 : memref<128x64xf32, #tpu.memory_space<vmem>>) offsets(%dma_start3A_627 : memref<128xi32, #tpu.memory_space<vmem>>) semaphore(%dma_start3A_632 : memref<!tpu.dma_semaphore, #tpu.memory_space<semaphore_mem>>)
      } else {
      }
      %dma_wait3A_372 = arith.constant 0 : i32
      %dma_wait3A_373 = arith.constant 0 : i32
      %dma_wait3A_374 = arith.constant 0 : i32
      %dma_wait3A_375 = arith.constant 0 : i32
      %dma_wait3A_376 = tpu.memref_slice %arg8[%dma_wait3A_372, %dma_wait3A_374, %dma_wait3A_375] : memref<4x128x64xf32, #tpu.memory_space<vmem>> -> memref<1x128x64xf32, #tpu.memory_space<vmem>>
      %dma_wait3A_377 = tpu.memref_squeeze %dma_wait3A_376 : memref<1x128x64xf32, #tpu.memory_space<vmem>> -> memref<128x64xf32, #tpu.memory_space<vmem>>
      %dma_wait3A_378 = arith.constant 0 : i32
      %dma_wait3A_379 = tpu.memref_slice %arg6[%add3A_366, %dma_wait3A_378] : memref<200x128xi32, #tpu.memory_space<vmem>> -> memref<1x128xi32, #tpu.memory_space<vmem>>
      %dma_wait3A_380 = tpu.memref_squeeze %dma_wait3A_379 : memref<1x128xi32, #tpu.memory_space<vmem>> -> memref<128xi32, #tpu.memory_space<vmem>>
      %dma_wait3A_381 = arith.constant 0 : i32
      %dma_wait3A_382 = arith.constant 0 : i32
      %dma_wait3A_383 = tpu.memref_slice %arg3[%dma_wait3A_381, %dma_wait3A_382] : memref<1000000x64xf32, #tpu.memory_space<hbm>> -> memref<1000000x64xf32, #tpu.memory_space<hbm>>
      %dma_wait3A_384 = tpu.memref_slice %arg10[%dma_wait3A_373] : memref<4x!tpu.dma_semaphore, #tpu.memory_space<semaphore_mem>> -> memref<1x!tpu.dma_semaphore, #tpu.memory_space<semaphore_mem>>
      %dma_wait3A_385 = tpu.memref_squeeze %dma_wait3A_384 : memref<1x!tpu.dma_semaphore, #tpu.memory_space<semaphore_mem>> -> memref<!tpu.dma_semaphore, #tpu.memory_space<semaphore_mem>>
      tpu.wait_indirect_dma semaphore(%dma_wait3A_385 : memref<!tpu.dma_semaphore, #tpu.memory_space<semaphore_mem>>) src(%dma_wait3A_383 : memref<1000000x64xf32, #tpu.memory_space<hbm>>) dst(%dma_wait3A_377 : memref<128x64xf32, #tpu.memory_space<vmem>>)
      %get3A = arith.index_cast %add3A_366 : i32 to index
      %get3A_386 = arith.constant 0 : index
      %get3A_387 = tpu.vector_load %arg7[%get3A, %get3A_386] {strides = array<i32>} : memref<200x64xf32, #tpu.memory_space<vmem>>, vector<16xf32>,
      %get3A_388 = arith.index_cast %add3A_366 : i32 to index
      %get3A_389 = arith.constant 16 : index
      %get3A_390 = tpu.vector_load %arg7[%get3A_388, %get3A_389] {strides = array<i32>} : memref<200x64xf32, #tpu.memory_space<vmem>>, vector<16xf32>,
      %get3A_391 = arith.index_cast %add3A_366 : i32 to index
      %get3A_392 = arith.constant 32 : index
      %get3A_393 = tpu.vector_load %arg7[%get3A_391, %get3A_392] {strides = array<i32>} : memref<200x64xf32, #tpu.memory_space<vmem>>, vector<16xf32>,
      %get3A_394 = arith.index_cast %add3A_366 : i32 to index
      %get3A_395 = arith.constant 48 : index
      %get3A_396 = tpu.vector_load %arg7[%get3A_394, %get3A_395] {strides = array<i32>} : memref<200x64xf32, #tpu.memory_space<vmem>>, vector<16xf32>,
      %parallel_loop3A = arith.constant 0 : i32
      %parallel_loop3A_397 = arith.constant 128 : i32
      %parallel_loop3A_398 = arith.constant 1 : i32
      scf.for %parallel_loop3A_615 = %parallel_loop3A to %parallel_loop3A_397 step %parallel_loop3A_398  : i32 {
        %parallel_loop3A_616 = vector.broadcast %parallel_loop3A_615 : i32 to vector<16xi32>
        %parallel_loop3A_617 = arith.constant 0 : i32
        %parallel_loop3A_618 = arith.index_cast %parallel_loop3A_617 : i32 to index
        %parallel_loop3A_619 = arith.index_cast %parallel_loop3A_615 : i32 to index
        %parallel_loop3A_620 = arith.constant 0 : index
        %parallel_loop3A_621 = tpu.vector_load %arg8[%parallel_loop3A_618, %parallel_loop3A_619, %parallel_loop3A_620] {strides = array<i32>} : memref<4x128x64xf32, #tpu.memory_space<vmem>>, vector<16xf32>,
        %parallel_loop3A_622 = arith.addf %parallel_loop3A_621, %get3A_387 : vector<16xf32>
        %parallel_loop3A_623 = arith.constant 0 : i32
        %parallel_loop3A_624 = arith.constant 0 : i32
        %parallel_loop3A_625 = arith.constant 0 : i32
        %parallel_loop3A_626 = arith.constant 0 : i32
        %parallel_loop3A_627 = tpu.memref_slice %arg9[%parallel_loop3A_623, %parallel_loop3A_624, %parallel_loop3A_625, %parallel_loop3A_626] : memref<4x8x8x129xf32, #tpu.memory_space<vmem>> -> memref<1x8x8x129xf32, #tpu.memory_space<vmem>>
        %parallel_loop3A_628 = tpu.memref_squeeze %parallel_loop3A_627 : memref<1x8x8x129xf32, #tpu.memory_space<vmem>> -> memref<8x8x129xf32, #tpu.memory_space<vmem>>
        tpu.vector_store_idx %parallel_loop3A_628[%select_n3A, %select_n3A_182, %parallel_loop3A_616], %parallel_loop3A_622 : memref<8x8x129xf32, #tpu.memory_space<vmem>>[vector<16xi32>, vector<16xi32>, vector<16xi32>], vector<16xf32>,
        %parallel_loop3A_629 = arith.constant 0 : i32
        %parallel_loop3A_630 = arith.index_cast %parallel_loop3A_629 : i32 to index
        %parallel_loop3A_631 = arith.index_cast %parallel_loop3A_615 : i32 to index
        %parallel_loop3A_632 = arith.constant 16 : index
        %parallel_loop3A_633 = tpu.vector_load %arg8[%parallel_loop3A_630, %parallel_loop3A_631, %parallel_loop3A_632] {strides = array<i32>} : memref<4x128x64xf32, #tpu.memory_space<vmem>>, vector<16xf32>,
        %parallel_loop3A_634 = arith.addf %parallel_loop3A_633, %get3A_390 : vector<16xf32>
        %parallel_loop3A_635 = arith.constant 0 : i32
        %parallel_loop3A_636 = arith.constant 0 : i32
        %parallel_loop3A_637 = arith.constant 0 : i32
        %parallel_loop3A_638 = arith.constant 0 : i32
        %parallel_loop3A_639 = tpu.memref_slice %arg9[%parallel_loop3A_635, %parallel_loop3A_636, %parallel_loop3A_637, %parallel_loop3A_638] : memref<4x8x8x129xf32, #tpu.memory_space<vmem>> -> memref<1x8x8x129xf32, #tpu.memory_space<vmem>>
        %parallel_loop3A_640 = tpu.memref_squeeze %parallel_loop3A_639 : memref<1x8x8x129xf32, #tpu.memory_space<vmem>> -> memref<8x8x129xf32, #tpu.memory_space<vmem>>
        tpu.vector_store_idx %parallel_loop3A_640[%select_n3A_91, %select_n3A_207, %parallel_loop3A_616], %parallel_loop3A_634 : memref<8x8x129xf32, #tpu.memory_space<vmem>>[vector<16xi32>, vector<16xi32>, vector<16xi32>], vector<16xf32>,
        %parallel_loop3A_641 = arith.constant 0 : i32
        %parallel_loop3A_642 = arith.index_cast %parallel_loop3A_641 : i32 to index
        %parallel_loop3A_643 = arith.index_cast %parallel_loop3A_615 : i32 to index
        %parallel_loop3A_644 = arith.constant 32 : index
        %parallel_loop3A_645 = tpu.vector_load %arg8[%parallel_loop3A_642, %parallel_loop3A_643, %parallel_loop3A_644] {strides = array<i32>} : memref<4x128x64xf32, #tpu.memory_space<vmem>>, vector<16xf32>,
        %parallel_loop3A_646 = arith.addf %parallel_loop3A_645, %get3A_393 : vector<16xf32>
        %parallel_loop3A_647 = arith.constant 0 : i32
        %parallel_loop3A_648 = arith.constant 0 : i32
        %parallel_loop3A_649 = arith.constant 0 : i32
        %parallel_loop3A_650 = arith.constant 0 : i32
        %parallel_loop3A_651 = tpu.memref_slice %arg9[%parallel_loop3A_647, %parallel_loop3A_648, %parallel_loop3A_649, %parallel_loop3A_650] : memref<4x8x8x129xf32, #tpu.memory_space<vmem>> -> memref<1x8x8x129xf32, #tpu.memory_space<vmem>>
        %parallel_loop3A_652 = tpu.memref_squeeze %parallel_loop3A_651 : memref<1x8x8x129xf32, #tpu.memory_space<vmem>> -> memref<8x8x129xf32, #tpu.memory_space<vmem>>
        tpu.vector_store_idx %parallel_loop3A_652[%select_n3A_125, %select_n3A_232, %parallel_loop3A_616], %parallel_loop3A_646 : memref<8x8x129xf32, #tpu.memory_space<vmem>>[vector<16xi32>, vector<16xi32>, vector<16xi32>], vector<16xf32>,
        %parallel_loop3A_653 = arith.constant 0 : i32
        %parallel_loop3A_654 = arith.index_cast %parallel_loop3A_653 : i32 to index
        %parallel_loop3A_655 = arith.index_cast %parallel_loop3A_615 : i32 to index
        %parallel_loop3A_656 = arith.constant 48 : index
        %parallel_loop3A_657 = tpu.vector_load %arg8[%parallel_loop3A_654, %parallel_loop3A_655, %parallel_loop3A_656] {strides = array<i32>} : memref<4x128x64xf32, #tpu.memory_space<vmem>>, vector<16xf32>,
        %parallel_loop3A_658 = arith.addf %parallel_loop3A_657, %get3A_396 : vector<16xf32>
        %parallel_loop3A_659 = arith.constant 0 : i32
        %parallel_loop3A_660 = arith.constant 0 : i32
        %parallel_loop3A_661 = arith.constant 0 : i32
        %parallel_loop3A_662 = arith.constant 0 : i32
        %parallel_loop3A_663 = tpu.memref_slice %arg9[%parallel_loop3A_659, %parallel_loop3A_660, %parallel_loop3A_661, %parallel_loop3A_662] : memref<4x8x8x129xf32, #tpu.memory_space<vmem>> -> memref<1x8x8x129xf32, #tpu.memory_space<vmem>>
        %parallel_loop3A_664 = tpu.memref_squeeze %parallel_loop3A_663 : memref<1x8x8x129xf32, #tpu.memory_space<vmem>> -> memref<8x8x129xf32, #tpu.memory_space<vmem>>
        tpu.vector_store_idx %parallel_loop3A_664[%select_n3A_159, %select_n3A_257, %parallel_loop3A_616], %parallel_loop3A_658 : memref<8x8x129xf32, #tpu.memory_space<vmem>>[vector<16xi32>, vector<16xi32>, vector<16xi32>], vector<16xf32>,
      } {sc.loop_unroll_factor = 4 : i64, sc.parallel_access}
      %dma_start3A_399 = arith.constant 0 : i32
      %dma_start3A_400 = arith.constant 0 : i32
      %dma_start3A_401 = arith.constant 0 : i32
      %dma_start3A_402 = arith.constant 0 : i32
      %dma_start3A_403 = arith.constant 0 : i32
      %dma_start3A_404 = tpu.memref_slice %arg9[%dma_start3A_399, %dma_start3A_401, %dma_start3A_402, %dma_start3A_403] : memref<4x8x8x129xf32, #tpu.memory_space<vmem>> -> memref<1x8x8x128xf32, #tpu.memory_space<vmem>>
      %dma_start3A_405 = tpu.memref_squeeze %dma_start3A_404 : memref<1x8x8x128xf32, #tpu.memory_space<vmem>> -> memref<8x8x128xf32, #tpu.memory_space<vmem>>
      %dma_start3A_406 = arith.constant 0 : i32
      %dma_start3A_407 = arith.constant 0 : i32
      %dma_start3A_408 = arith.constant 0 : i32
      %dma_start3A_409 = tpu.memref_slice %arg5[%add3A_366, %dma_start3A_406, %add3A, %dma_start3A_407, %dma_start3A_408] : memref<200x8x32x8x128xf32, #tpu.memory_space<hbm>> -> memref<1x8x1x8x128xf32, #tpu.memory_space<hbm>>
      %dma_start3A_410 = tpu.memref_squeeze %dma_start3A_409 : memref<1x8x1x8x128xf32, #tpu.memory_space<hbm>> -> memref<8x8x128xf32, #tpu.memory_space<hbm>>
      %dma_start3A_411 = tpu.memref_slice %arg11[%dma_start3A_400] : memref<4x!tpu.dma_semaphore, #tpu.memory_space<semaphore_mem>> -> memref<1x!tpu.dma_semaphore, #tpu.memory_space<semaphore_mem>>
      %dma_start3A_412 = tpu.memref_squeeze %dma_start3A_411 : memref<1x!tpu.dma_semaphore, #tpu.memory_space<semaphore_mem>> -> memref<!tpu.dma_semaphore, #tpu.memory_space<semaphore_mem>>
      %dma_start3A_413 = arith.constant 0 : i32
      %dma_start3A_414 = arith.constant 0 : i32
      %dma_start3A_415 = arith.constant 0 : i32
      %dma_start3A_416 = tpu.memref_slice %arg5[%add3A_366, %dma_start3A_413, %add3A, %dma_start3A_414, %dma_start3A_415] : memref<200x8x32x8x128xf32, #tpu.memory_space<hbm>> -> memref<1x8x1x8x128xf32, #tpu.memory_space<hbm>>
      %dma_start3A_417 = tpu.memref_squeeze %dma_start3A_416 : memref<1x8x1x8x128xf32, #tpu.memory_space<hbm>> -> memref<8x8x128xf32, #tpu.memory_space<hbm>>
      %dma_start3A_418 = arith.constant 0 : i32
      %dma_start3A_419 = arith.constant 0 : i32
      %dma_start3A_420 = arith.constant 0 : i32
      %dma_start3A_421 = tpu.memref_slice %arg9[%dma_start3A_399, %dma_start3A_418, %dma_start3A_419, %dma_start3A_420] : memref<4x8x8x129xf32, #tpu.memory_space<vmem>> -> memref<1x8x8x128xf32, #tpu.memory_space<vmem>>
      %dma_start3A_422 = tpu.memref_squeeze %dma_start3A_421 : memref<1x8x8x128xf32, #tpu.memory_space<vmem>> -> memref<8x8x128xf32, #tpu.memory_space<vmem>>
      tpu.enqueue_dma source(%dma_start3A_422 : memref<8x8x128xf32, #tpu.memory_space<vmem>>) target(%dma_start3A_417 : memref<8x8x128xf32, #tpu.memory_space<hbm>>) target_semaphore(%dma_start3A_412 : memref<!tpu.dma_semaphore, #tpu.memory_space<semaphore_mem>>)
      %mul3A_423 = arith.constant 4 : i32
      %mul3A_424 = arith.muli %scan3A_362, %mul3A_423 : i32
      %add3A_425 = arith.constant 1 : i32
      %add3A_426 = arith.addi %mul3A_424, %add3A_425 : i32
      %add3A_427 = arith.constant 2 : i32
      %add3A_428 = arith.addi %add3A_426, %add3A_427 : i32
      %lt3A_429 = arith.constant 200 : i32
      %lt3A_430 = arith.cmpi slt, %add3A_428, %lt3A_429 : i32
      %convert_element_type3A_431 = arith.extui %lt3A_430 : i1 to i32
      %cond3A_432 = arith.constant 0 : i32
      %cond3A_433 = arith.cmpi ne, %convert_element_type3A_431, %cond3A_432 : i32
      scf.if %cond3A_433 {
        %ge3A = arith.constant 4 : i32
        %ge3A_615 = arith.cmpi sge, %add3A_428, %ge3A : i32
        %convert_element_type3A_616 = arith.extui %ge3A_615 : i1 to i32
        %cond3A_617 = arith.constant 0 : i32
        %cond3A_618 = arith.cmpi ne, %convert_element_type3A_616, %cond3A_617 : i32
        scf.if %cond3A_618 {
          %sub3A_633 = arith.constant 4 : i32
          %sub3A_634 = arith.subi %add3A_428, %sub3A_633 : i32
          %dma_wait3A_635 = arith.constant 3 : i32
          %dma_wait3A_636 = arith.constant 3 : i32
          %dma_wait3A_637 = arith.constant 0 : i32
          %dma_wait3A_638 = arith.constant 0 : i32
          %dma_wait3A_639 = arith.constant 0 : i32
          %dma_wait3A_640 = tpu.memref_slice %arg9[%dma_wait3A_635, %dma_wait3A_637, %dma_wait3A_638, %dma_wait3A_639] : memref<4x8x8x129xf32, #tpu.memory_space<vmem>> -> memref<1x8x8x128xf32, #tpu.memory_space<vmem>>
          %dma_wait3A_641 = tpu.memref_squeeze %dma_wait3A_640 : memref<1x8x8x128xf32, #tpu.memory_space<vmem>> -> memref<8x8x128xf32, #tpu.memory_space<vmem>>
          %dma_wait3A_642 = arith.constant 0 : i32
          %dma_wait3A_643 = arith.constant 0 : i32
          %dma_wait3A_644 = arith.constant 0 : i32
          %dma_wait3A_645 = tpu.memref_slice %arg5[%sub3A_634, %dma_wait3A_642, %add3A, %dma_wait3A_643, %dma_wait3A_644] : memref<200x8x32x8x128xf32, #tpu.memory_space<hbm>> -> memref<1x8x1x8x128xf32, #tpu.memory_space<hbm>>
          %dma_wait3A_646 = tpu.memref_squeeze %dma_wait3A_645 : memref<1x8x1x8x128xf32, #tpu.memory_space<hbm>> -> memref<8x8x128xf32, #tpu.memory_space<hbm>>
          %dma_wait3A_647 = tpu.memref_slice %arg11[%dma_wait3A_636] : memref<4x!tpu.dma_semaphore, #tpu.memory_space<semaphore_mem>> -> memref<1x!tpu.dma_semaphore, #tpu.memory_space<semaphore_mem>>
          %dma_wait3A_648 = tpu.memref_squeeze %dma_wait3A_647 : memref<1x!tpu.dma_semaphore, #tpu.memory_space<semaphore_mem>> -> memref<!tpu.dma_semaphore, #tpu.memory_space<semaphore_mem>>
          %dma_wait3A_649 = arith.constant 0 : i32
          %dma_wait3A_650 = arith.constant 0 : i32
          %dma_wait3A_651 = arith.constant 0 : i32
          %dma_wait3A_652 = tpu.memref_slice %arg5[%sub3A_634, %dma_wait3A_649, %add3A, %dma_wait3A_650, %dma_wait3A_651] : memref<200x8x32x8x128xf32, #tpu.memory_space<hbm>> -> memref<1x8x1x8x128xf32, #tpu.memory_space<hbm>>
          %dma_wait3A_653 = tpu.memref_squeeze %dma_wait3A_652 : memref<1x8x1x8x128xf32, #tpu.memory_space<hbm>> -> memref<8x8x128xf32, #tpu.memory_space<hbm>>
          %dma_wait3A_654 = arith.constant 0 : i32
          %dma_wait3A_655 = arith.constant 0 : i32
          %dma_wait3A_656 = arith.constant 0 : i32
          %dma_wait3A_657 = tpu.memref_slice %arg9[%dma_wait3A_635, %dma_wait3A_654, %dma_wait3A_655, %dma_wait3A_656] : memref<4x8x8x129xf32, #tpu.memory_space<vmem>> -> memref<1x8x8x128xf32, #tpu.memory_space<vmem>>
          %dma_wait3A_658 = tpu.memref_squeeze %dma_wait3A_657 : memref<1x8x8x128xf32, #tpu.memory_space<vmem>> -> memref<8x8x128xf32, #tpu.memory_space<vmem>>
          tpu.wait_dma2 semaphore(%dma_wait3A_648 : memref<!tpu.dma_semaphore, #tpu.memory_space<semaphore_mem>>) src(%dma_wait3A_658 : memref<8x8x128xf32, #tpu.memory_space<vmem>>) dst(%dma_wait3A_653 : memref<8x8x128xf32, #tpu.memory_space<hbm>>)
        } else {
        }
        %dma_start3A_619 = arith.constant 3 : i32
        %dma_start3A_620 = arith.constant 3 : i32
        %dma_start3A_621 = arith.constant 0 : i32
        %dma_start3A_622 = arith.constant 0 : i32
        %dma_start3A_623 = tpu.memref_slice %arg8[%dma_start3A_619, %dma_start3A_621, %dma_start3A_622] : memref<4x128x64xf32, #tpu.memory_space<vmem>> -> memref<1x128x64xf32, #tpu.memory_space<vmem>>
        %dma_start3A_624 = tpu.memref_squeeze %dma_start3A_623 : memref<1x128x64xf32, #tpu.memory_space<vmem>> -> memref<128x64xf32, #tpu.memory_space<vmem>>
        %dma_start3A_625 = arith.constant 0 : i32
        %dma_start3A_626 = tpu.memref_slice %arg6[%add3A_428, %dma_start3A_625] : memref<200x128xi32, #tpu.memory_space<vmem>> -> memref<1x128xi32, #tpu.memory_space<vmem>>
        %dma_start3A_627 = tpu.memref_squeeze %dma_start3A_626 : memref<1x128xi32, #tpu.memory_space<vmem>> -> memref<128xi32, #tpu.memory_space<vmem>>
        %dma_start3A_628 = arith.constant 0 : i32
        %dma_start3A_629 = arith.constant 0 : i32
        %dma_start3A_630 = tpu.memref_slice %arg3[%dma_start3A_628, %dma_start3A_629] : memref<1000000x64xf32, #tpu.memory_space<hbm>> -> memref<1000000x64xf32, #tpu.memory_space<hbm>>
        %dma_start3A_631 = tpu.memref_slice %arg10[%dma_start3A_620] : memref<4x!tpu.dma_semaphore, #tpu.memory_space<semaphore_mem>> -> memref<1x!tpu.dma_semaphore, #tpu.memory_space<semaphore_mem>>
        %dma_start3A_632 = tpu.memref_squeeze %dma_start3A_631 : memref<1x!tpu.dma_semaphore, #tpu.memory_space<semaphore_mem>> -> memref<!tpu.dma_semaphore, #tpu.memory_space<semaphore_mem>>
        tpu.enqueue_indirect_dma source(%dma_start3A_630 : memref<1000000x64xf32, #tpu.memory_space<hbm>>) target(%dma_start3A_624 : memref<128x64xf32, #tpu.memory_space<vmem>>) offsets(%dma_start3A_627 : memref<128xi32, #tpu.memory_space<vmem>>) semaphore(%dma_start3A_632 : memref<!tpu.dma_semaphore, #tpu.memory_space<semaphore_mem>>)
      } else {
      }
      %dma_wait3A_434 = arith.constant 1 : i32
      %dma_wait3A_435 = arith.constant 1 : i32
      %dma_wait3A_436 = arith.constant 0 : i32
      %dma_wait3A_437 = arith.constant 0 : i32
      %dma_wait3A_438 = tpu.memref_slice %arg8[%dma_wait3A_434, %dma_wait3A_436, %dma_wait3A_437] : memref<4x128x64xf32, #tpu.memory_space<vmem>> -> memref<1x128x64xf32, #tpu.memory_space<vmem>>
      %dma_wait3A_439 = tpu.memref_squeeze %dma_wait3A_438 : memref<1x128x64xf32, #tpu.memory_space<vmem>> -> memref<128x64xf32, #tpu.memory_space<vmem>>
      %dma_wait3A_440 = arith.constant 0 : i32
      %dma_wait3A_441 = tpu.memref_slice %arg6[%add3A_426, %dma_wait3A_440] : memref<200x128xi32, #tpu.memory_space<vmem>> -> memref<1x128xi32, #tpu.memory_space<vmem>>
      %dma_wait3A_442 = tpu.memref_squeeze %dma_wait3A_441 : memref<1x128xi32, #tpu.memory_space<vmem>> -> memref<128xi32, #tpu.memory_space<vmem>>
      %dma_wait3A_443 = arith.constant 0 : i32
      %dma_wait3A_444 = arith.constant 0 : i32
      %dma_wait3A_445 = tpu.memref_slice %arg3[%dma_wait3A_443, %dma_wait3A_444] : memref<1000000x64xf32, #tpu.memory_space<hbm>> -> memref<1000000x64xf32, #tpu.memory_space<hbm>>
      %dma_wait3A_446 = tpu.memref_slice %arg10[%dma_wait3A_435] : memref<4x!tpu.dma_semaphore, #tpu.memory_space<semaphore_mem>> -> memref<1x!tpu.dma_semaphore, #tpu.memory_space<semaphore_mem>>
      %dma_wait3A_447 = tpu.memref_squeeze %dma_wait3A_446 : memref<1x!tpu.dma_semaphore, #tpu.memory_space<semaphore_mem>> -> memref<!tpu.dma_semaphore, #tpu.memory_space<semaphore_mem>>
      tpu.wait_indirect_dma semaphore(%dma_wait3A_447 : memref<!tpu.dma_semaphore, #tpu.memory_space<semaphore_mem>>) src(%dma_wait3A_445 : memref<1000000x64xf32, #tpu.memory_space<hbm>>) dst(%dma_wait3A_439 : memref<128x64xf32, #tpu.memory_space<vmem>>)
      %get3A_448 = arith.index_cast %add3A_426 : i32 to index
      %get3A_449 = arith.constant 0 : index
      %get3A_450 = tpu.vector_load %arg7[%get3A_448, %get3A_449] {strides = array<i32>} : memref<200x64xf32, #tpu.memory_space<vmem>>, vector<16xf32>,
      %get3A_451 = arith.index_cast %add3A_426 : i32 to index
      %get3A_452 = arith.constant 16 : index
      %get3A_453 = tpu.vector_load %arg7[%get3A_451, %get3A_452] {strides = array<i32>} : memref<200x64xf32, #tpu.memory_space<vmem>>, vector<16xf32>,
      %get3A_454 = arith.index_cast %add3A_426 : i32 to index
      %get3A_455 = arith.constant 32 : index
      %get3A_456 = tpu.vector_load %arg7[%get3A_454, %get3A_455] {strides = array<i32>} : memref<200x64xf32, #tpu.memory_space<vmem>>, vector<16xf32>,
      %get3A_457 = arith.index_cast %add3A_426 : i32 to index
      %get3A_458 = arith.constant 48 : index
      %get3A_459 = tpu.vector_load %arg7[%get3A_457, %get3A_458] {strides = array<i32>} : memref<200x64xf32, #tpu.memory_space<vmem>>, vector<16xf32>,
      %parallel_loop3A_460 = arith.constant 0 : i32
      %parallel_loop3A_461 = arith.constant 128 : i32
      %parallel_loop3A_462 = arith.constant 1 : i32
      scf.for %parallel_loop3A_615 = %parallel_loop3A_460 to %parallel_loop3A_461 step %parallel_loop3A_462  : i32 {
        %parallel_loop3A_616 = vector.broadcast %parallel_loop3A_615 : i32 to vector<16xi32>
        %parallel_loop3A_617 = arith.constant 1 : i32
        %parallel_loop3A_618 = arith.index_cast %parallel_loop3A_617 : i32 to index
        %parallel_loop3A_619 = arith.index_cast %parallel_loop3A_615 : i32 to index
        %parallel_loop3A_620 = arith.constant 0 : index
        %parallel_loop3A_621 = tpu.vector_load %arg8[%parallel_loop3A_618, %parallel_loop3A_619, %parallel_loop3A_620] {strides = array<i32>} : memref<4x128x64xf32, #tpu.memory_space<vmem>>, vector<16xf32>,
        %parallel_loop3A_622 = arith.addf %parallel_loop3A_621, %get3A_450 : vector<16xf32>
        %parallel_loop3A_623 = arith.constant 1 : i32
        %parallel_loop3A_624 = arith.constant 0 : i32
        %parallel_loop3A_625 = arith.constant 0 : i32
        %parallel_loop3A_626 = arith.constant 0 : i32
        %parallel_loop3A_627 = tpu.memref_slice %arg9[%parallel_loop3A_623, %parallel_loop3A_624, %parallel_loop3A_625, %parallel_loop3A_626] : memref<4x8x8x129xf32, #tpu.memory_space<vmem>> -> memref<1x8x8x129xf32, #tpu.memory_space<vmem>>
        %parallel_loop3A_628 = tpu.memref_squeeze %parallel_loop3A_627 : memref<1x8x8x129xf32, #tpu.memory_space<vmem>> -> memref<8x8x129xf32, #tpu.memory_space<vmem>>
        tpu.vector_store_idx %parallel_loop3A_628[%select_n3A, %select_n3A_182, %parallel_loop3A_616], %parallel_loop3A_622 : memref<8x8x129xf32, #tpu.memory_space<vmem>>[vector<16xi32>, vector<16xi32>, vector<16xi32>], vector<16xf32>,
        %parallel_loop3A_629 = arith.constant 1 : i32
        %parallel_loop3A_630 = arith.index_cast %parallel_loop3A_629 : i32 to index
        %parallel_loop3A_631 = arith.index_cast %parallel_loop3A_615 : i32 to index
        %parallel_loop3A_632 = arith.constant 16 : index
        %parallel_loop3A_633 = tpu.vector_load %arg8[%parallel_loop3A_630, %parallel_loop3A_631, %parallel_loop3A_632] {strides = array<i32>} : memref<4x128x64xf32, #tpu.memory_space<vmem>>, vector<16xf32>,
        %parallel_loop3A_634 = arith.addf %parallel_loop3A_633, %get3A_453 : vector<16xf32>
        %parallel_loop3A_635 = arith.constant 1 : i32
        %parallel_loop3A_636 = arith.constant 0 : i32
        %parallel_loop3A_637 = arith.constant 0 : i32
        %parallel_loop3A_638 = arith.constant 0 : i32
        %parallel_loop3A_639 = tpu.memref_slice %arg9[%parallel_loop3A_635, %parallel_loop3A_636, %parallel_loop3A_637, %parallel_loop3A_638] : memref<4x8x8x129xf32, #tpu.memory_space<vmem>> -> memref<1x8x8x129xf32, #tpu.memory_space<vmem>>
        %parallel_loop3A_640 = tpu.memref_squeeze %parallel_loop3A_639 : memref<1x8x8x129xf32, #tpu.memory_space<vmem>> -> memref<8x8x129xf32, #tpu.memory_space<vmem>>
        tpu.vector_store_idx %parallel_loop3A_640[%select_n3A_91, %select_n3A_207, %parallel_loop3A_616], %parallel_loop3A_634 : memref<8x8x129xf32, #tpu.memory_space<vmem>>[vector<16xi32>, vector<16xi32>, vector<16xi32>], vector<16xf32>,
        %parallel_loop3A_641 = arith.constant 1 : i32
        %parallel_loop3A_642 = arith.index_cast %parallel_loop3A_641 : i32 to index
        %parallel_loop3A_643 = arith.index_cast %parallel_loop3A_615 : i32 to index
        %parallel_loop3A_644 = arith.constant 32 : index
        %parallel_loop3A_645 = tpu.vector_load %arg8[%parallel_loop3A_642, %parallel_loop3A_643, %parallel_loop3A_644] {strides = array<i32>} : memref<4x128x64xf32, #tpu.memory_space<vmem>>, vector<16xf32>,
        %parallel_loop3A_646 = arith.addf %parallel_loop3A_645, %get3A_456 : vector<16xf32>
        %parallel_loop3A_647 = arith.constant 1 : i32
        %parallel_loop3A_648 = arith.constant 0 : i32
        %parallel_loop3A_649 = arith.constant 0 : i32
        %parallel_loop3A_650 = arith.constant 0 : i32
        %parallel_loop3A_651 = tpu.memref_slice %arg9[%parallel_loop3A_647, %parallel_loop3A_648, %parallel_loop3A_649, %parallel_loop3A_650] : memref<4x8x8x129xf32, #tpu.memory_space<vmem>> -> memref<1x8x8x129xf32, #tpu.memory_space<vmem>>
        %parallel_loop3A_652 = tpu.memref_squeeze %parallel_loop3A_651 : memref<1x8x8x129xf32, #tpu.memory_space<vmem>> -> memref<8x8x129xf32, #tpu.memory_space<vmem>>
        tpu.vector_store_idx %parallel_loop3A_652[%select_n3A_125, %select_n3A_232, %parallel_loop3A_616], %parallel_loop3A_646 : memref<8x8x129xf32, #tpu.memory_space<vmem>>[vector<16xi32>, vector<16xi32>, vector<16xi32>], vector<16xf32>,
        %parallel_loop3A_653 = arith.constant 1 : i32
        %parallel_loop3A_654 = arith.index_cast %parallel_loop3A_653 : i32 to index
        %parallel_loop3A_655 = arith.index_cast %parallel_loop3A_615 : i32 to index
        %parallel_loop3A_656 = arith.constant 48 : index
        %parallel_loop3A_657 = tpu.vector_load %arg8[%parallel_loop3A_654, %parallel_loop3A_655, %parallel_loop3A_656] {strides = array<i32>} : memref<4x128x64xf32, #tpu.memory_space<vmem>>, vector<16xf32>,
        %parallel_loop3A_658 = arith.addf %parallel_loop3A_657, %get3A_459 : vector<16xf32>
        %parallel_loop3A_659 = arith.constant 1 : i32
        %parallel_loop3A_660 = arith.constant 0 : i32
        %parallel_loop3A_661 = arith.constant 0 : i32
        %parallel_loop3A_662 = arith.constant 0 : i32
        %parallel_loop3A_663 = tpu.memref_slice %arg9[%parallel_loop3A_659, %parallel_loop3A_660, %parallel_loop3A_661, %parallel_loop3A_662] : memref<4x8x8x129xf32, #tpu.memory_space<vmem>> -> memref<1x8x8x129xf32, #tpu.memory_space<vmem>>
        %parallel_loop3A_664 = tpu.memref_squeeze %parallel_loop3A_663 : memref<1x8x8x129xf32, #tpu.memory_space<vmem>> -> memref<8x8x129xf32, #tpu.memory_space<vmem>>
        tpu.vector_store_idx %parallel_loop3A_664[%select_n3A_159, %select_n3A_257, %parallel_loop3A_616], %parallel_loop3A_658 : memref<8x8x129xf32, #tpu.memory_space<vmem>>[vector<16xi32>, vector<16xi32>, vector<16xi32>], vector<16xf32>,
      } {sc.loop_unroll_factor = 4 : i64, sc.parallel_access}
      %dma_start3A_463 = arith.constant 1 : i32
      %dma_start3A_464 = arith.constant 1 : i32
      %dma_start3A_465 = arith.constant 0 : i32
      %dma_start3A_466 = arith.constant 0 : i32
      %dma_start3A_467 = arith.constant 0 : i32
      %dma_start3A_468 = tpu.memref_slice %arg9[%dma_start3A_463, %dma_start3A_465, %dma_start3A_466, %dma_start3A_467] : memref<4x8x8x129xf32, #tpu.memory_space<vmem>> -> memref<1x8x8x128xf32, #tpu.memory_space<vmem>>
      %dma_start3A_469 = tpu.memref_squeeze %dma_start3A_468 : memref<1x8x8x128xf32, #tpu.memory_space<vmem>> -> memref<8x8x128xf32, #tpu.memory_space<vmem>>
      %dma_start3A_470 = arith.constant 0 : i32
      %dma_start3A_471 = arith.constant 0 : i32
      %dma_start3A_472 = arith.constant 0 : i32
      %dma_start3A_473 = tpu.memref_slice %arg5[%add3A_426, %dma_start3A_470, %add3A, %dma_start3A_471, %dma_start3A_472] : memref<200x8x32x8x128xf32, #tpu.memory_space<hbm>> -> memref<1x8x1x8x128xf32, #tpu.memory_space<hbm>>
      %dma_start3A_474 = tpu.memref_squeeze %dma_start3A_473 : memref<1x8x1x8x128xf32, #tpu.memory_space<hbm>> -> memref<8x8x128xf32, #tpu.memory_space<hbm>>
      %dma_start3A_475 = tpu.memref_slice %arg11[%dma_start3A_464] : memref<4x!tpu.dma_semaphore, #tpu.memory_space<semaphore_mem>> -> memref<1x!tpu.dma_semaphore, #tpu.memory_space<semaphore_mem>>
      %dma_start3A_476 = tpu.memref_squeeze %dma_start3A_475 : memref<1x!tpu.dma_semaphore, #tpu.memory_space<semaphore_mem>> -> memref<!tpu.dma_semaphore, #tpu.memory_space<semaphore_mem>>
      %dma_start3A_477 = arith.constant 0 : i32
      %dma_start3A_478 = arith.constant 0 : i32
      %dma_start3A_479 = arith.constant 0 : i32
      %dma_start3A_480 = tpu.memref_slice %arg5[%add3A_426, %dma_start3A_477, %add3A, %dma_start3A_478, %dma_start3A_479] : memref<200x8x32x8x128xf32, #tpu.memory_space<hbm>> -> memref<1x8x1x8x128xf32, #tpu.memory_space<hbm>>
      %dma_start3A_481 = tpu.memref_squeeze %dma_start3A_480 : memref<1x8x1x8x128xf32, #tpu.memory_space<hbm>> -> memref<8x8x128xf32, #tpu.memory_space<hbm>>
      %dma_start3A_482 = arith.constant 0 : i32
      %dma_start3A_483 = arith.constant 0 : i32
      %dma_start3A_484 = arith.constant 0 : i32
      %dma_start3A_485 = tpu.memref_slice %arg9[%dma_start3A_463, %dma_start3A_482, %dma_start3A_483, %dma_start3A_484] : memref<4x8x8x129xf32, #tpu.memory_space<vmem>> -> memref<1x8x8x128xf32, #tpu.memory_space<vmem>>
      %dma_start3A_486 = tpu.memref_squeeze %dma_start3A_485 : memref<1x8x8x128xf32, #tpu.memory_space<vmem>> -> memref<8x8x128xf32, #tpu.memory_space<vmem>>
      tpu.enqueue_dma source(%dma_start3A_486 : memref<8x8x128xf32, #tpu.memory_space<vmem>>) target(%dma_start3A_481 : memref<8x8x128xf32, #tpu.memory_space<hbm>>) target_semaphore(%dma_start3A_476 : memref<!tpu.dma_semaphore, #tpu.memory_space<semaphore_mem>>)
      %mul3A_487 = arith.constant 4 : i32
      %mul3A_488 = arith.muli %scan3A_362, %mul3A_487 : i32
      %add3A_489 = arith.constant 2 : i32
      %add3A_490 = arith.addi %mul3A_488, %add3A_489 : i32
      %add3A_491 = arith.constant 2 : i32
      %add3A_492 = arith.addi %add3A_490, %add3A_491 : i32
      %lt3A_493 = arith.constant 200 : i32
      %lt3A_494 = arith.cmpi slt, %add3A_492, %lt3A_493 : i32
      %convert_element_type3A_495 = arith.extui %lt3A_494 : i1 to i32
      %cond3A_496 = arith.constant 0 : i32
      %cond3A_497 = arith.cmpi ne, %convert_element_type3A_495, %cond3A_496 : i32
      scf.if %cond3A_497 {
        %ge3A = arith.constant 4 : i32
        %ge3A_615 = arith.cmpi sge, %add3A_492, %ge3A : i32
        %convert_element_type3A_616 = arith.extui %ge3A_615 : i1 to i32
        %cond3A_617 = arith.constant 0 : i32
        %cond3A_618 = arith.cmpi ne, %convert_element_type3A_616, %cond3A_617 : i32
        scf.if %cond3A_618 {
          %sub3A_633 = arith.constant 4 : i32
          %sub3A_634 = arith.subi %add3A_492, %sub3A_633 : i32
          %dma_wait3A_635 = arith.constant 0 : i32
          %dma_wait3A_636 = arith.constant 0 : i32
          %dma_wait3A_637 = arith.constant 0 : i32
          %dma_wait3A_638 = arith.constant 0 : i32
          %dma_wait3A_639 = arith.constant 0 : i32
          %dma_wait3A_640 = tpu.memref_slice %arg9[%dma_wait3A_635, %dma_wait3A_637, %dma_wait3A_638, %dma_wait3A_639] : memref<4x8x8x129xf32, #tpu.memory_space<vmem>> -> memref<1x8x8x128xf32, #tpu.memory_space<vmem>>
          %dma_wait3A_641 = tpu.memref_squeeze %dma_wait3A_640 : memref<1x8x8x128xf32, #tpu.memory_space<vmem>> -> memref<8x8x128xf32, #tpu.memory_space<vmem>>
          %dma_wait3A_642 = arith.constant 0 : i32
          %dma_wait3A_643 = arith.constant 0 : i32
          %dma_wait3A_644 = arith.constant 0 : i32
          %dma_wait3A_645 = tpu.memref_slice %arg5[%sub3A_634, %dma_wait3A_642, %add3A, %dma_wait3A_643, %dma_wait3A_644] : memref<200x8x32x8x128xf32, #tpu.memory_space<hbm>> -> memref<1x8x1x8x128xf32, #tpu.memory_space<hbm>>
          %dma_wait3A_646 = tpu.memref_squeeze %dma_wait3A_645 : memref<1x8x1x8x128xf32, #tpu.memory_space<hbm>> -> memref<8x8x128xf32, #tpu.memory_space<hbm>>
          %dma_wait3A_647 = tpu.memref_slice %arg11[%dma_wait3A_636] : memref<4x!tpu.dma_semaphore, #tpu.memory_space<semaphore_mem>> -> memref<1x!tpu.dma_semaphore, #tpu.memory_space<semaphore_mem>>
          %dma_wait3A_648 = tpu.memref_squeeze %dma_wait3A_647 : memref<1x!tpu.dma_semaphore, #tpu.memory_space<semaphore_mem>> -> memref<!tpu.dma_semaphore, #tpu.memory_space<semaphore_mem>>
          %dma_wait3A_649 = arith.constant 0 : i32
          %dma_wait3A_650 = arith.constant 0 : i32
          %dma_wait3A_651 = arith.constant 0 : i32
          %dma_wait3A_652 = tpu.memref_slice %arg5[%sub3A_634, %dma_wait3A_649, %add3A, %dma_wait3A_650, %dma_wait3A_651] : memref<200x8x32x8x128xf32, #tpu.memory_space<hbm>> -> memref<1x8x1x8x128xf32, #tpu.memory_space<hbm>>
          %dma_wait3A_653 = tpu.memref_squeeze %dma_wait3A_652 : memref<1x8x1x8x128xf32, #tpu.memory_space<hbm>> -> memref<8x8x128xf32, #tpu.memory_space<hbm>>
          %dma_wait3A_654 = arith.constant 0 : i32
          %dma_wait3A_655 = arith.constant 0 : i32
          %dma_wait3A_656 = arith.constant 0 : i32
          %dma_wait3A_657 = tpu.memref_slice %arg9[%dma_wait3A_635, %dma_wait3A_654, %dma_wait3A_655, %dma_wait3A_656] : memref<4x8x8x129xf32, #tpu.memory_space<vmem>> -> memref<1x8x8x128xf32, #tpu.memory_space<vmem>>
          %dma_wait3A_658 = tpu.memref_squeeze %dma_wait3A_657 : memref<1x8x8x128xf32, #tpu.memory_space<vmem>> -> memref<8x8x128xf32, #tpu.memory_space<vmem>>
          tpu.wait_dma2 semaphore(%dma_wait3A_648 : memref<!tpu.dma_semaphore, #tpu.memory_space<semaphore_mem>>) src(%dma_wait3A_658 : memref<8x8x128xf32, #tpu.memory_space<vmem>>) dst(%dma_wait3A_653 : memref<8x8x128xf32, #tpu.memory_space<hbm>>)
        } else {
        }
        %dma_start3A_619 = arith.constant 0 : i32
        %dma_start3A_620 = arith.constant 0 : i32
        %dma_start3A_621 = arith.constant 0 : i32
        %dma_start3A_622 = arith.constant 0 : i32
        %dma_start3A_623 = tpu.memref_slice %arg8[%dma_start3A_619, %dma_start3A_621, %dma_start3A_622] : memref<4x128x64xf32, #tpu.memory_space<vmem>> -> memref<1x128x64xf32, #tpu.memory_space<vmem>>
        %dma_start3A_624 = tpu.memref_squeeze %dma_start3A_623 : memref<1x128x64xf32, #tpu.memory_space<vmem>> -> memref<128x64xf32, #tpu.memory_space<vmem>>
        %dma_start3A_625 = arith.constant 0 : i32
        %dma_start3A_626 = tpu.memref_slice %arg6[%add3A_492, %dma_start3A_625] : memref<200x128xi32, #tpu.memory_space<vmem>> -> memref<1x128xi32, #tpu.memory_space<vmem>>
        %dma_start3A_627 = tpu.memref_squeeze %dma_start3A_626 : memref<1x128xi32, #tpu.memory_space<vmem>> -> memref<128xi32, #tpu.memory_space<vmem>>
        %dma_start3A_628 = arith.constant 0 : i32
        %dma_start3A_629 = arith.constant 0 : i32
        %dma_start3A_630 = tpu.memref_slice %arg3[%dma_start3A_628, %dma_start3A_629] : memref<1000000x64xf32, #tpu.memory_space<hbm>> -> memref<1000000x64xf32, #tpu.memory_space<hbm>>
        %dma_start3A_631 = tpu.memref_slice %arg10[%dma_start3A_620] : memref<4x!tpu.dma_semaphore, #tpu.memory_space<semaphore_mem>> -> memref<1x!tpu.dma_semaphore, #tpu.memory_space<semaphore_mem>>
        %dma_start3A_632 = tpu.memref_squeeze %dma_start3A_631 : memref<1x!tpu.dma_semaphore, #tpu.memory_space<semaphore_mem>> -> memref<!tpu.dma_semaphore, #tpu.memory_space<semaphore_mem>>
        tpu.enqueue_indirect_dma source(%dma_start3A_630 : memref<1000000x64xf32, #tpu.memory_space<hbm>>) target(%dma_start3A_624 : memref<128x64xf32, #tpu.memory_space<vmem>>) offsets(%dma_start3A_627 : memref<128xi32, #tpu.memory_space<vmem>>) semaphore(%dma_start3A_632 : memref<!tpu.dma_semaphore, #tpu.memory_space<semaphore_mem>>)
      } else {
      }
      %dma_wait3A_498 = arith.constant 2 : i32
      %dma_wait3A_499 = arith.constant 2 : i32
      %dma_wait3A_500 = arith.constant 0 : i32
      %dma_wait3A_501 = arith.constant 0 : i32
      %dma_wait3A_502 = tpu.memref_slice %arg8[%dma_wait3A_498, %dma_wait3A_500, %dma_wait3A_501] : memref<4x128x64xf32, #tpu.memory_space<vmem>> -> memref<1x128x64xf32, #tpu.memory_space<vmem>>
      %dma_wait3A_503 = tpu.memref_squeeze %dma_wait3A_502 : memref<1x128x64xf32, #tpu.memory_space<vmem>> -> memref<128x64xf32, #tpu.memory_space<vmem>>
      %dma_wait3A_504 = arith.constant 0 : i32
      %dma_wait3A_505 = tpu.memref_slice %arg6[%add3A_490, %dma_wait3A_504] : memref<200x128xi32, #tpu.memory_space<vmem>> -> memref<1x128xi32, #tpu.memory_space<vmem>>
      %dma_wait3A_506 = tpu.memref_squeeze %dma_wait3A_505 : memref<1x128xi32, #tpu.memory_space<vmem>> -> memref<128xi32, #tpu.memory_space<vmem>>
      %dma_wait3A_507 = arith.constant 0 : i32
      %dma_wait3A_508 = arith.constant 0 : i32
      %dma_wait3A_509 = tpu.memref_slice %arg3[%dma_wait3A_507, %dma_wait3A_508] : memref<1000000x64xf32, #tpu.memory_space<hbm>> -> memref<1000000x64xf32, #tpu.memory_space<hbm>>
      %dma_wait3A_510 = tpu.memref_slice %arg10[%dma_wait3A_499] : memref<4x!tpu.dma_semaphore, #tpu.memory_space<semaphore_mem>> -> memref<1x!tpu.dma_semaphore, #tpu.memory_space<semaphore_mem>>
      %dma_wait3A_511 = tpu.memref_squeeze %dma_wait3A_510 : memref<1x!tpu.dma_semaphore, #tpu.memory_space<semaphore_mem>> -> memref<!tpu.dma_semaphore, #tpu.memory_space<semaphore_mem>>
      tpu.wait_indirect_dma semaphore(%dma_wait3A_511 : memref<!tpu.dma_semaphore, #tpu.memory_space<semaphore_mem>>) src(%dma_wait3A_509 : memref<1000000x64xf32, #tpu.memory_space<hbm>>) dst(%dma_wait3A_503 : memref<128x64xf32, #tpu.memory_space<vmem>>)
      %get3A_512 = arith.index_cast %add3A_490 : i32 to index
      %get3A_513 = arith.constant 0 : index
      %get3A_514 = tpu.vector_load %arg7[%get3A_512, %get3A_513] {strides = array<i32>} : memref<200x64xf32, #tpu.memory_space<vmem>>, vector<16xf32>,
      %get3A_515 = arith.index_cast %add3A_490 : i32 to index
      %get3A_516 = arith.constant 16 : index
      %get3A_517 = tpu.vector_load %arg7[%get3A_515, %get3A_516] {strides = array<i32>} : memref<200x64xf32, #tpu.memory_space<vmem>>, vector<16xf32>,
      %get3A_518 = arith.index_cast %add3A_490 : i32 to index
      %get3A_519 = arith.constant 32 : index
      %get3A_520 = tpu.vector_load %arg7[%get3A_518, %get3A_519] {strides = array<i32>} : memref<200x64xf32, #tpu.memory_space<vmem>>, vector<16xf32>,
      %get3A_521 = arith.index_cast %add3A_490 : i32 to index
      %get3A_522 = arith.constant 48 : index
      %get3A_523 = tpu.vector_load %arg7[%get3A_521, %get3A_522] {strides = array<i32>} : memref<200x64xf32, #tpu.memory_space<vmem>>, vector<16xf32>,
      %parallel_loop3A_524 = arith.constant 0 : i32
      %parallel_loop3A_525 = arith.constant 128 : i32
      %parallel_loop3A_526 = arith.constant 1 : i32
      scf.for %parallel_loop3A_615 = %parallel_loop3A_524 to %parallel_loop3A_525 step %parallel_loop3A_526  : i32 {
        %parallel_loop3A_616 = vector.broadcast %parallel_loop3A_615 : i32 to vector<16xi32>
        %parallel_loop3A_617 = arith.constant 2 : i32
        %parallel_loop3A_618 = arith.index_cast %parallel_loop3A_617 : i32 to index
        %parallel_loop3A_619 = arith.index_cast %parallel_loop3A_615 : i32 to index
        %parallel_loop3A_620 = arith.constant 0 : index
        %parallel_loop3A_621 = tpu.vector_load %arg8[%parallel_loop3A_618, %parallel_loop3A_619, %parallel_loop3A_620] {strides = array<i32>} : memref<4x128x64xf32, #tpu.memory_space<vmem>>, vector<16xf32>,
        %parallel_loop3A_622 = arith.addf %parallel_loop3A_621, %get3A_514 : vector<16xf32>
        %parallel_loop3A_623 = arith.constant 2 : i32
        %parallel_loop3A_624 = arith.constant 0 : i32
        %parallel_loop3A_625 = arith.constant 0 : i32
        %parallel_loop3A_626 = arith.constant 0 : i32
        %parallel_loop3A_627 = tpu.memref_slice %arg9[%parallel_loop3A_623, %parallel_loop3A_624, %parallel_loop3A_625, %parallel_loop3A_626] : memref<4x8x8x129xf32, #tpu.memory_space<vmem>> -> memref<1x8x8x129xf32, #tpu.memory_space<vmem>>
        %parallel_loop3A_628 = tpu.memref_squeeze %parallel_loop3A_627 : memref<1x8x8x129xf32, #tpu.memory_space<vmem>> -> memref<8x8x129xf32, #tpu.memory_space<vmem>>
        tpu.vector_store_idx %parallel_loop3A_628[%select_n3A, %select_n3A_182, %parallel_loop3A_616], %parallel_loop3A_622 : memref<8x8x129xf32, #tpu.memory_space<vmem>>[vector<16xi32>, vector<16xi32>, vector<16xi32>], vector<16xf32>,
        %parallel_loop3A_629 = arith.constant 2 : i32
        %parallel_loop3A_630 = arith.index_cast %parallel_loop3A_629 : i32 to index
        %parallel_loop3A_631 = arith.index_cast %parallel_loop3A_615 : i32 to index
        %parallel_loop3A_632 = arith.constant 16 : index
        %parallel_loop3A_633 = tpu.vector_load %arg8[%parallel_loop3A_630, %parallel_loop3A_631, %parallel_loop3A_632] {strides = array<i32>} : memref<4x128x64xf32, #tpu.memory_space<vmem>>, vector<16xf32>,
        %parallel_loop3A_634 = arith.addf %parallel_loop3A_633, %get3A_517 : vector<16xf32>
        %parallel_loop3A_635 = arith.constant 2 : i32
        %parallel_loop3A_636 = arith.constant 0 : i32
        %parallel_loop3A_637 = arith.constant 0 : i32
        %parallel_loop3A_638 = arith.constant 0 : i32
        %parallel_loop3A_639 = tpu.memref_slice %arg9[%parallel_loop3A_635, %parallel_loop3A_636, %parallel_loop3A_637, %parallel_loop3A_638] : memref<4x8x8x129xf32, #tpu.memory_space<vmem>> -> memref<1x8x8x129xf32, #tpu.memory_space<vmem>>
        %parallel_loop3A_640 = tpu.memref_squeeze %parallel_loop3A_639 : memref<1x8x8x129xf32, #tpu.memory_space<vmem>> -> memref<8x8x129xf32, #tpu.memory_space<vmem>>
        tpu.vector_store_idx %parallel_loop3A_640[%select_n3A_91, %select_n3A_207, %parallel_loop3A_616], %parallel_loop3A_634 : memref<8x8x129xf32, #tpu.memory_space<vmem>>[vector<16xi32>, vector<16xi32>, vector<16xi32>], vector<16xf32>,
        %parallel_loop3A_641 = arith.constant 2 : i32
        %parallel_loop3A_642 = arith.index_cast %parallel_loop3A_641 : i32 to index
        %parallel_loop3A_643 = arith.index_cast %parallel_loop3A_615 : i32 to index
        %parallel_loop3A_644 = arith.constant 32 : index
        %parallel_loop3A_645 = tpu.vector_load %arg8[%parallel_loop3A_642, %parallel_loop3A_643, %parallel_loop3A_644] {strides = array<i32>} : memref<4x128x64xf32, #tpu.memory_space<vmem>>, vector<16xf32>,
        %parallel_loop3A_646 = arith.addf %parallel_loop3A_645, %get3A_520 : vector<16xf32>
        %parallel_loop3A_647 = arith.constant 2 : i32
        %parallel_loop3A_648 = arith.constant 0 : i32
        %parallel_loop3A_649 = arith.constant 0 : i32
        %parallel_loop3A_650 = arith.constant 0 : i32
        %parallel_loop3A_651 = tpu.memref_slice %arg9[%parallel_loop3A_647, %parallel_loop3A_648, %parallel_loop3A_649, %parallel_loop3A_650] : memref<4x8x8x129xf32, #tpu.memory_space<vmem>> -> memref<1x8x8x129xf32, #tpu.memory_space<vmem>>
        %parallel_loop3A_652 = tpu.memref_squeeze %parallel_loop3A_651 : memref<1x8x8x129xf32, #tpu.memory_space<vmem>> -> memref<8x8x129xf32, #tpu.memory_space<vmem>>
        tpu.vector_store_idx %parallel_loop3A_652[%select_n3A_125, %select_n3A_232, %parallel_loop3A_616], %parallel_loop3A_646 : memref<8x8x129xf32, #tpu.memory_space<vmem>>[vector<16xi32>, vector<16xi32>, vector<16xi32>], vector<16xf32>,
        %parallel_loop3A_653 = arith.constant 2 : i32
        %parallel_loop3A_654 = arith.index_cast %parallel_loop3A_653 : i32 to index
        %parallel_loop3A_655 = arith.index_cast %parallel_loop3A_615 : i32 to index
        %parallel_loop3A_656 = arith.constant 48 : index
        %parallel_loop3A_657 = tpu.vector_load %arg8[%parallel_loop3A_654, %parallel_loop3A_655, %parallel_loop3A_656] {strides = array<i32>} : memref<4x128x64xf32, #tpu.memory_space<vmem>>, vector<16xf32>,
        %parallel_loop3A_658 = arith.addf %parallel_loop3A_657, %get3A_523 : vector<16xf32>
        %parallel_loop3A_659 = arith.constant 2 : i32
        %parallel_loop3A_660 = arith.constant 0 : i32
        %parallel_loop3A_661 = arith.constant 0 : i32
        %parallel_loop3A_662 = arith.constant 0 : i32
        %parallel_loop3A_663 = tpu.memref_slice %arg9[%parallel_loop3A_659, %parallel_loop3A_660, %parallel_loop3A_661, %parallel_loop3A_662] : memref<4x8x8x129xf32, #tpu.memory_space<vmem>> -> memref<1x8x8x129xf32, #tpu.memory_space<vmem>>
        %parallel_loop3A_664 = tpu.memref_squeeze %parallel_loop3A_663 : memref<1x8x8x129xf32, #tpu.memory_space<vmem>> -> memref<8x8x129xf32, #tpu.memory_space<vmem>>
        tpu.vector_store_idx %parallel_loop3A_664[%select_n3A_159, %select_n3A_257, %parallel_loop3A_616], %parallel_loop3A_658 : memref<8x8x129xf32, #tpu.memory_space<vmem>>[vector<16xi32>, vector<16xi32>, vector<16xi32>], vector<16xf32>,
      } {sc.loop_unroll_factor = 4 : i64, sc.parallel_access}
      %dma_start3A_527 = arith.constant 2 : i32
      %dma_start3A_528 = arith.constant 2 : i32
      %dma_start3A_529 = arith.constant 0 : i32
      %dma_start3A_530 = arith.constant 0 : i32
      %dma_start3A_531 = arith.constant 0 : i32
      %dma_start3A_532 = tpu.memref_slice %arg9[%dma_start3A_527, %dma_start3A_529, %dma_start3A_530, %dma_start3A_531] : memref<4x8x8x129xf32, #tpu.memory_space<vmem>> -> memref<1x8x8x128xf32, #tpu.memory_space<vmem>>
      %dma_start3A_533 = tpu.memref_squeeze %dma_start3A_532 : memref<1x8x8x128xf32, #tpu.memory_space<vmem>> -> memref<8x8x128xf32, #tpu.memory_space<vmem>>
      %dma_start3A_534 = arith.constant 0 : i32
      %dma_start3A_535 = arith.constant 0 : i32
      %dma_start3A_536 = arith.constant 0 : i32
      %dma_start3A_537 = tpu.memref_slice %arg5[%add3A_490, %dma_start3A_534, %add3A, %dma_start3A_535, %dma_start3A_536] : memref<200x8x32x8x128xf32, #tpu.memory_space<hbm>> -> memref<1x8x1x8x128xf32, #tpu.memory_space<hbm>>
      %dma_start3A_538 = tpu.memref_squeeze %dma_start3A_537 : memref<1x8x1x8x128xf32, #tpu.memory_space<hbm>> -> memref<8x8x128xf32, #tpu.memory_space<hbm>>
      %dma_start3A_539 = tpu.memref_slice %arg11[%dma_start3A_528] : memref<4x!tpu.dma_semaphore, #tpu.memory_space<semaphore_mem>> -> memref<1x!tpu.dma_semaphore, #tpu.memory_space<semaphore_mem>>
      %dma_start3A_540 = tpu.memref_squeeze %dma_start3A_539 : memref<1x!tpu.dma_semaphore, #tpu.memory_space<semaphore_mem>> -> memref<!tpu.dma_semaphore, #tpu.memory_space<semaphore_mem>>
      %dma_start3A_541 = arith.constant 0 : i32
      %dma_start3A_542 = arith.constant 0 : i32
      %dma_start3A_543 = arith.constant 0 : i32
      %dma_start3A_544 = tpu.memref_slice %arg5[%add3A_490, %dma_start3A_541, %add3A, %dma_start3A_542, %dma_start3A_543] : memref<200x8x32x8x128xf32, #tpu.memory_space<hbm>> -> memref<1x8x1x8x128xf32, #tpu.memory_space<hbm>>
      %dma_start3A_545 = tpu.memref_squeeze %dma_start3A_544 : memref<1x8x1x8x128xf32, #tpu.memory_space<hbm>> -> memref<8x8x128xf32, #tpu.memory_space<hbm>>
      %dma_start3A_546 = arith.constant 0 : i32
      %dma_start3A_547 = arith.constant 0 : i32
      %dma_start3A_548 = arith.constant 0 : i32
      %dma_start3A_549 = tpu.memref_slice %arg9[%dma_start3A_527, %dma_start3A_546, %dma_start3A_547, %dma_start3A_548] : memref<4x8x8x129xf32, #tpu.memory_space<vmem>> -> memref<1x8x8x128xf32, #tpu.memory_space<vmem>>
      %dma_start3A_550 = tpu.memref_squeeze %dma_start3A_549 : memref<1x8x8x128xf32, #tpu.memory_space<vmem>> -> memref<8x8x128xf32, #tpu.memory_space<vmem>>
      tpu.enqueue_dma source(%dma_start3A_550 : memref<8x8x128xf32, #tpu.memory_space<vmem>>) target(%dma_start3A_545 : memref<8x8x128xf32, #tpu.memory_space<hbm>>) target_semaphore(%dma_start3A_540 : memref<!tpu.dma_semaphore, #tpu.memory_space<semaphore_mem>>)
      %mul3A_551 = arith.constant 4 : i32
      %mul3A_552 = arith.muli %scan3A_362, %mul3A_551 : i32
      %add3A_553 = arith.constant 3 : i32
      %add3A_554 = arith.addi %mul3A_552, %add3A_553 : i32
      %add3A_555 = arith.constant 2 : i32
      %add3A_556 = arith.addi %add3A_554, %add3A_555 : i32
      %lt3A_557 = arith.constant 200 : i32
      %lt3A_558 = arith.cmpi slt, %add3A_556, %lt3A_557 : i32
      %convert_element_type3A_559 = arith.extui %lt3A_558 : i1 to i32
      %cond3A_560 = arith.constant 0 : i32
      %cond3A_561 = arith.cmpi ne, %convert_element_type3A_559, %cond3A_560 : i32
      scf.if %cond3A_561 {
        %ge3A = arith.constant 4 : i32
        %ge3A_615 = arith.cmpi sge, %add3A_556, %ge3A : i32
        %convert_element_type3A_616 = arith.extui %ge3A_615 : i1 to i32
        %cond3A_617 = arith.constant 0 : i32
        %cond3A_618 = arith.cmpi ne, %convert_element_type3A_616, %cond3A_617 : i32
        scf.if %cond3A_618 {
          %sub3A_633 = arith.constant 4 : i32
          %sub3A_634 = arith.subi %add3A_556, %sub3A_633 : i32
          %dma_wait3A_635 = arith.constant 1 : i32
          %dma_wait3A_636 = arith.constant 1 : i32
          %dma_wait3A_637 = arith.constant 0 : i32
          %dma_wait3A_638 = arith.constant 0 : i32
          %dma_wait3A_639 = arith.constant 0 : i32
          %dma_wait3A_640 = tpu.memref_slice %arg9[%dma_wait3A_635, %dma_wait3A_637, %dma_wait3A_638, %dma_wait3A_639] : memref<4x8x8x129xf32, #tpu.memory_space<vmem>> -> memref<1x8x8x128xf32, #tpu.memory_space<vmem>>
          %dma_wait3A_641 = tpu.memref_squeeze %dma_wait3A_640 : memref<1x8x8x128xf32, #tpu.memory_space<vmem>> -> memref<8x8x128xf32, #tpu.memory_space<vmem>>
          %dma_wait3A_642 = arith.constant 0 : i32
          %dma_wait3A_643 = arith.constant 0 : i32
          %dma_wait3A_644 = arith.constant 0 : i32
          %dma_wait3A_645 = tpu.memref_slice %arg5[%sub3A_634, %dma_wait3A_642, %add3A, %dma_wait3A_643, %dma_wait3A_644] : memref<200x8x32x8x128xf32, #tpu.memory_space<hbm>> -> memref<1x8x1x8x128xf32, #tpu.memory_space<hbm>>
          %dma_wait3A_646 = tpu.memref_squeeze %dma_wait3A_645 : memref<1x8x1x8x128xf32, #tpu.memory_space<hbm>> -> memref<8x8x128xf32, #tpu.memory_space<hbm>>
          %dma_wait3A_647 = tpu.memref_slice %arg11[%dma_wait3A_636] : memref<4x!tpu.dma_semaphore, #tpu.memory_space<semaphore_mem>> -> memref<1x!tpu.dma_semaphore, #tpu.memory_space<semaphore_mem>>
          %dma_wait3A_648 = tpu.memref_squeeze %dma_wait3A_647 : memref<1x!tpu.dma_semaphore, #tpu.memory_space<semaphore_mem>> -> memref<!tpu.dma_semaphore, #tpu.memory_space<semaphore_mem>>
          %dma_wait3A_649 = arith.constant 0 : i32
          %dma_wait3A_650 = arith.constant 0 : i32
          %dma_wait3A_651 = arith.constant 0 : i32
          %dma_wait3A_652 = tpu.memref_slice %arg5[%sub3A_634, %dma_wait3A_649, %add3A, %dma_wait3A_650, %dma_wait3A_651] : memref<200x8x32x8x128xf32, #tpu.memory_space<hbm>> -> memref<1x8x1x8x128xf32, #tpu.memory_space<hbm>>
          %dma_wait3A_653 = tpu.memref_squeeze %dma_wait3A_652 : memref<1x8x1x8x128xf32, #tpu.memory_space<hbm>> -> memref<8x8x128xf32, #tpu.memory_space<hbm>>
          %dma_wait3A_654 = arith.constant 0 : i32
          %dma_wait3A_655 = arith.constant 0 : i32
          %dma_wait3A_656 = arith.constant 0 : i32
          %dma_wait3A_657 = tpu.memref_slice %arg9[%dma_wait3A_635, %dma_wait3A_654, %dma_wait3A_655, %dma_wait3A_656] : memref<4x8x8x129xf32, #tpu.memory_space<vmem>> -> memref<1x8x8x128xf32, #tpu.memory_space<vmem>>
          %dma_wait3A_658 = tpu.memref_squeeze %dma_wait3A_657 : memref<1x8x8x128xf32, #tpu.memory_space<vmem>> -> memref<8x8x128xf32, #tpu.memory_space<vmem>>
          tpu.wait_dma2 semaphore(%dma_wait3A_648 : memref<!tpu.dma_semaphore, #tpu.memory_space<semaphore_mem>>) src(%dma_wait3A_658 : memref<8x8x128xf32, #tpu.memory_space<vmem>>) dst(%dma_wait3A_653 : memref<8x8x128xf32, #tpu.memory_space<hbm>>)
        } else {
        }
        %dma_start3A_619 = arith.constant 1 : i32
        %dma_start3A_620 = arith.constant 1 : i32
        %dma_start3A_621 = arith.constant 0 : i32
        %dma_start3A_622 = arith.constant 0 : i32
        %dma_start3A_623 = tpu.memref_slice %arg8[%dma_start3A_619, %dma_start3A_621, %dma_start3A_622] : memref<4x128x64xf32, #tpu.memory_space<vmem>> -> memref<1x128x64xf32, #tpu.memory_space<vmem>>
        %dma_start3A_624 = tpu.memref_squeeze %dma_start3A_623 : memref<1x128x64xf32, #tpu.memory_space<vmem>> -> memref<128x64xf32, #tpu.memory_space<vmem>>
        %dma_start3A_625 = arith.constant 0 : i32
        %dma_start3A_626 = tpu.memref_slice %arg6[%add3A_556, %dma_start3A_625] : memref<200x128xi32, #tpu.memory_space<vmem>> -> memref<1x128xi32, #tpu.memory_space<vmem>>
        %dma_start3A_627 = tpu.memref_squeeze %dma_start3A_626 : memref<1x128xi32, #tpu.memory_space<vmem>> -> memref<128xi32, #tpu.memory_space<vmem>>
        %dma_start3A_628 = arith.constant 0 : i32
        %dma_start3A_629 = arith.constant 0 : i32
        %dma_start3A_630 = tpu.memref_slice %arg3[%dma_start3A_628, %dma_start3A_629] : memref<1000000x64xf32, #tpu.memory_space<hbm>> -> memref<1000000x64xf32, #tpu.memory_space<hbm>>
        %dma_start3A_631 = tpu.memref_slice %arg10[%dma_start3A_620] : memref<4x!tpu.dma_semaphore, #tpu.memory_space<semaphore_mem>> -> memref<1x!tpu.dma_semaphore, #tpu.memory_space<semaphore_mem>>
        %dma_start3A_632 = tpu.memref_squeeze %dma_start3A_631 : memref<1x!tpu.dma_semaphore, #tpu.memory_space<semaphore_mem>> -> memref<!tpu.dma_semaphore, #tpu.memory_space<semaphore_mem>>
        tpu.enqueue_indirect_dma source(%dma_start3A_630 : memref<1000000x64xf32, #tpu.memory_space<hbm>>) target(%dma_start3A_624 : memref<128x64xf32, #tpu.memory_space<vmem>>) offsets(%dma_start3A_627 : memref<128xi32, #tpu.memory_space<vmem>>) semaphore(%dma_start3A_632 : memref<!tpu.dma_semaphore, #tpu.memory_space<semaphore_mem>>)
      } else {
      }
      %dma_wait3A_562 = arith.constant 3 : i32
      %dma_wait3A_563 = arith.constant 3 : i32
      %dma_wait3A_564 = arith.constant 0 : i32
      %dma_wait3A_565 = arith.constant 0 : i32
      %dma_wait3A_566 = tpu.memref_slice %arg8[%dma_wait3A_562, %dma_wait3A_564, %dma_wait3A_565] : memref<4x128x64xf32, #tpu.memory_space<vmem>> -> memref<1x128x64xf32, #tpu.memory_space<vmem>>
      %dma_wait3A_567 = tpu.memref_squeeze %dma_wait3A_566 : memref<1x128x64xf32, #tpu.memory_space<vmem>> -> memref<128x64xf32, #tpu.memory_space<vmem>>
      %dma_wait3A_568 = arith.constant 0 : i32
      %dma_wait3A_569 = tpu.memref_slice %arg6[%add3A_554, %dma_wait3A_568] : memref<200x128xi32, #tpu.memory_space<vmem>> -> memref<1x128xi32, #tpu.memory_space<vmem>>
      %dma_wait3A_570 = tpu.memref_squeeze %dma_wait3A_569 : memref<1x128xi32, #tpu.memory_space<vmem>> -> memref<128xi32, #tpu.memory_space<vmem>>
      %dma_wait3A_571 = arith.constant 0 : i32
      %dma_wait3A_572 = arith.constant 0 : i32
      %dma_wait3A_573 = tpu.memref_slice %arg3[%dma_wait3A_571, %dma_wait3A_572] : memref<1000000x64xf32, #tpu.memory_space<hbm>> -> memref<1000000x64xf32, #tpu.memory_space<hbm>>
      %dma_wait3A_574 = tpu.memref_slice %arg10[%dma_wait3A_563] : memref<4x!tpu.dma_semaphore, #tpu.memory_space<semaphore_mem>> -> memref<1x!tpu.dma_semaphore, #tpu.memory_space<semaphore_mem>>
      %dma_wait3A_575 = tpu.memref_squeeze %dma_wait3A_574 : memref<1x!tpu.dma_semaphore, #tpu.memory_space<semaphore_mem>> -> memref<!tpu.dma_semaphore, #tpu.memory_space<semaphore_mem>>
      tpu.wait_indirect_dma semaphore(%dma_wait3A_575 : memref<!tpu.dma_semaphore, #tpu.memory_space<semaphore_mem>>) src(%dma_wait3A_573 : memref<1000000x64xf32, #tpu.memory_space<hbm>>) dst(%dma_wait3A_567 : memref<128x64xf32, #tpu.memory_space<vmem>>)
      %get3A_576 = arith.index_cast %add3A_554 : i32 to index
      %get3A_577 = arith.constant 0 : index
      %get3A_578 = tpu.vector_load %arg7[%get3A_576, %get3A_577] {strides = array<i32>} : memref<200x64xf32, #tpu.memory_space<vmem>>, vector<16xf32>,
      %get3A_579 = arith.index_cast %add3A_554 : i32 to index
      %get3A_580 = arith.constant 16 : index
      %get3A_581 = tpu.vector_load %arg7[%get3A_579, %get3A_580] {strides = array<i32>} : memref<200x64xf32, #tpu.memory_space<vmem>>, vector<16xf32>,
      %get3A_582 = arith.index_cast %add3A_554 : i32 to index
      %get3A_583 = arith.constant 32 : index
      %get3A_584 = tpu.vector_load %arg7[%get3A_582, %get3A_583] {strides = array<i32>} : memref<200x64xf32, #tpu.memory_space<vmem>>, vector<16xf32>,
      %get3A_585 = arith.index_cast %add3A_554 : i32 to index
      %get3A_586 = arith.constant 48 : index
      %get3A_587 = tpu.vector_load %arg7[%get3A_585, %get3A_586] {strides = array<i32>} : memref<200x64xf32, #tpu.memory_space<vmem>>, vector<16xf32>,
      %parallel_loop3A_588 = arith.constant 0 : i32
      %parallel_loop3A_589 = arith.constant 128 : i32
      %parallel_loop3A_590 = arith.constant 1 : i32
      scf.for %parallel_loop3A_615 = %parallel_loop3A_588 to %parallel_loop3A_589 step %parallel_loop3A_590  : i32 {
        %parallel_loop3A_616 = vector.broadcast %parallel_loop3A_615 : i32 to vector<16xi32>
        %parallel_loop3A_617 = arith.constant 3 : i32
        %parallel_loop3A_618 = arith.index_cast %parallel_loop3A_617 : i32 to index
        %parallel_loop3A_619 = arith.index_cast %parallel_loop3A_615 : i32 to index
        %parallel_loop3A_620 = arith.constant 0 : index
        %parallel_loop3A_621 = tpu.vector_load %arg8[%parallel_loop3A_618, %parallel_loop3A_619, %parallel_loop3A_620] {strides = array<i32>} : memref<4x128x64xf32, #tpu.memory_space<vmem>>, vector<16xf32>,
        %parallel_loop3A_622 = arith.addf %parallel_loop3A_621, %get3A_578 : vector<16xf32>
        %parallel_loop3A_623 = arith.constant 3 : i32
        %parallel_loop3A_624 = arith.constant 0 : i32
        %parallel_loop3A_625 = arith.constant 0 : i32
        %parallel_loop3A_626 = arith.constant 0 : i32
        %parallel_loop3A_627 = tpu.memref_slice %arg9[%parallel_loop3A_623, %parallel_loop3A_624, %parallel_loop3A_625, %parallel_loop3A_626] : memref<4x8x8x129xf32, #tpu.memory_space<vmem>> -> memref<1x8x8x129xf32, #tpu.memory_space<vmem>>
        %parallel_loop3A_628 = tpu.memref_squeeze %parallel_loop3A_627 : memref<1x8x8x129xf32, #tpu.memory_space<vmem>> -> memref<8x8x129xf32, #tpu.memory_space<vmem>>
        tpu.vector_store_idx %parallel_loop3A_628[%select_n3A, %select_n3A_182, %parallel_loop3A_616], %parallel_loop3A_622 : memref<8x8x129xf32, #tpu.memory_space<vmem>>[vector<16xi32>, vector<16xi32>, vector<16xi32>], vector<16xf32>,
        %parallel_loop3A_629 = arith.constant 3 : i32
        %parallel_loop3A_630 = arith.index_cast %parallel_loop3A_629 : i32 to index
        %parallel_loop3A_631 = arith.index_cast %parallel_loop3A_615 : i32 to index
        %parallel_loop3A_632 = arith.constant 16 : index
        %parallel_loop3A_633 = tpu.vector_load %arg8[%parallel_loop3A_630, %parallel_loop3A_631, %parallel_loop3A_632] {strides = array<i32>} : memref<4x128x64xf32, #tpu.memory_space<vmem>>, vector<16xf32>,
        %parallel_loop3A_634 = arith.addf %parallel_loop3A_633, %get3A_581 : vector<16xf32>
        %parallel_loop3A_635 = arith.constant 3 : i32
        %parallel_loop3A_636 = arith.constant 0 : i32
        %parallel_loop3A_637 = arith.constant 0 : i32
        %parallel_loop3A_638 = arith.constant 0 : i32
        %parallel_loop3A_639 = tpu.memref_slice %arg9[%parallel_loop3A_635, %parallel_loop3A_636, %parallel_loop3A_637, %parallel_loop3A_638] : memref<4x8x8x129xf32, #tpu.memory_space<vmem>> -> memref<1x8x8x129xf32, #tpu.memory_space<vmem>>
        %parallel_loop3A_640 = tpu.memref_squeeze %parallel_loop3A_639 : memref<1x8x8x129xf32, #tpu.memory_space<vmem>> -> memref<8x8x129xf32, #tpu.memory_space<vmem>>
        tpu.vector_store_idx %parallel_loop3A_640[%select_n3A_91, %select_n3A_207, %parallel_loop3A_616], %parallel_loop3A_634 : memref<8x8x129xf32, #tpu.memory_space<vmem>>[vector<16xi32>, vector<16xi32>, vector<16xi32>], vector<16xf32>,
        %parallel_loop3A_641 = arith.constant 3 : i32
        %parallel_loop3A_642 = arith.index_cast %parallel_loop3A_641 : i32 to index
        %parallel_loop3A_643 = arith.index_cast %parallel_loop3A_615 : i32 to index
        %parallel_loop3A_644 = arith.constant 32 : index
        %parallel_loop3A_645 = tpu.vector_load %arg8[%parallel_loop3A_642, %parallel_loop3A_643, %parallel_loop3A_644] {strides = array<i32>} : memref<4x128x64xf32, #tpu.memory_space<vmem>>, vector<16xf32>,
        %parallel_loop3A_646 = arith.addf %parallel_loop3A_645, %get3A_584 : vector<16xf32>
        %parallel_loop3A_647 = arith.constant 3 : i32
        %parallel_loop3A_648 = arith.constant 0 : i32
        %parallel_loop3A_649 = arith.constant 0 : i32
        %parallel_loop3A_650 = arith.constant 0 : i32
        %parallel_loop3A_651 = tpu.memref_slice %arg9[%parallel_loop3A_647, %parallel_loop3A_648, %parallel_loop3A_649, %parallel_loop3A_650] : memref<4x8x8x129xf32, #tpu.memory_space<vmem>> -> memref<1x8x8x129xf32, #tpu.memory_space<vmem>>
        %parallel_loop3A_652 = tpu.memref_squeeze %parallel_loop3A_651 : memref<1x8x8x129xf32, #tpu.memory_space<vmem>> -> memref<8x8x129xf32, #tpu.memory_space<vmem>>
        tpu.vector_store_idx %parallel_loop3A_652[%select_n3A_125, %select_n3A_232, %parallel_loop3A_616], %parallel_loop3A_646 : memref<8x8x129xf32, #tpu.memory_space<vmem>>[vector<16xi32>, vector<16xi32>, vector<16xi32>], vector<16xf32>,
        %parallel_loop3A_653 = arith.constant 3 : i32
        %parallel_loop3A_654 = arith.index_cast %parallel_loop3A_653 : i32 to index
        %parallel_loop3A_655 = arith.index_cast %parallel_loop3A_615 : i32 to index
        %parallel_loop3A_656 = arith.constant 48 : index
        %parallel_loop3A_657 = tpu.vector_load %arg8[%parallel_loop3A_654, %parallel_loop3A_655, %parallel_loop3A_656] {strides = array<i32>} : memref<4x128x64xf32, #tpu.memory_space<vmem>>, vector<16xf32>,
        %parallel_loop3A_658 = arith.addf %parallel_loop3A_657, %get3A_587 : vector<16xf32>
        %parallel_loop3A_659 = arith.constant 3 : i32
        %parallel_loop3A_660 = arith.constant 0 : i32
        %parallel_loop3A_661 = arith.constant 0 : i32
        %parallel_loop3A_662 = arith.constant 0 : i32
        %parallel_loop3A_663 = tpu.memref_slice %arg9[%parallel_loop3A_659, %parallel_loop3A_660, %parallel_loop3A_661, %parallel_loop3A_662] : memref<4x8x8x129xf32, #tpu.memory_space<vmem>> -> memref<1x8x8x129xf32, #tpu.memory_space<vmem>>
        %parallel_loop3A_664 = tpu.memref_squeeze %parallel_loop3A_663 : memref<1x8x8x129xf32, #tpu.memory_space<vmem>> -> memref<8x8x129xf32, #tpu.memory_space<vmem>>
        tpu.vector_store_idx %parallel_loop3A_664[%select_n3A_159, %select_n3A_257, %parallel_loop3A_616], %parallel_loop3A_658 : memref<8x8x129xf32, #tpu.memory_space<vmem>>[vector<16xi32>, vector<16xi32>, vector<16xi32>], vector<16xf32>,
      } {sc.loop_unroll_factor = 4 : i64, sc.parallel_access}
      %dma_start3A_591 = arith.constant 3 : i32
      %dma_start3A_592 = arith.constant 3 : i32
      %dma_start3A_593 = arith.constant 0 : i32
      %dma_start3A_594 = arith.constant 0 : i32
      %dma_start3A_595 = arith.constant 0 : i32
      %dma_start3A_596 = tpu.memref_slice %arg9[%dma_start3A_591, %dma_start3A_593, %dma_start3A_594, %dma_start3A_595] : memref<4x8x8x129xf32, #tpu.memory_space<vmem>> -> memref<1x8x8x128xf32, #tpu.memory_space<vmem>>
      %dma_start3A_597 = tpu.memref_squeeze %dma_start3A_596 : memref<1x8x8x128xf32, #tpu.memory_space<vmem>> -> memref<8x8x128xf32, #tpu.memory_space<vmem>>
      %dma_start3A_598 = arith.constant 0 : i32
      %dma_start3A_599 = arith.constant 0 : i32
      %dma_start3A_600 = arith.constant 0 : i32
      %dma_start3A_601 = tpu.memref_slice %arg5[%add3A_554, %dma_start3A_598, %add3A, %dma_start3A_599, %dma_start3A_600] : memref<200x8x32x8x128xf32, #tpu.memory_space<hbm>> -> memref<1x8x1x8x128xf32, #tpu.memory_space<hbm>>
      %dma_start3A_602 = tpu.memref_squeeze %dma_start3A_601 : memref<1x8x1x8x128xf32, #tpu.memory_space<hbm>> -> memref<8x8x128xf32, #tpu.memory_space<hbm>>
      %dma_start3A_603 = tpu.memref_slice %arg11[%dma_start3A_592] : memref<4x!tpu.dma_semaphore, #tpu.memory_space<semaphore_mem>> -> memref<1x!tpu.dma_semaphore, #tpu.memory_space<semaphore_mem>>
      %dma_start3A_604 = tpu.memref_squeeze %dma_start3A_603 : memref<1x!tpu.dma_semaphore, #tpu.memory_space<semaphore_mem>> -> memref<!tpu.dma_semaphore, #tpu.memory_space<semaphore_mem>>
      %dma_start3A_605 = arith.constant 0 : i32
      %dma_start3A_606 = arith.constant 0 : i32
      %dma_start3A_607 = arith.constant 0 : i32
      %dma_start3A_608 = tpu.memref_slice %arg5[%add3A_554, %dma_start3A_605, %add3A, %dma_start3A_606, %dma_start3A_607] : memref<200x8x32x8x128xf32, #tpu.memory_space<hbm>> -> memref<1x8x1x8x128xf32, #tpu.memory_space<hbm>>
      %dma_start3A_609 = tpu.memref_squeeze %dma_start3A_608 : memref<1x8x1x8x128xf32, #tpu.memory_space<hbm>> -> memref<8x8x128xf32, #tpu.memory_space<hbm>>
      %dma_start3A_610 = arith.constant 0 : i32
      %dma_start3A_611 = arith.constant 0 : i32
      %dma_start3A_612 = arith.constant 0 : i32
      %dma_start3A_613 = tpu.memref_slice %arg9[%dma_start3A_591, %dma_start3A_610, %dma_start3A_611, %dma_start3A_612] : memref<4x8x8x129xf32, #tpu.memory_space<vmem>> -> memref<1x8x8x128xf32, #tpu.memory_space<vmem>>
      %dma_start3A_614 = tpu.memref_squeeze %dma_start3A_613 : memref<1x8x8x128xf32, #tpu.memory_space<vmem>> -> memref<8x8x128xf32, #tpu.memory_space<vmem>>
      tpu.enqueue_dma source(%dma_start3A_614 : memref<8x8x128xf32, #tpu.memory_space<vmem>>) target(%dma_start3A_609 : memref<8x8x128xf32, #tpu.memory_space<hbm>>) target_semaphore(%dma_start3A_604 : memref<!tpu.dma_semaphore, #tpu.memory_space<semaphore_mem>>)
    }
    %scan3A_262 = arith.constant 50 : i32
    %dma_wait3A = arith.constant 0 : i32
    %dma_wait3A_263 = arith.constant 196 : i32
    %dma_wait3A_264 = arith.constant 0 : i32
    %dma_wait3A_265 = arith.constant 0 : i32
    %dma_wait3A_266 = arith.constant 0 : i32
    %dma_wait3A_267 = arith.constant 0 : i32
    %dma_wait3A_268 = tpu.memref_slice %arg9[%dma_wait3A, %dma_wait3A_265, %dma_wait3A_266, %dma_wait3A_267] : memref<4x8x8x129xf32, #tpu.memory_space<vmem>> -> memref<1x8x8x128xf32, #tpu.memory_space<vmem>>
    %dma_wait3A_269 = tpu.memref_squeeze %dma_wait3A_268 : memref<1x8x8x128xf32, #tpu.memory_space<vmem>> -> memref<8x8x128xf32, #tpu.memory_space<vmem>>
    %dma_wait3A_270 = arith.constant 0 : i32
    %dma_wait3A_271 = arith.constant 0 : i32
    %dma_wait3A_272 = arith.constant 0 : i32
    %dma_wait3A_273 = tpu.memref_slice %arg5[%dma_wait3A_263, %dma_wait3A_270, %add3A, %dma_wait3A_271, %dma_wait3A_272] : memref<200x8x32x8x128xf32, #tpu.memory_space<hbm>> -> memref<1x8x1x8x128xf32, #tpu.memory_space<hbm>>
    %dma_wait3A_274 = tpu.memref_squeeze %dma_wait3A_273 : memref<1x8x1x8x128xf32, #tpu.memory_space<hbm>> -> memref<8x8x128xf32, #tpu.memory_space<hbm>>
    %dma_wait3A_275 = tpu.memref_slice %arg11[%dma_wait3A_264] : memref<4x!tpu.dma_semaphore, #tpu.memory_space<semaphore_mem>> -> memref<1x!tpu.dma_semaphore, #tpu.memory_space<semaphore_mem>>
    %dma_wait3A_276 = tpu.memref_squeeze %dma_wait3A_275 : memref<1x!tpu.dma_semaphore, #tpu.memory_space<semaphore_mem>> -> memref<!tpu.dma_semaphore, #tpu.memory_space<semaphore_mem>>
    %dma_wait3A_277 = arith.constant 0 : i32
    %dma_wait3A_278 = arith.constant 0 : i32
    %dma_wait3A_279 = arith.constant 0 : i32
    %dma_wait3A_280 = tpu.memref_slice %arg5[%dma_wait3A_263, %dma_wait3A_277, %add3A, %dma_wait3A_278, %dma_wait3A_279] : memref<200x8x32x8x128xf32, #tpu.memory_space<hbm>> -> memref<1x8x1x8x128xf32, #tpu.memory_space<hbm>>
    %dma_wait3A_281 = tpu.memref_squeeze %dma_wait3A_280 : memref<1x8x1x8x128xf32, #tpu.memory_space<hbm>> -> memref<8x8x128xf32, #tpu.memory_space<hbm>>
    %dma_wait3A_282 = arith.constant 0 : i32
    %dma_wait3A_283 = arith.constant 0 : i32
    %dma_wait3A_284 = arith.constant 0 : i32
    %dma_wait3A_285 = tpu.memref_slice %arg9[%dma_wait3A, %dma_wait3A_282, %dma_wait3A_283, %dma_wait3A_284] : memref<4x8x8x129xf32, #tpu.memory_space<vmem>> -> memref<1x8x8x128xf32, #tpu.memory_space<vmem>>
    %dma_wait3A_286 = tpu.memref_squeeze %dma_wait3A_285 : memref<1x8x8x128xf32, #tpu.memory_space<vmem>> -> memref<8x8x128xf32, #tpu.memory_space<vmem>>
    tpu.wait_dma2 semaphore(%dma_wait3A_276 : memref<!tpu.dma_semaphore, #tpu.memory_space<semaphore_mem>>) src(%dma_wait3A_286 : memref<8x8x128xf32, #tpu.memory_space<vmem>>) dst(%dma_wait3A_281 : memref<8x8x128xf32, #tpu.memory_space<hbm>>)
    %dma_wait3A_287 = arith.constant 1 : i32
    %dma_wait3A_288 = arith.constant 197 : i32
    %dma_wait3A_289 = arith.constant 1 : i32
    %dma_wait3A_290 = arith.constant 0 : i32
    %dma_wait3A_291 = arith.constant 0 : i32
    %dma_wait3A_292 = arith.constant 0 : i32
    %dma_wait3A_293 = tpu.memref_slice %arg9[%dma_wait3A_287, %dma_wait3A_290, %dma_wait3A_291, %dma_wait3A_292] : memref<4x8x8x129xf32, #tpu.memory_space<vmem>> -> memref<1x8x8x128xf32, #tpu.memory_space<vmem>>
    %dma_wait3A_294 = tpu.memref_squeeze %dma_wait3A_293 : memref<1x8x8x128xf32, #tpu.memory_space<vmem>> -> memref<8x8x128xf32, #tpu.memory_space<vmem>>
    %dma_wait3A_295 = arith.constant 0 : i32
    %dma_wait3A_296 = arith.constant 0 : i32
    %dma_wait3A_297 = arith.constant 0 : i32
    %dma_wait3A_298 = tpu.memref_slice %arg5[%dma_wait3A_288, %dma_wait3A_295, %add3A, %dma_wait3A_296, %dma_wait3A_297] : memref<200x8x32x8x128xf32, #tpu.memory_space<hbm>> -> memref<1x8x1x8x128xf32, #tpu.memory_space<hbm>>
    %dma_wait3A_299 = tpu.memref_squeeze %dma_wait3A_298 : memref<1x8x1x8x128xf32, #tpu.memory_space<hbm>> -> memref<8x8x128xf32, #tpu.memory_space<hbm>>
    %dma_wait3A_300 = tpu.memref_slice %arg11[%dma_wait3A_289] : memref<4x!tpu.dma_semaphore, #tpu.memory_space<semaphore_mem>> -> memref<1x!tpu.dma_semaphore, #tpu.memory_space<semaphore_mem>>
    %dma_wait3A_301 = tpu.memref_squeeze %dma_wait3A_300 : memref<1x!tpu.dma_semaphore, #tpu.memory_space<semaphore_mem>> -> memref<!tpu.dma_semaphore, #tpu.memory_space<semaphore_mem>>
    %dma_wait3A_302 = arith.constant 0 : i32
    %dma_wait3A_303 = arith.constant 0 : i32
    %dma_wait3A_304 = arith.constant 0 : i32
    %dma_wait3A_305 = tpu.memref_slice %arg5[%dma_wait3A_288, %dma_wait3A_302, %add3A, %dma_wait3A_303, %dma_wait3A_304] : memref<200x8x32x8x128xf32, #tpu.memory_space<hbm>> -> memref<1x8x1x8x128xf32, #tpu.memory_space<hbm>>
    %dma_wait3A_306 = tpu.memref_squeeze %dma_wait3A_305 : memref<1x8x1x8x128xf32, #tpu.memory_space<hbm>> -> memref<8x8x128xf32, #tpu.memory_space<hbm>>
    %dma_wait3A_307 = arith.constant 0 : i32
    %dma_wait3A_308 = arith.constant 0 : i32
    %dma_wait3A_309 = arith.constant 0 : i32
    %dma_wait3A_310 = tpu.memref_slice %arg9[%dma_wait3A_287, %dma_wait3A_307, %dma_wait3A_308, %dma_wait3A_309] : memref<4x8x8x129xf32, #tpu.memory_space<vmem>> -> memref<1x8x8x128xf32, #tpu.memory_space<vmem>>
    %dma_wait3A_311 = tpu.memref_squeeze %dma_wait3A_310 : memref<1x8x8x128xf32, #tpu.memory_space<vmem>> -> memref<8x8x128xf32, #tpu.memory_space<vmem>>
    tpu.wait_dma2 semaphore(%dma_wait3A_301 : memref<!tpu.dma_semaphore, #tpu.memory_space<semaphore_mem>>) src(%dma_wait3A_311 : memref<8x8x128xf32, #tpu.memory_space<vmem>>) dst(%dma_wait3A_306 : memref<8x8x128xf32, #tpu.memory_space<hbm>>)
    %dma_wait3A_312 = arith.constant 2 : i32
    %dma_wait3A_313 = arith.constant 198 : i32
    %dma_wait3A_314 = arith.constant 2 : i32
    %dma_wait3A_315 = arith.constant 0 : i32
    %dma_wait3A_316 = arith.constant 0 : i32
    %dma_wait3A_317 = arith.constant 0 : i32
    %dma_wait3A_318 = tpu.memref_slice %arg9[%dma_wait3A_312, %dma_wait3A_315, %dma_wait3A_316, %dma_wait3A_317] : memref<4x8x8x129xf32, #tpu.memory_space<vmem>> -> memref<1x8x8x128xf32, #tpu.memory_space<vmem>>
    %dma_wait3A_319 = tpu.memref_squeeze %dma_wait3A_318 : memref<1x8x8x128xf32, #tpu.memory_space<vmem>> -> memref<8x8x128xf32, #tpu.memory_space<vmem>>
    %dma_wait3A_320 = arith.constant 0 : i32
    %dma_wait3A_321 = arith.constant 0 : i32
    %dma_wait3A_322 = arith.constant 0 : i32
    %dma_wait3A_323 = tpu.memref_slice %arg5[%dma_wait3A_313, %dma_wait3A_320, %add3A, %dma_wait3A_321, %dma_wait3A_322] : memref<200x8x32x8x128xf32, #tpu.memory_space<hbm>> -> memref<1x8x1x8x128xf32, #tpu.memory_space<hbm>>
    %dma_wait3A_324 = tpu.memref_squeeze %dma_wait3A_323 : memref<1x8x1x8x128xf32, #tpu.memory_space<hbm>> -> memref<8x8x128xf32, #tpu.memory_space<hbm>>
    %dma_wait3A_325 = tpu.memref_slice %arg11[%dma_wait3A_314] : memref<4x!tpu.dma_semaphore, #tpu.memory_space<semaphore_mem>> -> memref<1x!tpu.dma_semaphore, #tpu.memory_space<semaphore_mem>>
    %dma_wait3A_326 = tpu.memref_squeeze %dma_wait3A_325 : memref<1x!tpu.dma_semaphore, #tpu.memory_space<semaphore_mem>> -> memref<!tpu.dma_semaphore, #tpu.memory_space<semaphore_mem>>
    %dma_wait3A_327 = arith.constant 0 : i32
    %dma_wait3A_328 = arith.constant 0 : i32
    %dma_wait3A_329 = arith.constant 0 : i32
    %dma_wait3A_330 = tpu.memref_slice %arg5[%dma_wait3A_313, %dma_wait3A_327, %add3A, %dma_wait3A_328, %dma_wait3A_329] : memref<200x8x32x8x128xf32, #tpu.memory_space<hbm>> -> memref<1x8x1x8x128xf32, #tpu.memory_space<hbm>>
    %dma_wait3A_331 = tpu.memref_squeeze %dma_wait3A_330 : memref<1x8x1x8x128xf32, #tpu.memory_space<hbm>> -> memref<8x8x128xf32, #tpu.memory_space<hbm>>
    %dma_wait3A_332 = arith.constant 0 : i32
    %dma_wait3A_333 = arith.constant 0 : i32
    %dma_wait3A_334 = arith.constant 0 : i32
    %dma_wait3A_335 = tpu.memref_slice %arg9[%dma_wait3A_312, %dma_wait3A_332, %dma_wait3A_333, %dma_wait3A_334] : memref<4x8x8x129xf32, #tpu.memory_space<vmem>> -> memref<1x8x8x128xf32, #tpu.memory_space<vmem>>
    %dma_wait3A_336 = tpu.memref_squeeze %dma_wait3A_335 : memref<1x8x8x128xf32, #tpu.memory_space<vmem>> -> memref<8x8x128xf32, #tpu.memory_space<vmem>>
    tpu.wait_dma2 semaphore(%dma_wait3A_326 : memref<!tpu.dma_semaphore, #tpu.memory_space<semaphore_mem>>) src(%dma_wait3A_336 : memref<8x8x128xf32, #tpu.memory_space<vmem>>) dst(%dma_wait3A_331 : memref<8x8x128xf32, #tpu.memory_space<hbm>>)
    %dma_wait3A_337 = arith.constant 3 : i32
    %dma_wait3A_338 = arith.constant 199 : i32
    %dma_wait3A_339 = arith.constant 3 : i32
    %dma_wait3A_340 = arith.constant 0 : i32
    %dma_wait3A_341 = arith.constant 0 : i32
    %dma_wait3A_342 = arith.constant 0 : i32
    %dma_wait3A_343 = tpu.memref_slice %arg9[%dma_wait3A_337, %dma_wait3A_340, %dma_wait3A_341, %dma_wait3A_342] : memref<4x8x8x129xf32, #tpu.memory_space<vmem>> -> memref<1x8x8x128xf32, #tpu.memory_space<vmem>>
    %dma_wait3A_344 = tpu.memref_squeeze %dma_wait3A_343 : memref<1x8x8x128xf32, #tpu.memory_space<vmem>> -> memref<8x8x128xf32, #tpu.memory_space<vmem>>
    %dma_wait3A_345 = arith.constant 0 : i32
    %dma_wait3A_346 = arith.constant 0 : i32
    %dma_wait3A_347 = arith.constant 0 : i32
    %dma_wait3A_348 = tpu.memref_slice %arg5[%dma_wait3A_338, %dma_wait3A_345, %add3A, %dma_wait3A_346, %dma_wait3A_347] : memref<200x8x32x8x128xf32, #tpu.memory_space<hbm>> -> memref<1x8x1x8x128xf32, #tpu.memory_space<hbm>>
    %dma_wait3A_349 = tpu.memref_squeeze %dma_wait3A_348 : memref<1x8x1x8x128xf32, #tpu.memory_space<hbm>> -> memref<8x8x128xf32, #tpu.memory_space<hbm>>
    %dma_wait3A_350 = tpu.memref_slice %arg11[%dma_wait3A_339] : memref<4x!tpu.dma_semaphore, #tpu.memory_space<semaphore_mem>> -> memref<1x!tpu.dma_semaphore, #tpu.memory_space<semaphore_mem>>
    %dma_wait3A_351 = tpu.memref_squeeze %dma_wait3A_350 : memref<1x!tpu.dma_semaphore, #tpu.memory_space<semaphore_mem>> -> memref<!tpu.dma_semaphore, #tpu.memory_space<semaphore_mem>>
    %dma_wait3A_352 = arith.constant 0 : i32
    %dma_wait3A_353 = arith.constant 0 : i32
    %dma_wait3A_354 = arith.constant 0 : i32
    %dma_wait3A_355 = tpu.memref_slice %arg5[%dma_wait3A_338, %dma_wait3A_352, %add3A, %dma_wait3A_353, %dma_wait3A_354] : memref<200x8x32x8x128xf32, #tpu.memory_space<hbm>> -> memref<1x8x1x8x128xf32, #tpu.memory_space<hbm>>
    %dma_wait3A_356 = tpu.memref_squeeze %dma_wait3A_355 : memref<1x8x1x8x128xf32, #tpu.memory_space<hbm>> -> memref<8x8x128xf32, #tpu.memory_space<hbm>>
    %dma_wait3A_357 = arith.constant 0 : i32
    %dma_wait3A_358 = arith.constant 0 : i32
    %dma_wait3A_359 = arith.constant 0 : i32
    %dma_wait3A_360 = tpu.memref_slice %arg9[%dma_wait3A_337, %dma_wait3A_357, %dma_wait3A_358, %dma_wait3A_359] : memref<4x8x8x129xf32, #tpu.memory_space<vmem>> -> memref<1x8x8x128xf32, #tpu.memory_space<vmem>>
    %dma_wait3A_361 = tpu.memref_squeeze %dma_wait3A_360 : memref<1x8x8x128xf32, #tpu.memory_space<vmem>> -> memref<8x8x128xf32, #tpu.memory_space<vmem>>
    tpu.wait_dma2 semaphore(%dma_wait3A_351 : memref<!tpu.dma_semaphore, #tpu.memory_space<semaphore_mem>>) src(%dma_wait3A_361 : memref<8x8x128xf32, #tpu.memory_space<vmem>>) dst(%dma_wait3A_356 : memref<8x8x128xf32, #tpu.memory_space<hbm>>)
    return
  }
}

</mosaic_0001>

<sc_bundles>
// kernel: _run.3.cloned.1.call-start
scs
__scs_entry_jumppad:
0x0: {  	(pc) =	sbr.rel $0x88, $3  }
0x1: {  	(tag) =	ssettag $0x0;
	lr =	simm.s32 $0x1  }
0x2: {  	[smem:$0x3F9E] =	sst lr;
	_ =	strace $0xD0000000  }
0x3: {  	_ = 	snop  }
0x4: {  	_ = 	snop  }
0x5: {  	_ = 	snop  }
0x6: {  	_ = 	snop  }
0x7: {  	_ = 	snop  }
__scs_overlays_trampoline_lowered:
0x8: {  	[smem:$0x3FAD] =	sst s0  }
0x9: {  	[smem:$0x3FAE] =	sst s1  }
0xa: {  	[smem:$0x3FAF] =	sst s2  }
0xb: {  	[smem:$0x3FB0] =	sst s3  }
0xc: {  	[smem:$0x3FB1] =	sst s4  }
0xd: {  	[smem:$0x3FB2] =	sst s5  }
0xe: {  	[smem:$0x3FB3] =	sst s6  }
0xf: {  	[smem:$0x3FB4] =	sst s7  }
0x10: {  	[smem:$0x3FB5] =	sst s8  }
0x11: {  	[smem:$0x3FB6] =	sst s9;
	s0 =	simm.s32 @!p0 $0x0  }
0x12: {  	s1 =	sld [smem:$0x3F9C];
	s0 =	simm.s32 @p0 $0x1  }
0x13: {  	[smem:$0x3FB7] =	sst s0;
	s0 =	simm.s32 @!p1 $0x0  }
0x14: {  	s2 =	sld [smem:$0x3F9B];
	s0 =	simm.s32 @p1 $0x1  }
0x15: {  	[smem:$0x3FB8] =	sst s0;
	s0 =	simm.s32 @!p2 $0x0  }
0x16: {  	s3 =	sld [smem:$0x3FDB];
	s0 =	simm.s32 @p2 $0x1  }
0x17: {  	s4 =	simm.s32 $0x1BF5;
	[smem:$0x3FBA] =	sst s0  }
0x18: {  	s0 =	sld [smem:$0x3F9D];
	_ =	swait.ge [sflag:s4], $0x0  }
0x19: {  	s7 =	sld [smem:$0x3F9E]  }
0x1a: {  	s8 =	sadd.s32 $0xFFFFE003, lr  }
0x1b: {  	s9 =	sadd.s32 $0xFFFFFEF7, lr;
	s5 =	simm.s32 $0xFFFFFFFF;
	p2 =	slt.u32 s8, $0xFFFFF086  }
0x1c: {  	p1 =	slt.u32 s9, $0xF7A;
	s5 =	simm.s32 @!p2 $0x0  }
0x1d: {  	s5 =	simm.s32 @p1 $0x1;
	p0 =	seq.s32 s7, s2  }
0x1e: {  	s7 =	smul.u32 @!p0 $0xF7A, s2;
	p2 =	seq.s32 @!p0 s5, $0x0  }
0x1f: {  	s9 =	smul.u32 $0xF7A, s1;
	s8 =	simm.s32 @!p0 $0x1BF5;
	p2 =	por !p2, p0  }
0x20: {  	[sflag:s8] =	ssyncset.s32 @!p0 $0xFFFFF086;
	s6 =	sadd.s32 @!p0 s3, s7;
	s7 =	simm.s32 @!p0 $0x108  }
0x21: {  	s3 =	sadd.s32 s3, s9;
	s6 =	sadd.s32 @!p0 $0x88, s6;
	s7 =	simm.s32 @p2 $0x1082  }
0x22: {  	[simem:s7], [sflag:s8] =	dma.local @!p0 [hbm:s6], $0xF7A  }
0x23: {  	s9 =	sor.u32 $0xD0000000, s2;
	s6 =	simm.s32 $0x108;
	_ =	swait.ge @!p0 [sflag:s8], $0x0  }
0x24: {  	s3 =	sadd.s32 $0x88, s3;
	s6 =	simm.s32 @!p1 $0x1082;
	[sflag:s4] =	ssyncset.s32 $0xFFFFF086  }
0x25: {  	[simem:s6], [sflag:s4] =	dma.local [hbm:s3], $0xF7A  }
0x26: {  	[smem:$0x3F9E] =	sst s1;
	(tag) =	ssettag s2;
	_ =	strace s9  }
0x27: {  	s1 =	sld [smem:$0x3FAE]  }
0x28: {  	s2 =	sld [smem:$0x3FAF]  }
0x29: {  	s4 =	sld [smem:$0x3FB1]  }
0x2a: {  	p0 =	seq.s32 s5, $0x0;
	s5 =	sld [smem:$0x3FB2]  }
0x2b: {  	s6 =	sld [smem:$0x3FB3]  }
0x2c: {  	s7 =	sld [smem:$0x3FB4]  }
0x2d: {  	s3 =	simm.s32 $0x108;
	s8 =	sld [smem:$0x3FB5]  }
0x2e: {  	s3 =	simm.s32 @!p0 $0x1082;
	s9 =	sld [smem:$0x3FB6]  }
0x2f: {  	lr =	sadd.s32 s0, s3;
	s0 =	sld [smem:$0x3FAD]  }
0x30: {  	s3 =	sld [smem:$0x3FB0]  }
0x31: {  	[smem:$0x3FB9] =	sst s10  }
0x32: {  	s10 =	sld [smem:$0x3FB7];
	_ =	sdelay $0x3  }
0x33: {  	p0 =	seq.s32 s10, $0x1;
	s10 =	sld [smem:$0x3FB9];
	_ =	sdelay $0x3  }
0x34: {  	[smem:$0x3FB9] =	sst s10  }
0x35: {  	s10 =	sld [smem:$0x3FB8];
	_ =	sdelay $0x3  }
0x36: {  	p1 =	seq.s32 s10, $0x1;
	s10 =	sld [smem:$0x3FB9];
	_ =	sdelay $0x3  }
0x37: {  	[smem:$0x3FB9] =	sst s10  }
0x38: {  	s10 =	sld [smem:$0x3FBA]  }
0x39: {  	_ = 	snop;
	(pc) =	sbr.ind lr, $3  }
0x3a: {  	_ = 	snop  }
0x3b: {  	_ = 	snop  }
0x3c: {  	p2 =	seq.s32 s10, $0x1;
	s10 =	sld [smem:$0x3FB9]  }
0x3d: {  	_ =	shalt  }
0x3e: {  	_ =	shalt  }
0x3f: {  	_ =	shalt  }
0x40: {  	_ =	shalt  }
0x41: {  	_ =	shalt  }
0x42: {  	_ =	shalt  }
0x43: {  	_ =	shalt  }
0x44: {  	_ =	shalt  }
0x45: {  	_ =	shalt  }
0x46: {  	_ =	shalt  }
0x47: {  	_ =	shalt  }
0x48: {  	_ =	shalt  }
0x49: {  	_ =	shalt  }
0x4a: {  	_ =	shalt  }
0x4b: {  	_ =	shalt  }
0x4c: {  	_ =	shalt  }
0x4d: {  	_ =	shalt  }
0x4e: {  	_ =	shalt  }
0x4f: {  	_ =	shalt  }
0x50: {  	_ =	shalt  }
0x51: {  	_ =	shalt  }
0x52: {  	_ =	shalt  }
0x53: {  	_ =	shalt  }
0x54: {  	_ =	shalt  }
0x55: {  	_ =	shalt  }
0x56: {  	_ =	shalt  }
0x57: {  	_ =	shalt  }
0x58: {  	_ =	shalt  }
0x59: {  	_ =	shalt  }
0x5a: {  	_ =	shalt  }
0x5b: {  	_ =	shalt  }
0x5c: {  	_ =	shalt  }
0x5d: {  	_ =	shalt  }
0x5e: {  	_ =	shalt  }
0x5f: {  	_ =	shalt  }
0x60: {  	_ =	shalt  }
0x61: {  	_ =	shalt  }
0x62: {  	_ =	shalt  }
0x63: {  	_ =	shalt  }
0x64: {  	_ =	shalt  }
0x65: {  	_ =	shalt  }
0x66: {  	_ =	shalt  }
0x67: {  	_ =	shalt  }
0x68: {  	_ =	shalt  }
0x69: {  	_ =	shalt  }
0x6a: {  	_ =	shalt  }
0x6b: {  	_ =	shalt  }
0x6c: {  	_ =	shalt  }
0x6d: {  	_ =	shalt  }
0x6e: {  	_ =	shalt  }
0x6f: {  	_ =	shalt  }
0x70: {  	_ =	shalt  }
0x71: {  	_ =	shalt  }
0x72: {  	_ =	shalt  }
0x73: {  	_ =	shalt  }
0x74: {  	_ =	shalt  }
0x75: {  	_ =	shalt  }
0x76: {  	_ =	shalt  }
0x77: {  	_ =	shalt  }
0x78: {  	_ =	shalt  }
0x79: {  	_ =	shalt  }
0x7a: {  	_ =	shalt  }
0x7b: {  	_ =	shalt  }
0x7c: {  	_ =	shalt  }
0x7d: {  	_ =	shalt  }
0x7e: {  	_ =	shalt  }
0x7f: {  	_ =	shalt  }
0x80: {  	_ =	shalt  }
0x81: {  	_ =	shalt  }
0x82: {  	_ =	shalt  }
0x83: {  	_ =	shalt  }
0x84: {  	_ =	shalt  }
0x85: {  	_ =	shalt  }
0x86: {  	_ =	shalt  }
0x87: {  	_ =	shalt  }
.Lfunc_end0:
.L_simem_size_0:
called_computation_lowered:
.L_overlay_start_0:
0x88: {  	s2 =	sld [smem:$0x3FD9]  }
0x89: {  	s3 =	sld [smem:$0x3FFE];
	_ =	sdelay $0x1  }
0x8a: {  	s1 =	srdreg.scid  }
0x8b: {  	s0 =	sand.u32 $0x1, s1  }
0x8c: {  	s17 =	sshll.u32 s0, $0xA;
	s2 =	sadd.s32 s3, s2  }
0x8d: {  	s2 =	sadd.s32 s2, s17  }
0x8e: {  	[smem:$0x3FC5] =	sst s2  }
0x8f: {  	_ = 	snop  }
0x90: {  	s2 =	sld [smem:$0x3FD0];
	(tm) =	ssettm $0x1  }
0x91: {  	s18 =	sld [smem:$0x3FFB];
	_ =	sdelay $0x3  }
0x92: {  	_ =	strace s18  }
0x93: {  	s3 =	sld [smem:$0x3FFC];
	_ =	sdelay $0x3  }
0x94: {  	_ =	strace s3  }
0x95: {  	s3 =	sld [smem:$0x3FFD];
	_ =	sdelay $0x3  }
0x96: {  	_ =	strace s3  }
0x97: {  	_ =	strace $0x8FFFFFFF  }
0x98: {  	s19 =	sld [smem:$0x3FDB];
	_ =	sdelay $0x1  }
0x99: {  	s4 =	simm.s32 $_scs_section_size  }
0x9a: {  	s5 =	simm.s32 $_size__tile_overlayer_lowered;
	s6 =	simm.s32 $_tile_overlayer_lowered  }
0x9b: {  	s22 =	simm.s32 $0x1BFF;
	s21 =	sshll.u32 s6, $0x1;
	s3 =	sadd.s32 s4, s19  }
0x9c: {  	s7 =	simm.s32 $0x0;
	s20 =	sshll.u32 s5, $0x1;
	s5 =	sadd.s32 s21, s3  }
0x9d: {  	[timem:s7], [sflag:s22] =	dma.local [hbm:s5], s20  }
0x9e: {  	_ =	swait.ge [sflag:s22], s20  }
0x9f: {  	s4 =	ssub.s32 $0x0, s20;
	[sflag:s22] =	ssyncset.done $0x0  }
0xa0: {  	[sflag:s22] =	ssyncadd.s32 s4;
	_ =	sdelay $0x1  }
0xa1: {  	s23 =	simm.s32 $0x1B8B  }
0xa2: {  	_ =	swait.ge [sflag:s23], $0x1  }
0xa3: {  	[sflag:s23] =	ssyncset.done $0x0  }
0xa4: {  	s25 =	simm.s32 $0x1B8E;
	s24 =	sld [smem:$0x3FFE];
	[sflag:s23] =	ssyncadd.s32 $0xFFFFFFFF  }
0xa5: {  	s26 =	simm.s32 $execute0_lowered;
	[smem:$0x3FD2] =	sst s25  }
0xa6: {  	s5 =	sshll.u32 s26, $0x1;
	_ =	strace $0x80000046;
	[dreg:$0x1] =	wrdreg $0xFFFFFFFF  }
0xa7: {  	s28 =	simm.s32 $_size_execute0_lowered;
	s3 =	sadd.s32 s3, s5;
	[dreg:$0x0] =	wrdreg $0x0  }
0xa8: {  	s5 =	sshll.u32 s28, $0x1;
	[dreg:$0x2] =	wrdreg s3  }
0xa9: {  	[dreg:$0x3] =	wrdreg s5  }
0xaa: {  	[dreg:$0x4] =	wrdreg $0xC0  }
0xab: {  	_ =	task [dreg:s7], $0x5FFFF  }
0xac: {  	[dreg:$0x1] =	wrdreg $0xFFFFFFFF  }
0xad: {  	[dreg:$0x0] =	wrdreg $0x60  }
0xae: {  	[dreg:$0x2] =	wrdreg s24  }
0xaf: {  	[dreg:$0x3] =	wrdreg s2  }
0xb0: {  	[dreg:$0x4] =	wrdreg $0x9  }
0xb1: {  	_ =	task.clear_ibuf [dreg:s7], $0x5FFFF;
	_ =	strace $0x90000046  }
0xb2: {  	s29 =	simm.s32 $0x9;
	_ =	strace $0x80000048  }
0xb3: {  	_ =	swait.ge [sflag:s29], $0x1  }
0xb4: {  	[sflag:s29] =	ssyncadd.s32 $0xFFFFFFFF  }
0xb5: {  	_ =	strace $0x90000048  }
0xb6: {  	_ =	sfence  }
0xb7: {  	s30 =	sld [smem:$0x0];
	_ =	sdelay $0x2  }
0xb8: {  	s31 =	sshll.u32 s1, $0xD;
	s1 =	sshrl.u32 s1, $0x2  }
0xb9: {  	s3 =	sand.u32 $0x4000, s31;
	s1 =	sadd.s32 s1, s30  }
0xba: {  	s0 =	sor.u32 s3, s0;
	s1 =	sshll.u32 s1, $0x11  }
0xbb: {  	s0 =	sor.u32 s1, s0  }
0xbc: {  	s0 =	sadd.s32 $0x8F2B, s0  }
0xbd: {  	[sflag:s0] =	ssyncadd.remote.s32 $0x1  }
0xbe: {  	_ =	sfence.sel $0xFFFF  }
0xbf: {  	[dreg:$0x0] =	wrdreg $0xFFFFFFFF;
	(pc) =	sbr.abs _section_cstart, $3  }
0xc0: {  	[dreg:$0x1] =	wrdreg $0xFFFFFFFF  }
0xc1: {  	_ =	task.clear_ibuf [dreg:s7], $0x2FFFF;
	_ =	strace $0x9FFFFFFF  }
0xc2: {  	(tm) =	ssettm $0x7FFFFFFF  }
0xc3: {  	_ =	shalt  }
tec
execute0_lowered:
.L_overlay_start_1:
0x0: {  	(tag) =	ssettag $0x1  }
0x1: {  	s0 =	rddreg [dreg:$0x0];
	s1 =	srdreg.scid  }
0x2: {  	s3 =	stileid.u32;
	s2 =	rddreg [dreg:$0x1]  }
0x3: {  	s10 =	simm.s32 $0x9;
	s11 =	simm.s32 $0x80;
	s15 =	simm.s32 $0xD600  }
0x4: {  	s16 =	simm.s32 $0x1;
	s17 =	simm.s32 $0x11600;
	s18 =	simm.s32 $0xF600  }
0x5: {  	s19 =	simm.s32 $0x2;
	s20 =	simm.s32 $0x13800;
	s21 =	simm.s32 $0x3  }
0x6: {  	s22 =	simm.s32 $0x15A00;
	s23 =	simm.s32 $0x4;
	s24 =	simm.s32 $0x17C00  }
0x7: {  	s25 =	simm.s32 $0x5;
	s28 =	simm.s32 $0x7;
	s29 =	simm.s32 $0x8  }
0x8: {  	s1 =	sand.u32 $0x1, s1;
	s4 =	sshll.u32 s3, $0x1;
	s3 =	simm.s32 $0x0  }
0x9: {  	s5 =	sor.u32 s1, s4;
	[smem:$0x7FF] =	sst s3;
	s1 =	ssub.s32 $0x2, s1  }
0xa: {  	s4 =	sshll.u32 s5, $0x4;
	_ =	strace $0x80000047;
	s7 =	sshrl.u32 s1, $0x1  }
0xb: {  	v0 =	vlaneseq.u32;
	s6 =	sadd.s32 s4, s0;
	s4 =	sadd.s32 $0xF42C00, s0;
	s0 =	sadd.s32 $0x19800, s0  }
0xc: {  	v0 =	vmul.u32 $0x88, v0;
	s26 =	ssub.s32 s1, s7;
	[dreg:$0x3] =	wrdreg s0;
	s31 =	sadd.s32 $0x800, s6  }
0xd: {  	s30 =	simm.s32 $0x0;
	s0 =	smax.u32 s26, $0x1;
	[dreg:$0x4] =	wrdreg s31  }
0xe: {  	v1 =	vadd.s32 $0x880, v0;
	v2 =	vadd.s32 $0x1100, v0;
	v3 =	vadd.s32 $0x1980, v0;
	s7 =	sshll.u32 s5, $0xA;
	s26 =	simm.s32 $0x6;
	[dreg:$0x5] =	wrdreg s0  }
.LBB2_1:
0xf: {  	s0 =	rddreg [dreg:$0x3];
	s1 =	simm.s32 $0x6400  }
0x10: {  	[tilespmem:s1], [sflag:$0x9] =	stream.linear.gather [hbm4b:s0+s3], $0x3200, $0x38;
	[tilespmem:$0x19E00] =	vst v63  }
0x11: {  	_ =	swait.ge [sflag:s10], $0x3200  }
0x12: {  	[sflag:s10] =	ssyncset.done $0x0  }
0x13: {  	s12 =	simm.s32 $0x1000;
	s9 =	rddreg [dreg:$0x4];
	[sflag:s10] =	ssyncadd.s32 $0xFFFFCE00  }
0x14: {  	[tilespmem:s3], [sflag:$0x9] =	stream.strided.gather [hbm4b:s9+s11], $0x6400, s12, s11, $0x38;
	[tilespmem:$0x19E00] =	vst v63  }
0x15: {  	_ =	swait.ge [sflag:s10], $0x6400  }
0x16: {  	[sflag:s10] =	ssyncset.done $0x0  }
0x17: {  	s13 =	simm.s32 $0x9600;
	[sflag:s10] =	ssyncadd.s32 $0xFFFF9C00  }
0x18: {  	[tilespmem:s13], [sflag:$0x1] =	stream.indirect.gather [hbm4b:s4+s11], $0x40, s3, s11, $0xb8;
	[tilespmem:$0x19E00] =	vst v63  }
0x19: {  	s14 =	simm.s32 $0xB600;
	s31 =	simm.s32 $0x0  }
0x1a: {  	[tilespmem:s14], [sflag:$0x2] =	stream.indirect.gather [hbm4b:s4+s11], $0x40, s11, s11, $0xb8;
	[tilespmem:$0x19E00] =	vst v63  }
.LBB2_2:
0x1b: {  	p0 =	seq.s32 s31, $0x0  }
0x1c: {  	s9 =	sshll.u32 s31, $0x2;
	s0 =	simm.s32 @!p0 $0x7  }
0x1d: {  	s1 =	sor.u32 $0x2, s9;
	_ =	swait.ge @!p0 [sflag:s0], $0x2000  }
0x1e: {  	s5 =	sshll.u32 s1, $0x7;
	[sflag:s0] =	ssyncset.done @!p0 $0x0  }
0x1f: {  	s5 =	sand.u32 $0x3FFFFF80, s5;
	[sflag:s0] =	ssyncadd.s32 @!p0 $0xFFFFE000  }
0x20: {  	[tilespmem:s15], [sflag:$0x3] =	stream.indirect.gather [hbm4b:s4+s11], $0x40, s5, s11, $0xb8;
	[tilespmem:$0x19E00] =	vst v63  }
0x21: {  	_ =	swait.ge [sflag:s16], $0x2000  }
0x22: {  	s6 =	sshll.u32 s31, $0x8;
	[sflag:s16] =	ssyncset.done $0x0  }
0x23: {  	s0 =	sand.u32 $0x3FFFFF00, s6;
	[sflag:s16] =	ssyncadd.s32 $0xFFFFE000  }
0x24: {  	s14 =	simm.s32 $0x9680;
	s8 =	simm.s32 $0x3;
	v9 =	vld [tilespmem:s0+$0x6400]  }
0x25: {  	v4 =	vmov s8;
	v7 =	vld [tilespmem:s14+$0x40]  }
0x26: {  	v13 =	vand.u32 $0x7F, v4  }
0x27: {  	s12 =	simm.s32 $0x0;
	v8 =	vadd.s32 v0, v13;
	v6 =	vld [tilespmem:s0+$0x6410]  }
0x28: {  	s13 =	simm.s32 $0x1;
	v4 =	vmov s12;
	s12 =	simm.s32 $0x2;
	v10 =	vld [tilespmem:s14+$0xFFFFFF80]  }
0x29: {  	v12 =	vand.u32 $0x7C, v4;
	v4 =	vmov s13;
	v14 =	vmov s12;
	v11 =	vld [tilespmem:s14+$0xFFFFFFC0]  }
0x2a: {  	v15 =	vadd.s32 v0, v12;
	v19 =	vand.u32 $0x7D, v4;
	v16 =	vld [tilespmem:s14+$0x0];
	v7 =	vadd.f32 v7, v9  }
0x2b: {  	v20 =	vand.u32 $0x7E, v14;
	v17 =	vadd.s32 v0, v19;
	v5 =	vld [tilespmem:s0+$0x6420]  }
0x2c: {  	v14 =	vadd.s32 v0, v20;
	v4 =	vld [tilespmem:s0+$0x6430];
	[tilespmem:v8+s17+$0x0] =	vst.idx.msk $0xffff, v7  }
0x2d: {  	v7 =	vadd.f32 v10, v9;
	v8 =	vld [tilespmem:s14+$0x50]  }
0x2e: {  	v10 =	vadd.f32 v11, v9  }
0x2f: {  	v11 =	vadd.s32 v1, v13;
	[tilespmem:v15+s17+$0x0] =	vst.idx.msk $0xffff, v7;
	v7 =	vadd.f32 v16, v9  }
0x30: {  	[tilespmem:v17+s17+$0x0] =	vst.idx.msk $0xffff, v10;
	v15 =	vld [tilespmem:s14+$0xFFFFFF90]  }
0x31: {  	v10 =	vld [tilespmem:s14+$0xFFFFFFD0];
	[tilespmem:v14+s17+$0x0] =	vst.idx.msk $0xffff, v7  }
0x32: {  	v14 =	vld [tilespmem:s14+$0x10];
	v7 =	vadd.f32 v8, v6  }
0x33: {  	s8 =	simm.s32 $0x7;
	s0 =	simm.s32 $0x9780;
	v16 =	vadd.s32 v1, v19  }
0x34: {  	v26 =	vadd.s32 v2, v13;
	s6 =	simm.s32 $0x4;
	v18 =	vld [tilespmem:s0+$0x40];
	v17 =	vadd.s32 v1, v20;
	[tilespmem:v11+s17+$0x0] =	vst.idx.msk $0xffff, v7;
	v7 =	vmov s8  }
0x35: {  	v21 =	vadd.s32 v1, v12;
	v8 =	vmov s6;
	v7 =	vand.u32 $0x7F, v7;
	v22 =	vld [tilespmem:s14+$0x60]  }
0x36: {  	s13 =	simm.s32 $0x5;
	v23 =	vld [tilespmem:s0+$0xFFFFFF80];
	v8 =	vand.u32 $0x7C, v8;
	v10 =	vadd.f32 v10, v6;
	v24 =	vadd.s32 v0, v7  }
0x37: {  	v25 =	vld [tilespmem:s0+$0xFFFFFFC0];
	s6 =	simm.s32 $0x6;
	v15 =	vadd.f32 v15, v6;
	v11 =	vadd.f32 v14, v6;
	v14 =	vmov s13  }
0x38: {  	v27 =	vadd.s32 v0, v8;
	[tilespmem:v16+s17+$0x0] =	vst.idx.msk $0xffff, v10;
	v16 =	vmov s6;
	v10 =	vand.u32 $0x7D, v14;
	v14 =	vld [tilespmem:s0+$0x0]  }
0x39: {  	[tilespmem:v17+s17+$0x0] =	vst.idx.msk $0xffff, v11;
	v17 =	vadd.s32 v0, v10;
	v11 =	vand.u32 $0x7E, v16;
	v16 =	vadd.f32 v18, v9;
	v18 =	vld [tilespmem:s14+$0xFFFFFFE0]  }
0x3a: {  	[tilespmem:v21+s17+$0x0] =	vst.idx.msk $0xffff, v15;
	v15 =	vadd.s32 v0, v11;
	v21 =	vld [tilespmem:s14+$0x20];
	v22 =	vadd.f32 v22, v5  }
0x3b: {  	v23 =	vadd.f32 v23, v9;
	[tilespmem:v24+s17+$0x0] =	vst.idx.msk $0xffff, v16;
	v16 =	vld [tilespmem:s14+$0xFFFFFFA0];
	v24 =	vadd.s32 v2, v19  }
0x3c: {  	v29 =	vadd.s32 v2, v20;
	v25 =	vadd.f32 v25, v9;
	v28 =	vld [tilespmem:s0+$0x50];
	[tilespmem:v26+s17+$0x0] =	vst.idx.msk $0xffff, v22  }
0x3d: {  	[tilespmem:v27+s17+$0x0] =	vst.idx.msk $0xffff, v23;
	v23 =	vadd.s32 v2, v12;
	v14 =	vadd.f32 v14, v9;
	v26 =	vld [tilespmem:s14+$0x70]  }
0x3e: {  	v27 =	vld [tilespmem:s0+$0xFFFFFF90];
	[tilespmem:v17+s17+$0x0] =	vst.idx.msk $0xffff, v25;
	v25 =	vadd.s32 v1, v7;
	v18 =	vadd.f32 v18, v5  }
0x3f: {  	v31 =	vadd.s32 v3, v13;
	v30 =	vld [tilespmem:s0+$0xFFFFFFD0];
	[tilespmem:v15+s17+$0x0] =	vst.idx.msk $0xffff, v14;
	v14 =	vadd.f32 v21, v5  }
0x40: {  	v22 =	vadd.s32 v1, v8;
	v17 =	vld [tilespmem:s0+$0x10];
	v13 =	vadd.f32 v16, v5;
	[tilespmem:v24+s17+$0x0] =	vst.idx.msk $0xffff, v18  }
0x41: {  	s13 =	simm.s32 $0x8;
	v21 =	vadd.s32 v1, v10;
	[tilespmem:v29+s17+$0x0] =	vst.idx.msk $0xffff, v14;
	v18 =	vadd.f32 v28, v6;
	v16 =	vld [tilespmem:s14+$0xFFFFFFF0]  }
0x42: {  	v24 =	vmov s13;
	v14 =	vadd.s32 v1, v11;
	v15 =	vld [tilespmem:s14+$0x30];
	[tilespmem:v23+s17+$0x0] =	vst.idx.msk $0xffff, v13;
	v63 =	vadd.f32 v26, v4  }
0x43: {  	s12 =	simm.s32 $0x9880;
	s8 =	simm.s32 $0xB;
	v19 =	vadd.s32 v3, v19;
	v13 =	vand.u32 $0x7C, v24;
	v24 =	vadd.f32 v27, v6;
	[tilespmem:v25+s17+$0x0] =	vst.idx.msk $0xffff, v18;
	v18 =	vld [tilespmem:s14+$0xFFFFFFB0]  }
0x44: {  	s5 =	simm.s32 $0xC;
	v20 =	vadd.s32 v3, v20;
	v26 =	vmov s8;
	v23 =	vld [tilespmem:s12+$0x40];
	v25 =	vadd.f32 v30, v6;
	[tilespmem:v31+s17+$0x0] =	vst.idx.msk $0xffff, v63  }
.LBB2_3:
0x45: {  	p1 =	slt.u32 s5, $0x7C;
	s14 =	sadd.s32 $0x1, s13;
	v26 =	vand.u32 $0x7F, v26;
	[tilespmem:v22+s17+$0x0] =	vst.idx.msk $0xffff, v24;
	v17 =	vadd.f32 v17, v6;
	v22 =	vld [tilespmem:s0+$0x60];
	v24 =	vadd.s32 v3, v12  }
0x46: {  	v30 =	vmovc v11;
	v27 =	vld [tilespmem:s12+$0xFFFFFF80];
	v28 =	vmov s14;
	s14 =	sadd.s32 $0x2, s13;
	v29 =	vadd.s32 v0, v26;
	[tilespmem:v21+s17+$0x0] =	vst.idx.msk $0xffff, v25;
	v16 =	vadd.f32 v16, v4;
	s13 =	smov.u32 s5  }
0x47: {  	v12 =	vmovc v8;
	v21 =	vld [tilespmem:s12+$0xFFFFFFC0];
	v11 =	vmov s14;
	[tilespmem:v14+s17+$0x0] =	vst.idx.msk $0xffff, v17;
	v14 =	vadd.s32 v2, v7;
	v15 =	vadd.f32 v15, v4  }
0x48: {  	v17 =	vadd.s32 v0, v13;
	v28 =	vand.u32 $0x7D, v28;
	v25 =	vld [tilespmem:s12+$0x0];
	v31 =	vadd.f32 v18, v4;
	[tilespmem:v19+s17+$0x0] =	vst.idx.msk $0xffff, v16  }
0x49: {  	v16 =	vadd.s32 v0, v28;
	v11 =	vand.u32 $0x7E, v11;
	v18 =	vadd.f32 v23, v9;
	v19 =	vld [tilespmem:s0+$0xFFFFFFE0];
	[tilespmem:v20+s17+$0x0] =	vst.idx.msk $0xffff, v15  }
0x4a: {  	v8 =	vmov v13;
	v15 =	vadd.s32 v0, v11;
	v20 =	vld [tilespmem:s0+$0x20];
	v22 =	vadd.f32 v22, v5;
	[tilespmem:v24+s17+$0x0] =	vst.idx.msk $0xffff, v31  }
0x4b: {  	v23 =	vadd.s32 v2, v10;
	v13 =	vadd.f32 v27, v9;
	[tilespmem:v29+s17+$0x0] =	vst.idx.msk $0xffff, v18;
	v18 =	vld [tilespmem:s0+$0xFFFFFFA0]  }
0x4c: {  	v27 =	vadd.s32 v2, v30;
	v21 =	vadd.f32 v21, v9;
	v24 =	vld [tilespmem:s12+$0x50];
	[tilespmem:v14+s17+$0x0] =	vst.idx.msk $0xffff, v22  }
0x4d: {  	[tilespmem:v17+s17+$0x0] =	vst.idx.msk $0xffff, v13;
	v13 =	vadd.f32 v25, v9;
	v25 =	vadd.s32 v2, v12;
	v29 =	vld [tilespmem:s0+$0x70]  }
0x4e: {  	v32 =	vadd.s32 v1, v26;
	v31 =	vld [tilespmem:s12+$0xFFFFFF90];
	[tilespmem:v16+s17+$0x0] =	vst.idx.msk $0xffff, v21;
	v14 =	vadd.f32 v19, v5  }
0x4f: {  	v34 =	vadd.s32 v3, v7;
	v7 =	vmov v26;
	v33 =	vld [tilespmem:s12+$0xFFFFFFD0];
	[tilespmem:v15+s17+$0x0] =	vst.idx.msk $0xffff, v13;
	v13 =	vadd.f32 v20, v5  }
.Ltmp0:
0x50: {  	v22 =	vadd.s32 v1, v8;
	v17 =	vld [tilespmem:s12+$0x10];
	v15 =	vadd.f32 v18, v5;
	[tilespmem:v23+s17+$0x0] =	vst.idx.msk $0xffff, v14;
	(pc) =	sbr.rel @p1 .LBB2_3-.Ltmp0, $4  }
0x51: {  	v21 =	vadd.s32 v1, v28;
	v18 =	vadd.f32 v24, v6;
	v16 =	vld [tilespmem:s0+$0xFFFFFFF0];
	[tilespmem:v27+s17+$0x0] =	vst.idx.msk $0xffff, v13  }
0x52: {  	v14 =	vadd.s32 v1, v11;
	v13 =	vmov s5;
	[tilespmem:v25+s17+$0x0] =	vst.idx.msk $0xffff, v15;
	v15 =	vld [tilespmem:s0+$0x30];
	v27 =	vadd.f32 v29, v4  }
0x53: {  	s14 =	sadd.s32 $0x3, s5;
	v19 =	vadd.s32 v3, v10;
	v13 =	vand.u32 $0x7C, v13;
	v24 =	vadd.f32 v31, v6;
	[tilespmem:v32+s17+$0x0] =	vst.idx.msk $0xffff, v18;
	v18 =	vld [tilespmem:s0+$0xFFFFFFB0];
	s0 =	smov.u32 s12;
	s12 =	sadd.s32 $0x100, s12  }
0x54: {  	v26 =	vmov s14;
	v10 =	vmovc v28;
	v20 =	vadd.s32 v3, v30;
	s5 =	sadd.s32 $0x4, s5;
	v23 =	vld [tilespmem:s12+$0x40];
	v25 =	vadd.f32 v33, v6;
	[tilespmem:v34+s17+$0x0] =	vst.idx.msk $0xffff, v27  }
0x55: {  	s5 =	sadd.s32 $0x1, s13  }
0x56: {  	v26 =	vand.u32 $0x7F, v26;
	s8 =	sadd.s32 $0x2, s13;
	v28 =	vld [tilespmem:s12+$0xFFFFFFC0];
	v27 =	vmov s5  }
0x57: {  	v31 =	vld [tilespmem:s12+$0x0];
	v29 =	vadd.s32 v0, v26;
	v30 =	vmov s8;
	v27 =	vand.u32 $0x7D, v27  }
0x58: {  	v32 =	vld [tilespmem:s12+$0xFFFFFF80];
	v30 =	vand.u32 $0x7E, v30;
	v33 =	vadd.s32 v0, v27  }
0x59: {  	v34 =	vadd.s32 v0, v30  }
0x5a: {  	[tilespmem:v22+s17+$0x0] =	vst.idx.msk $0xffff, v24;
	v44 =	vadd.s32 v0, v13;
	v23 =	vadd.f32 v23, v9  }
0x5b: {  	[tilespmem:v21+s17+$0x0] =	vst.idx.msk $0xffff, v25;
	v45 =	vadd.f32 v28, v9  }
0x5c: {  	v46 =	vadd.f32 v31, v9;
	[tilespmem:v29+s17+$0x0] =	vst.idx.msk $0xffff, v23  }
0x5d: {  	v47 =	vadd.f32 v32, v9;
	v48 =	vld [tilespmem:s12+$0x50];
	[tilespmem:v33+s17+$0x0] =	vst.idx.msk $0xffff, v45  }
0x5e: {  	v17 =	vadd.f32 v17, v6;
	v12 =	vadd.s32 v3, v12;
	[tilespmem:v34+s17+$0x0] =	vst.idx.msk $0xffff, v46;
	v21 =	vld [tilespmem:s12+$0xFFFFFFD0]  }
0x5f: {  	v16 =	vadd.f32 v16, v4;
	v49 =	vadd.s32 v1, v26;
	[tilespmem:v44+s17+$0x0] =	vst.idx.msk $0xffff, v47;
	v50 =	vld [tilespmem:s12+$0x10]  }
0x60: {  	[tilespmem:v14+s17+$0x0] =	vst.idx.msk $0xffff, v17;
	v51 =	vadd.f32 v15, v4;
	v53 =	vadd.s32 v1, v27;
	v52 =	vld [tilespmem:s12+$0xFFFFFF90]  }
0x61: {  	v54 =	vld [tilespmem:s0+$0x60];
	v18 =	vadd.f32 v18, v4;
	[tilespmem:v19+s17+$0x0] =	vst.idx.msk $0xffff, v16;
	v55 =	vadd.s32 v1, v30  }
0x62: {  	v57 =	vadd.s32 v1, v13;
	v60 =	vld [tilespmem:s0+$0x20];
	[tilespmem:v20+s17+$0x0] =	vst.idx.msk $0xffff, v51;
	v58 =	vadd.f32 v48, v6  }
0x63: {  	v59 =	vadd.s32 v2, v7;
	v56 =	vld [tilespmem:s0+$0xFFFFFFE0];
	[tilespmem:v12+s17+$0x0] =	vst.idx.msk $0xffff, v18;
	v61 =	vadd.f32 v21, v6  }
0x64: {  	v62 =	vld [tilespmem:s0+$0xFFFFFFA0];
	v29 =	vadd.s32 v2, v11;
	[tilespmem:v49+s17+$0x0] =	vst.idx.msk $0xffff, v58;
	v28 =	vadd.f32 v50, v6  }
0x65: {  	v63 =	vadd.s32 v2, v10;
	v31 =	vadd.f32 v52, v6;
	v32 =	vld [tilespmem:s12+$0x60];
	[tilespmem:v53+s17+$0x0] =	vst.idx.msk $0xffff, v61  }
0x66: {  	v33 =	vadd.f32 v54, v5;
	v34 =	vadd.s32 v2, v8;
	[tilespmem:v55+s17+$0x0] =	vst.idx.msk $0xffff, v28;
	v35 =	vld [tilespmem:s12+$0xFFFFFFE0]  }
0x67: {  	v37 =	vadd.s32 v2, v26;
	v39 =	vadd.f32 v60, v5;
	[tilespmem:v57+s17+$0x0] =	vst.idx.msk $0xffff, v31;
	v38 =	vld [tilespmem:s12+$0x20]  }
0x68: {  	v41 =	vadd.s32 v2, v27;
	v36 =	vadd.f32 v56, v5;
	[tilespmem:v59+s17+$0x0] =	vst.idx.msk $0xffff, v33;
	v40 =	vld [tilespmem:s12+$0xFFFFFFA0]  }
0x69: {  	v43 =	vadd.s32 v2, v30;
	v18 =	vadd.f32 v62, v5;
	v42 =	vld [tilespmem:s0+$0x70];
	[tilespmem:v29+s17+$0x0] =	vst.idx.msk $0xffff, v39  }
0x6a: {  	v45 =	vadd.s32 v2, v13;
	[tilespmem:v63+s17+$0x0] =	vst.idx.msk $0xffff, v36;
	v47 =	vld [tilespmem:s0+$0x30];
	v44 =	vadd.f32 v32, v5  }
0x6b: {  	v46 =	vadd.s32 v3, v7;
	[tilespmem:v34+s17+$0x0] =	vst.idx.msk $0xffff, v18;
	v21 =	vld [tilespmem:s0+$0xFFFFFFF0];
	v9 =	vadd.f32 v35, v5  }
0x6c: {  	v18 =	vld [tilespmem:s0+$0xFFFFFFB0];
	v50 =	vadd.s32 v3, v11;
	[tilespmem:v37+s17+$0x0] =	vst.idx.msk $0xffff, v44;
	v49 =	vadd.f32 v38, v5  }
0x6d: {  	v48 =	vadd.s32 v3, v10;
	v5 =	vadd.f32 v40, v5;
	v12 =	vld [tilespmem:s12+$0x70];
	[tilespmem:v41+s17+$0x0] =	vst.idx.msk $0xffff, v9  }
0x6e: {  	v52 =	vadd.s32 v3, v8;
	v51 =	vadd.f32 v42, v4;
	[tilespmem:v43+s17+$0x0] =	vst.idx.msk $0xffff, v49;
	v53 =	vld [tilespmem:s12+$0xFFFFFFF0]  }
0x6f: {  	v55 =	vadd.s32 v3, v26;
	v56 =	vadd.f32 v47, v4;
	[tilespmem:v45+s17+$0x0] =	vst.idx.msk $0xffff, v5;
	v5 =	vld [tilespmem:s12+$0x30]  }
0x70: {  	v58 =	vadd.s32 v3, v27;
	[tilespmem:v46+s17+$0x0] =	vst.idx.msk $0xffff, v51;
	v54 =	vadd.f32 v21, v4;
	v57 =	vld [tilespmem:s12+$0xFFFFFFB0]  }
0x71: {  	v60 =	vadd.s32 v3, v30;
	v59 =	vadd.f32 v18, v4;
	[tilespmem:v50+s17+$0x0] =	vst.idx.msk $0xffff, v56  }
0x72: {  	v62 =	vadd.s32 v3, v13;
	[tilespmem:v48+s17+$0x0] =	vst.idx.msk $0xffff, v54;
	v61 =	vadd.f32 v12, v4  }
0x73: {  	[tilespmem:v52+s17+$0x0] =	vst.idx.msk $0xffff, v59;
	v63 =	vadd.f32 v53, v4  }
0x74: {  	s13 =	sshll.u32 s31, $0x14;
	[tilespmem:v55+s17+$0x0] =	vst.idx.msk $0xffff, v61;
	v5 =	vadd.f32 v5, v4  }
0x75: {  	s0 =	sor.u32 s7, s13;
	v4 =	vadd.f32 v57, v4;
	[tilespmem:v58+s17+$0x0] =	vst.idx.msk $0xffff, v63  }
0x76: {  	s0 =	sshrl.u32 s0, $0x3;
	[tilespmem:v60+s17+$0x0] =	vst.idx.msk $0xffff, v5  }
0x77: {  	s14 =	simm.s32 $0x11600;
	s5 =	sadd.s32 s2, s0;
	[tilespmem:v62+s17+$0x0] =	vst.idx.msk $0xffff, v4  }
0x78: {  	[hbm4b:s5+s3] =	stream.linear.scatter [tilespmem:s14], [sflag:$0x5], $0x80, $0x38;
	[tilespmem:$0x19E00] =	vst v63  }
0x79: {  	s6 =	simm.s32 $0x11688;
	s8 =	sadd.s32 $0x10, s5  }
0x7a: {  	[hbm4b:s8+s3] =	stream.linear.scatter [tilespmem:s6], [sflag:$0x5], $0x80, $0x38;
	[tilespmem:$0x19E00] =	vst v63  }
0x7b: {  	s13 =	simm.s32 $0x11710;
	s14 =	sadd.s32 $0x20, s5  }
0x7c: {  	[hbm4b:s14+s3] =	stream.linear.scatter [tilespmem:s13], [sflag:$0x5], $0x80, $0x38;
	[tilespmem:$0x19E00] =	vst v63  }
0x7d: {  	s6 =	simm.s32 $0x11798;
	s8 =	sadd.s32 $0x30, s5  }
0x7e: {  	[hbm4b:s8+s3] =	stream.linear.scatter [tilespmem:s6], [sflag:$0x5], $0x80, $0x38;
	[tilespmem:$0x19E00] =	vst v63  }
0x7f: {  	s13 =	simm.s32 $0x11820;
	s14 =	sadd.s32 $0x40, s5  }
0x80: {  	[hbm4b:s14+s3] =	stream.linear.scatter [tilespmem:s13], [sflag:$0x5], $0x80, $0x38;
	[tilespmem:$0x19E00] =	vst v63  }
0x81: {  	s0 =	simm.s32 $0x440;
	s6 =	simm.s32 $0x118A8;
	s8 =	sadd.s32 $0x50, s5  }
0x82: {  	[hbm4b:s8+s3] =	stream.linear.scatter [tilespmem:s6], [sflag:$0x5], $0x80, $0x38;
	[tilespmem:$0x19E00] =	vst v63  }
0x83: {  	s12 =	simm.s32 $0x2200;
	s13 =	simm.s32 $0x11930;
	s14 =	sadd.s32 $0x60, s5  }
0x84: {  	[hbm4b:s14+s3] =	stream.linear.scatter [tilespmem:s13], [sflag:$0x5], $0x80, $0x38;
	[tilespmem:$0x19E00] =	vst v63  }
0x85: {  	s13 =	simm.s32 $0x119B8;
	s14 =	sadd.s32 $0x70, s5;
	s5 =	sadd.s32 $0x1000, s5  }
.LBB2_5:
0x86: {  	[hbm4b:s14+s3] =	stream.linear.scatter [tilespmem:s13], [sflag:$0x5], $0x80, $0x38;
	[tilespmem:$0x19E00] =	vst v63  }
0x87: {  	s13 =	smov.u32 s0;
	s0 =	smov.u32 s12  }
0x88: {  	s6 =	sadd.s32 $0x1100, s12;
	s0 =	sshra.s32 s0, $0x2;
	s14 =	sadd.s32 $0x11600, s13  }
0x89: {  	[hbm4b:s5+s3] =	stream.linear.scatter [tilespmem:s14], [sflag:$0x5], $0x80, $0x38;
	[tilespmem:$0x19E00] =	vst v63  }
0x8a: {  	p1 =	sne.s32 s12, $0x7700;
	s12 =	sadd.s32 $0x11688, s13;
	s14 =	sadd.s32 $0x10, s5  }
0x8b: {  	[hbm4b:s14+s3] =	stream.linear.scatter [tilespmem:s12], [sflag:$0x5], $0x80, $0x38;
	[tilespmem:$0x19E00] =	vst v63  }
0x8c: {  	s12 =	sadd.s32 $0x11710, s13;
	s14 =	sadd.s32 $0x20, s5  }
0x8d: {  	[hbm4b:s14+s3] =	stream.linear.scatter [tilespmem:s12], [sflag:$0x5], $0x80, $0x38;
	[tilespmem:$0x19E00] =	vst v63  }
0x8e: {  	s12 =	sadd.s32 $0x11798, s13;
	s14 =	sadd.s32 $0x30, s5  }
0x8f: {  	[hbm4b:s14+s3] =	stream.linear.scatter [tilespmem:s12], [sflag:$0x5], $0x80, $0x38;
	[tilespmem:$0x19E00] =	vst v63  }
0x90: {  	s12 =	sadd.s32 $0x11820, s13;
	s14 =	sadd.s32 $0x40, s5  }
0x91: {  	[hbm4b:s14+s3] =	stream.linear.scatter [tilespmem:s12], [sflag:$0x5], $0x80, $0x38;
	[tilespmem:$0x19E00] =	vst v63  }
.Ltmp1:
0x92: {  	s12 =	sadd.s32 $0x118A8, s13;
	s14 =	sadd.s32 $0x50, s5;
	(pc) =	sbr.rel @p1 .LBB2_5-.Ltmp1, $4  }
0x93: {  	[hbm4b:s14+s3] =	stream.linear.scatter [tilespmem:s12], [sflag:$0x5], $0x80, $0x38;
	[tilespmem:$0x19E00] =	vst v63  }
0x94: {  	s12 =	sadd.s32 $0x11930, s13;
	s14 =	sadd.s32 $0x60, s5;
	s13 =	sadd.s32 $0x119B8, s13  }
0x95: {  	[hbm4b:s14+s3] =	stream.linear.scatter [tilespmem:s12], [sflag:$0x5], $0x80, $0x38;
	[tilespmem:$0x19E00] =	vst v63  }
0x96: {  	s14 =	sadd.s32 $0x70, s5;
	s5 =	sadd.s32 $0x1000, s5;
	s12 =	smov.u32 s6  }
0x97: {  	[hbm4b:s14+s3] =	stream.linear.scatter [tilespmem:s13], [sflag:$0x5], $0x80, $0x38;
	[tilespmem:$0x19E00] =	vst v63  }
0x98: {  	s6 =	sadd.s32 $0x11600, s0  }
0x99: {  	[hbm4b:s5+s3] =	stream.linear.scatter [tilespmem:s6], [sflag:$0x5], $0x80, $0x38;
	[tilespmem:$0x19E00] =	vst v63  }
0x9a: {  	s8 =	sadd.s32 $0x11688, s0;
	s12 =	sadd.s32 $0x10, s5  }
0x9b: {  	[hbm4b:s12+s3] =	stream.linear.scatter [tilespmem:s8], [sflag:$0x5], $0x80, $0x38;
	[tilespmem:$0x19E00] =	vst v63  }
0x9c: {  	s13 =	sadd.s32 $0x20, s5;
	s12 =	sadd.s32 $0x11710, s0  }
0x9d: {  	[hbm4b:s13+s3] =	stream.linear.scatter [tilespmem:s12], [sflag:$0x5], $0x80, $0x38;
	[tilespmem:$0x19E00] =	vst v63  }
0x9e: {  	s14 =	sadd.s32 $0x11798, s0;
	s8 =	sadd.s32 $0x30, s5  }
0x9f: {  	[hbm4b:s8+s3] =	stream.linear.scatter [tilespmem:s14], [sflag:$0x5], $0x80, $0x38;
	[tilespmem:$0x19E00] =	vst v63  }
0xa0: {  	s12 =	sadd.s32 $0x11820, s0;
	s13 =	sadd.s32 $0x40, s5  }
0xa1: {  	[hbm4b:s13+s3] =	stream.linear.scatter [tilespmem:s12], [sflag:$0x5], $0x80, $0x38;
	[tilespmem:$0x19E00] =	vst v63  }
0xa2: {  	s14 =	sadd.s32 $0x118A8, s0;
	s8 =	sadd.s32 $0x50, s5  }
0xa3: {  	[hbm4b:s8+s3] =	stream.linear.scatter [tilespmem:s14], [sflag:$0x5], $0x80, $0x38;
	[tilespmem:$0x19E00] =	vst v63  }
0xa4: {  	s13 =	sadd.s32 $0x11930, s0;
	s14 =	sadd.s32 $0x60, s5  }
0xa5: {  	[hbm4b:s14+s3] =	stream.linear.scatter [tilespmem:s13], [sflag:$0x5], $0x80, $0x38;
	[tilespmem:$0x19E00] =	vst v63  }
0xa6: {  	s12 =	sadd.s32 $0x70, s5;
	s8 =	sadd.s32 $0x119B8, s0;
	s5 =	simm.s32 @!p0 $0x8  }
0xa7: {  	[hbm4b:s12+s3] =	stream.linear.scatter [tilespmem:s8], [sflag:$0x5], $0x80, $0x38;
	[tilespmem:$0x19E00] =	vst v63  }
0xa8: {  	s0 =	sor.u32 $0x3, s9;
	_ =	swait.ge @!p0 [sflag:s5], $0x2000  }
0xa9: {  	s13 =	sshll.u32 s0, $0x7;
	[sflag:s5] =	ssyncset.done @!p0 $0x0  }
0xaa: {  	s14 =	sand.u32 $0x3FFFFF80, s13;
	[sflag:s5] =	ssyncadd.s32 @!p0 $0xFFFFE000  }
0xab: {  	[tilespmem:s18], [sflag:$0x4] =	stream.indirect.gather [hbm4b:s4+s11], $0x40, s14, s11, $0xb8;
	[tilespmem:$0x19E00] =	vst v63  }
0xac: {  	s9 =	sor.u32 $0x1, s9;
	_ =	swait.ge [sflag:s19], $0x2000  }
0xad: {  	s6 =	sshll.u32 s9, $0x6;
	[sflag:s19] =	ssyncset.done $0x0  }
0xae: {  	s6 =	sand.u32 $0x3FFFFFC0, s6;
	[sflag:s19] =	ssyncadd.s32 $0xFFFFE000  }
0xaf: {  	s8 =	simm.s32 $0x3;
	s5 =	simm.s32 $0xB6F0;
	v9 =	vld [tilespmem:s6+$0x6400]  }
0xb0: {  	v4 =	vmov s8;
	v7 =	vld [tilespmem:s5+$0xFFFFFFD0]  }
0xb1: {  	v13 =	vand.u32 $0x7F, v4  }
0xb2: {  	s13 =	simm.s32 $0x0;
	v8 =	vadd.s32 v0, v13;
	v6 =	vld [tilespmem:s6+$0x6410]  }
0xb3: {  	s8 =	simm.s32 $0x2;
	v4 =	vmov s13;
	s14 =	simm.s32 $0x1;
	v10 =	vld [tilespmem:s5+$0xFFFFFF10]  }
0xb4: {  	v14 =	vmov s8;
	v12 =	vand.u32 $0x7C, v4;
	v4 =	vmov s14;
	v11 =	vld [tilespmem:s5+$0xFFFFFF50]  }
0xb5: {  	v15 =	vadd.s32 v0, v12;
	v19 =	vand.u32 $0x7D, v4;
	v16 =	vld [tilespmem:s5+$0xFFFFFF90];
	v7 =	vadd.f32 v7, v9  }
0xb6: {  	v20 =	vand.u32 $0x7E, v14;
	v17 =	vadd.s32 v0, v19;
	v5 =	vld [tilespmem:s6+$0x6420]  }
0xb7: {  	v14 =	vadd.s32 v0, v20;
	v4 =	vld [tilespmem:s6+$0x6430];
	[tilespmem:v8+s20+$0x0] =	vst.idx.msk $0xffff, v7  }
0xb8: {  	v7 =	vadd.f32 v10, v9;
	v8 =	vld [tilespmem:s5+$0xFFFFFFE0]  }
0xb9: {  	v10 =	vadd.f32 v11, v9  }
0xba: {  	v11 =	vadd.s32 v1, v13;
	[tilespmem:v15+s20+$0x0] =	vst.idx.msk $0xffff, v7;
	v7 =	vadd.f32 v16, v9  }
0xbb: {  	[tilespmem:v17+s20+$0x0] =	vst.idx.msk $0xffff, v10;
	v15 =	vld [tilespmem:s5+$0xFFFFFF20]  }
0xbc: {  	v10 =	vld [tilespmem:s5+$0xFFFFFF60];
	[tilespmem:v14+s20+$0x0] =	vst.idx.msk $0xffff, v7  }
0xbd: {  	v14 =	vld [tilespmem:s5+$0xFFFFFFA0];
	v7 =	vadd.f32 v8, v6  }
0xbe: {  	s12 =	simm.s32 $0xB7F0;
	s8 =	simm.s32 $0x7;
	v16 =	vadd.s32 v1, v19  }
0xbf: {  	v26 =	vadd.s32 v2, v13;
	s14 =	simm.s32 $0x4;
	v18 =	vld [tilespmem:s12+$0xFFFFFFD0];
	v17 =	vadd.s32 v1, v20;
	[tilespmem:v11+s20+$0x0] =	vst.idx.msk $0xffff, v7;
	v7 =	vmov s8  }
0xc0: {  	v21 =	vadd.s32 v1, v12;
	v8 =	vmov s14;
	v7 =	vand.u32 $0x7F, v7;
	v22 =	vld [tilespmem:s5+$0xFFFFFFF0]  }
0xc1: {  	s13 =	simm.s32 $0x5;
	v23 =	vld [tilespmem:s12+$0xFFFFFF10];
	v8 =	vand.u32 $0x7C, v8;
	v10 =	vadd.f32 v10, v6;
	v24 =	vadd.s32 v0, v7  }
0xc2: {  	v25 =	vld [tilespmem:s12+$0xFFFFFF50];
	s14 =	simm.s32 $0x6;
	v15 =	vadd.f32 v15, v6;
	v11 =	vadd.f32 v14, v6;
	v14 =	vmov s13  }
0xc3: {  	v27 =	vadd.s32 v0, v8;
	[tilespmem:v16+s20+$0x0] =	vst.idx.msk $0xffff, v10;
	v16 =	vmov s14;
	v10 =	vand.u32 $0x7D, v14;
	v14 =	vld [tilespmem:s12+$0xFFFFFF90]  }
0xc4: {  	[tilespmem:v17+s20+$0x0] =	vst.idx.msk $0xffff, v11;
	v17 =	vadd.s32 v0, v10;
	v11 =	vand.u32 $0x7E, v16;
	v16 =	vadd.f32 v18, v9;
	v18 =	vld [tilespmem:s5+$0xFFFFFF70]  }
0xc5: {  	[tilespmem:v21+s20+$0x0] =	vst.idx.msk $0xffff, v15;
	v15 =	vadd.s32 v0, v11;
	v21 =	vld [tilespmem:s5+$0xFFFFFFB0];
	v22 =	vadd.f32 v22, v5  }
0xc6: {  	v23 =	vadd.f32 v23, v9;
	[tilespmem:v24+s20+$0x0] =	vst.idx.msk $0xffff, v16;
	v16 =	vld [tilespmem:s5+$0xFFFFFF30];
	v24 =	vadd.s32 v2, v19  }
0xc7: {  	v29 =	vadd.s32 v2, v20;
	v25 =	vadd.f32 v25, v9;
	v28 =	vld [tilespmem:s12+$0xFFFFFFE0];
	[tilespmem:v26+s20+$0x0] =	vst.idx.msk $0xffff, v22  }
0xc8: {  	[tilespmem:v27+s20+$0x0] =	vst.idx.msk $0xffff, v23;
	v23 =	vadd.s32 v2, v12;
	v14 =	vadd.f32 v14, v9;
	v26 =	vld [tilespmem:s5+$0x0]  }
0xc9: {  	v27 =	vld [tilespmem:s12+$0xFFFFFF20];
	[tilespmem:v17+s20+$0x0] =	vst.idx.msk $0xffff, v25;
	v25 =	vadd.s32 v1, v7;
	v18 =	vadd.f32 v18, v5  }
0xca: {  	v31 =	vadd.s32 v3, v13;
	v30 =	vld [tilespmem:s12+$0xFFFFFF60];
	[tilespmem:v15+s20+$0x0] =	vst.idx.msk $0xffff, v14;
	v14 =	vadd.f32 v21, v5  }
0xcb: {  	v22 =	vadd.s32 v1, v8;
	v17 =	vld [tilespmem:s12+$0xFFFFFFA0];
	v13 =	vadd.f32 v16, v5;
	[tilespmem:v24+s20+$0x0] =	vst.idx.msk $0xffff, v18  }
0xcc: {  	s14 =	simm.s32 $0x8;
	v21 =	vadd.s32 v1, v10;
	[tilespmem:v29+s20+$0x0] =	vst.idx.msk $0xffff, v14;
	v18 =	vadd.f32 v28, v6;
	v16 =	vld [tilespmem:s5+$0xFFFFFF80]  }
0xcd: {  	v24 =	vmov s14;
	v14 =	vadd.s32 v1, v11;
	v15 =	vld [tilespmem:s5+$0xFFFFFFC0];
	[tilespmem:v23+s20+$0x0] =	vst.idx.msk $0xffff, v13;
	v63 =	vadd.f32 v26, v4  }
0xce: {  	s8 =	simm.s32 $0xB;
	s13 =	simm.s32 $0xB8F0;
	v19 =	vadd.s32 v3, v19;
	v13 =	vand.u32 $0x7C, v24;
	v24 =	vadd.f32 v27, v6;
	[tilespmem:v25+s20+$0x0] =	vst.idx.msk $0xffff, v18;
	v18 =	vld [tilespmem:s5+$0xFFFFFF40]  }
0xcf: {  	v20 =	vadd.s32 v3, v20;
	v26 =	vmov s8;
	v23 =	vld [tilespmem:s13+$0xFFFFFFD0];
	s5 =	simm.s32 $0xC;
	v25 =	vadd.f32 v30, v6;
	[tilespmem:v31+s20+$0x0] =	vst.idx.msk $0xffff, v63  }
.LBB2_7:
0xd0: {  	p0 =	slt.u32 s5, $0x7C;
	s6 =	sadd.s32 $0x1, s14;
	v26 =	vand.u32 $0x7F, v26;
	[tilespmem:v22+s20+$0x0] =	vst.idx.msk $0xffff, v24;
	v17 =	vadd.f32 v17, v6;
	v22 =	vld [tilespmem:s12+$0xFFFFFFF0];
	v24 =	vadd.s32 v3, v12  }
0xd1: {  	v30 =	vmovc v11;
	v27 =	vld [tilespmem:s13+$0xFFFFFF10];
	v28 =	vmov s6;
	s6 =	sadd.s32 $0x2, s14;
	v29 =	vadd.s32 v0, v26;
	[tilespmem:v21+s20+$0x0] =	vst.idx.msk $0xffff, v25;
	v16 =	vadd.f32 v16, v4;
	s14 =	smov.u32 s5  }
0xd2: {  	v12 =	vmovc v8;
	v21 =	vld [tilespmem:s13+$0xFFFFFF50];
	v11 =	vmov s6;
	[tilespmem:v14+s20+$0x0] =	vst.idx.msk $0xffff, v17;
	v14 =	vadd.s32 v2, v7;
	v15 =	vadd.f32 v15, v4  }
0xd3: {  	v17 =	vadd.s32 v0, v13;
	v28 =	vand.u32 $0x7D, v28;
	v25 =	vld [tilespmem:s13+$0xFFFFFF90];
	v31 =	vadd.f32 v18, v4;
	[tilespmem:v19+s20+$0x0] =	vst.idx.msk $0xffff, v16  }
0xd4: {  	v16 =	vadd.s32 v0, v28;
	v11 =	vand.u32 $0x7E, v11;
	v18 =	vadd.f32 v23, v9;
	v19 =	vld [tilespmem:s12+$0xFFFFFF70];
	[tilespmem:v20+s20+$0x0] =	vst.idx.msk $0xffff, v15  }
0xd5: {  	v8 =	vmov v13;
	v15 =	vadd.s32 v0, v11;
	v20 =	vld [tilespmem:s12+$0xFFFFFFB0];
	v22 =	vadd.f32 v22, v5;
	[tilespmem:v24+s20+$0x0] =	vst.idx.msk $0xffff, v31  }
0xd6: {  	v23 =	vadd.s32 v2, v10;
	v13 =	vadd.f32 v27, v9;
	[tilespmem:v29+s20+$0x0] =	vst.idx.msk $0xffff, v18;
	v18 =	vld [tilespmem:s12+$0xFFFFFF30]  }
0xd7: {  	v27 =	vadd.s32 v2, v30;
	v21 =	vadd.f32 v21, v9;
	v24 =	vld [tilespmem:s13+$0xFFFFFFE0];
	[tilespmem:v14+s20+$0x0] =	vst.idx.msk $0xffff, v22  }
0xd8: {  	[tilespmem:v17+s20+$0x0] =	vst.idx.msk $0xffff, v13;
	v13 =	vadd.f32 v25, v9;
	v25 =	vadd.s32 v2, v12;
	v29 =	vld [tilespmem:s12+$0x0]  }
0xd9: {  	v32 =	vadd.s32 v1, v26;
	v31 =	vld [tilespmem:s13+$0xFFFFFF20];
	[tilespmem:v16+s20+$0x0] =	vst.idx.msk $0xffff, v21;
	v14 =	vadd.f32 v19, v5  }
0xda: {  	v34 =	vadd.s32 v3, v7;
	v7 =	vmov v26;
	v33 =	vld [tilespmem:s13+$0xFFFFFF60];
	[tilespmem:v15+s20+$0x0] =	vst.idx.msk $0xffff, v13;
	v13 =	vadd.f32 v20, v5  }
.Ltmp2:
0xdb: {  	v22 =	vadd.s32 v1, v8;
	v17 =	vld [tilespmem:s13+$0xFFFFFFA0];
	v15 =	vadd.f32 v18, v5;
	[tilespmem:v23+s20+$0x0] =	vst.idx.msk $0xffff, v14;
	(pc) =	sbr.rel @p0 .LBB2_7-.Ltmp2, $4  }
0xdc: {  	v21 =	vadd.s32 v1, v28;
	v18 =	vadd.f32 v24, v6;
	v16 =	vld [tilespmem:s12+$0xFFFFFF80];
	[tilespmem:v27+s20+$0x0] =	vst.idx.msk $0xffff, v13  }
0xdd: {  	v14 =	vadd.s32 v1, v11;
	v13 =	vmov s5;
	[tilespmem:v25+s20+$0x0] =	vst.idx.msk $0xffff, v15;
	v15 =	vld [tilespmem:s12+$0xFFFFFFC0];
	v27 =	vadd.f32 v29, v4  }
0xde: {  	s6 =	sadd.s32 $0x3, s5;
	v19 =	vadd.s32 v3, v10;
	v13 =	vand.u32 $0x7C, v13;
	v24 =	vadd.f32 v31, v6;
	[tilespmem:v32+s20+$0x0] =	vst.idx.msk $0xffff, v18;
	v18 =	vld [tilespmem:s12+$0xFFFFFF40];
	s12 =	smov.u32 s13;
	s13 =	sadd.s32 $0x100, s13  }
0xdf: {  	v26 =	vmov s6;
	v10 =	vmovc v28;
	v20 =	vadd.s32 v3, v30;
	s5 =	sadd.s32 $0x4, s5;
	v23 =	vld [tilespmem:s13+$0xFFFFFFD0];
	v25 =	vadd.f32 v33, v6;
	[tilespmem:v34+s20+$0x0] =	vst.idx.msk $0xffff, v27  }
0xe0: {  	s5 =	sadd.s32 $0x1, s14  }
0xe1: {  	v26 =	vand.u32 $0x7F, v26;
	s6 =	sadd.s32 $0x2, s14;
	v28 =	vld [tilespmem:s13+$0xFFFFFF50];
	v27 =	vmov s5  }
0xe2: {  	v31 =	vld [tilespmem:s13+$0xFFFFFF90];
	v29 =	vadd.s32 v0, v26;
	v30 =	vmov s6;
	v27 =	vand.u32 $0x7D, v27  }
0xe3: {  	v32 =	vld [tilespmem:s13+$0xFFFFFF10];
	v30 =	vand.u32 $0x7E, v30;
	v33 =	vadd.s32 v0, v27  }
0xe4: {  	v34 =	vadd.s32 v0, v30  }
0xe5: {  	[tilespmem:v22+s20+$0x0] =	vst.idx.msk $0xffff, v24;
	v44 =	vadd.s32 v0, v13;
	v23 =	vadd.f32 v23, v9  }
0xe6: {  	[tilespmem:v21+s20+$0x0] =	vst.idx.msk $0xffff, v25;
	v45 =	vadd.f32 v28, v9  }
0xe7: {  	v46 =	vadd.f32 v31, v9;
	[tilespmem:v29+s20+$0x0] =	vst.idx.msk $0xffff, v23  }
0xe8: {  	v47 =	vadd.f32 v32, v9;
	v48 =	vld [tilespmem:s13+$0xFFFFFFE0];
	[tilespmem:v33+s20+$0x0] =	vst.idx.msk $0xffff, v45  }
0xe9: {  	v17 =	vadd.f32 v17, v6;
	v12 =	vadd.s32 v3, v12;
	[tilespmem:v34+s20+$0x0] =	vst.idx.msk $0xffff, v46;
	v21 =	vld [tilespmem:s13+$0xFFFFFF60]  }
0xea: {  	v16 =	vadd.f32 v16, v4;
	v49 =	vadd.s32 v1, v26;
	[tilespmem:v44+s20+$0x0] =	vst.idx.msk $0xffff, v47;
	v50 =	vld [tilespmem:s13+$0xFFFFFFA0]  }
0xeb: {  	[tilespmem:v14+s20+$0x0] =	vst.idx.msk $0xffff, v17;
	v51 =	vadd.f32 v15, v4;
	v53 =	vadd.s32 v1, v27;
	v52 =	vld [tilespmem:s13+$0xFFFFFF20]  }
0xec: {  	v54 =	vld [tilespmem:s12+$0xFFFFFFF0];
	v18 =	vadd.f32 v18, v4;
	[tilespmem:v19+s20+$0x0] =	vst.idx.msk $0xffff, v16;
	v55 =	vadd.s32 v1, v30  }
0xed: {  	v57 =	vadd.s32 v1, v13;
	v60 =	vld [tilespmem:s12+$0xFFFFFFB0];
	[tilespmem:v20+s20+$0x0] =	vst.idx.msk $0xffff, v51;
	v58 =	vadd.f32 v48, v6  }
0xee: {  	v59 =	vadd.s32 v2, v7;
	v56 =	vld [tilespmem:s12+$0xFFFFFF70];
	[tilespmem:v12+s20+$0x0] =	vst.idx.msk $0xffff, v18;
	v61 =	vadd.f32 v21, v6  }
0xef: {  	v62 =	vld [tilespmem:s12+$0xFFFFFF30];
	v29 =	vadd.s32 v2, v11;
	[tilespmem:v49+s20+$0x0] =	vst.idx.msk $0xffff, v58;
	v28 =	vadd.f32 v50, v6  }
0xf0: {  	v63 =	vadd.s32 v2, v10;
	v31 =	vadd.f32 v52, v6;
	v32 =	vld [tilespmem:s13+$0xFFFFFFF0];
	[tilespmem:v53+s20+$0x0] =	vst.idx.msk $0xffff, v61  }
0xf1: {  	v33 =	vadd.f32 v54, v5;
	v34 =	vadd.s32 v2, v8;
	[tilespmem:v55+s20+$0x0] =	vst.idx.msk $0xffff, v28;
	v35 =	vld [tilespmem:s13+$0xFFFFFF70]  }
0xf2: {  	v37 =	vadd.s32 v2, v26;
	v39 =	vadd.f32 v60, v5;
	[tilespmem:v57+s20+$0x0] =	vst.idx.msk $0xffff, v31;
	v38 =	vld [tilespmem:s13+$0xFFFFFFB0]  }
0xf3: {  	v41 =	vadd.s32 v2, v27;
	v36 =	vadd.f32 v56, v5;
	[tilespmem:v59+s20+$0x0] =	vst.idx.msk $0xffff, v33;
	v40 =	vld [tilespmem:s13+$0xFFFFFF30]  }
0xf4: {  	v43 =	vadd.s32 v2, v30;
	v18 =	vadd.f32 v62, v5;
	v42 =	vld [tilespmem:s12+$0x0];
	[tilespmem:v29+s20+$0x0] =	vst.idx.msk $0xffff, v39  }
0xf5: {  	v45 =	vadd.s32 v2, v13;
	[tilespmem:v63+s20+$0x0] =	vst.idx.msk $0xffff, v36;
	v47 =	vld [tilespmem:s12+$0xFFFFFFC0];
	v44 =	vadd.f32 v32, v5  }
0xf6: {  	v46 =	vadd.s32 v3, v7;
	[tilespmem:v34+s20+$0x0] =	vst.idx.msk $0xffff, v18;
	v21 =	vld [tilespmem:s12+$0xFFFFFF80];
	v9 =	vadd.f32 v35, v5  }
0xf7: {  	v18 =	vld [tilespmem:s12+$0xFFFFFF40];
	v50 =	vadd.s32 v3, v11;
	[tilespmem:v37+s20+$0x0] =	vst.idx.msk $0xffff, v44;
	v49 =	vadd.f32 v38, v5  }
0xf8: {  	v48 =	vadd.s32 v3, v10;
	v5 =	vadd.f32 v40, v5;
	v12 =	vld [tilespmem:s13+$0x0];
	[tilespmem:v41+s20+$0x0] =	vst.idx.msk $0xffff, v9  }
0xf9: {  	v52 =	vadd.s32 v3, v8;
	v51 =	vadd.f32 v42, v4;
	[tilespmem:v43+s20+$0x0] =	vst.idx.msk $0xffff, v49;
	v53 =	vld [tilespmem:s13+$0xFFFFFF80]  }
0xfa: {  	v55 =	vadd.s32 v3, v26;
	v56 =	vadd.f32 v47, v4;
	[tilespmem:v45+s20+$0x0] =	vst.idx.msk $0xffff, v5;
	v5 =	vld [tilespmem:s13+$0xFFFFFFC0]  }
0xfb: {  	v58 =	vadd.s32 v3, v27;
	[tilespmem:v46+s20+$0x0] =	vst.idx.msk $0xffff, v51;
	v54 =	vadd.f32 v21, v4;
	v57 =	vld [tilespmem:s13+$0xFFFFFF40]  }
0xfc: {  	v60 =	vadd.s32 v3, v30;
	v59 =	vadd.f32 v18, v4;
	[tilespmem:v50+s20+$0x0] =	vst.idx.msk $0xffff, v56  }
0xfd: {  	v62 =	vadd.s32 v3, v13;
	[tilespmem:v48+s20+$0x0] =	vst.idx.msk $0xffff, v54;
	v61 =	vadd.f32 v12, v4  }
0xfe: {  	[tilespmem:v52+s20+$0x0] =	vst.idx.msk $0xffff, v59;
	v63 =	vadd.f32 v53, v4  }
0xff: {  	s8 =	sshll.u32 s9, $0x12;
	[tilespmem:v55+s20+$0x0] =	vst.idx.msk $0xffff, v61;
	v5 =	vadd.f32 v5, v4  }
0x100: {  	s5 =	sor.u32 s7, s8;
	v4 =	vadd.f32 v57, v4;
	[tilespmem:v58+s20+$0x0] =	vst.idx.msk $0xffff, v63  }
0x101: {  	s5 =	sshrl.u32 s5, $0x3;
	[tilespmem:v60+s20+$0x0] =	vst.idx.msk $0xffff, v5  }
0x102: {  	s9 =	simm.s32 $0x13800;
	s6 =	sadd.s32 s2, s5;
	[tilespmem:v62+s20+$0x0] =	vst.idx.msk $0xffff, v4  }
0x103: {  	[hbm4b:s6+s3] =	stream.linear.scatter [tilespmem:s9], [sflag:$0x6], $0x80, $0x38;
	[tilespmem:$0x19E00] =	vst v63  }
0x104: {  	s12 =	simm.s32 $0x13888;
	s13 =	sadd.s32 $0x10, s6  }
0x105: {  	[hbm4b:s13+s3] =	stream.linear.scatter [tilespmem:s12], [sflag:$0x6], $0x80, $0x38;
	[tilespmem:$0x19E00] =	vst v63  }
0x106: {  	s14 =	simm.s32 $0x13910;
	s8 =	sadd.s32 $0x20, s6  }
0x107: {  	[hbm4b:s8+s3] =	stream.linear.scatter [tilespmem:s14], [sflag:$0x6], $0x80, $0x38;
	[tilespmem:$0x19E00] =	vst v63  }
0x108: {  	s12 =	simm.s32 $0x13998;
	s13 =	sadd.s32 $0x30, s6  }
0x109: {  	[hbm4b:s13+s3] =	stream.linear.scatter [tilespmem:s12], [sflag:$0x6], $0x80, $0x38;
	[tilespmem:$0x19E00] =	vst v63  }
0x10a: {  	s14 =	simm.s32 $0x13A20;
	s8 =	sadd.s32 $0x40, s6  }
0x10b: {  	[hbm4b:s8+s3] =	stream.linear.scatter [tilespmem:s14], [sflag:$0x6], $0x80, $0x38;
	[tilespmem:$0x19E00] =	vst v63  }
0x10c: {  	s5 =	simm.s32 $0x440;
	s9 =	simm.s32 $0x13AA8;
	s12 =	sadd.s32 $0x50, s6  }
0x10d: {  	[hbm4b:s12+s3] =	stream.linear.scatter [tilespmem:s9], [sflag:$0x6], $0x80, $0x38;
	[tilespmem:$0x19E00] =	vst v63  }
0x10e: {  	s13 =	simm.s32 $0x13B30;
	s14 =	sadd.s32 $0x60, s6;
	s12 =	simm.s32 $0x2200  }
0x10f: {  	[hbm4b:s14+s3] =	stream.linear.scatter [tilespmem:s13], [sflag:$0x6], $0x80, $0x38;
	[tilespmem:$0x19E00] =	vst v63  }
0x110: {  	s9 =	sadd.s32 $0x1000, s6;
	s13 =	simm.s32 $0x13BB8;
	s14 =	sadd.s32 $0x70, s6  }
.LBB2_9:
0x111: {  	[hbm4b:s14+s3] =	stream.linear.scatter [tilespmem:s13], [sflag:$0x6], $0x80, $0x38;
	[tilespmem:$0x19E00] =	vst v63  }
0x112: {  	s6 =	smov.u32 s5;
	s5 =	smov.u32 s12  }
0x113: {  	s8 =	sadd.s32 $0x1100, s12;
	s5 =	sshra.s32 s5, $0x2;
	s13 =	sadd.s32 $0x13800, s6  }
0x114: {  	[hbm4b:s9+s3] =	stream.linear.scatter [tilespmem:s13], [sflag:$0x6], $0x80, $0x38;
	[tilespmem:$0x19E00] =	vst v63  }
0x115: {  	p0 =	sne.s32 s12, $0x7700;
	s12 =	sadd.s32 $0x13888, s6;
	s13 =	sadd.s32 $0x10, s9  }
0x116: {  	[hbm4b:s13+s3] =	stream.linear.scatter [tilespmem:s12], [sflag:$0x6], $0x80, $0x38;
	[tilespmem:$0x19E00] =	vst v63  }
0x117: {  	s12 =	sadd.s32 $0x13910, s6;
	s13 =	sadd.s32 $0x20, s9  }
0x118: {  	[hbm4b:s13+s3] =	stream.linear.scatter [tilespmem:s12], [sflag:$0x6], $0x80, $0x38;
	[tilespmem:$0x19E00] =	vst v63  }
0x119: {  	s12 =	sadd.s32 $0x13998, s6;
	s13 =	sadd.s32 $0x30, s9  }
0x11a: {  	[hbm4b:s13+s3] =	stream.linear.scatter [tilespmem:s12], [sflag:$0x6], $0x80, $0x38;
	[tilespmem:$0x19E00] =	vst v63  }
0x11b: {  	s12 =	sadd.s32 $0x13A20, s6;
	s13 =	sadd.s32 $0x40, s9  }
0x11c: {  	[hbm4b:s13+s3] =	stream.linear.scatter [tilespmem:s12], [sflag:$0x6], $0x80, $0x38;
	[tilespmem:$0x19E00] =	vst v63  }
.Ltmp3:
0x11d: {  	s12 =	sadd.s32 $0x13AA8, s6;
	s13 =	sadd.s32 $0x50, s9;
	(pc) =	sbr.rel @p0 .LBB2_9-.Ltmp3, $4  }
0x11e: {  	[hbm4b:s13+s3] =	stream.linear.scatter [tilespmem:s12], [sflag:$0x6], $0x80, $0x38;
	[tilespmem:$0x19E00] =	vst v63  }
0x11f: {  	s14 =	sadd.s32 $0x70, s9;
	s12 =	sadd.s32 $0x13B30, s6;
	s13 =	sadd.s32 $0x60, s9  }
0x120: {  	[hbm4b:s13+s3] =	stream.linear.scatter [tilespmem:s12], [sflag:$0x6], $0x80, $0x38;
	[tilespmem:$0x19E00] =	vst v63  }
0x121: {  	s9 =	sadd.s32 $0x1000, s9;
	s13 =	sadd.s32 $0x13BB8, s6;
	s12 =	smov.u32 s8  }
0x122: {  	[hbm4b:s14+s3] =	stream.linear.scatter [tilespmem:s13], [sflag:$0x6], $0x80, $0x38;
	[tilespmem:$0x19E00] =	vst v63  }
0x123: {  	s6 =	sadd.s32 $0x13800, s5  }
0x124: {  	[hbm4b:s9+s3] =	stream.linear.scatter [tilespmem:s6], [sflag:$0x6], $0x80, $0x38;
	[tilespmem:$0x19E00] =	vst v63  }
0x125: {  	s14 =	sadd.s32 $0x13888, s5;
	s8 =	sadd.s32 $0x10, s9  }
0x126: {  	[hbm4b:s8+s3] =	stream.linear.scatter [tilespmem:s14], [sflag:$0x6], $0x80, $0x38;
	[tilespmem:$0x19E00] =	vst v63  }
0x127: {  	s12 =	sadd.s32 $0x20, s9;
	s8 =	sadd.s32 $0x13910, s5  }
0x128: {  	[hbm4b:s12+s3] =	stream.linear.scatter [tilespmem:s8], [sflag:$0x6], $0x80, $0x38;
	[tilespmem:$0x19E00] =	vst v63  }
0x129: {  	s13 =	sadd.s32 $0x13998, s5;
	s14 =	sadd.s32 $0x30, s9  }
0x12a: {  	[hbm4b:s14+s3] =	stream.linear.scatter [tilespmem:s13], [sflag:$0x6], $0x80, $0x38;
	[tilespmem:$0x19E00] =	vst v63  }
0x12b: {  	s8 =	sadd.s32 $0x13A20, s5;
	s12 =	sadd.s32 $0x40, s9  }
0x12c: {  	[hbm4b:s12+s3] =	stream.linear.scatter [tilespmem:s8], [sflag:$0x6], $0x80, $0x38;
	[tilespmem:$0x19E00] =	vst v63  }
0x12d: {  	s13 =	sadd.s32 $0x13AA8, s5;
	s14 =	sadd.s32 $0x50, s9  }
0x12e: {  	[hbm4b:s14+s3] =	stream.linear.scatter [tilespmem:s13], [sflag:$0x6], $0x80, $0x38;
	[tilespmem:$0x19E00] =	vst v63  }
0x12f: {  	p0 =	seq.s32 s31, $0x31;
	s8 =	sadd.s32 $0x13B30, s5;
	s12 =	sadd.s32 $0x60, s9  }
0x130: {  	[hbm4b:s12+s3] =	stream.linear.scatter [tilespmem:s8], [sflag:$0x6], $0x80, $0x38;
	[tilespmem:$0x19E00] =	vst v63  }
0x131: {  	s13 =	sadd.s32 $0x13BB8, s5;
	s14 =	sadd.s32 $0x70, s9;
	s5 =	simm.s32 @!p0 $0x5  }
0x132: {  	[hbm4b:s14+s3] =	stream.linear.scatter [tilespmem:s13], [sflag:$0x6], $0x80, $0x38;
	[tilespmem:$0x19E00] =	vst v63  }
0x133: {  	s6 =	sshll.u32 @!p0 s31, $0x9;
	_ =	swait.ge @!p0 [sflag:s5], $0x2000  }
0x134: {  	s9 =	sand.u32 @!p0 $0x3FFFFE00, s6;
	s6 =	simm.s32 @!p0 $0x80;
	[sflag:s5] =	ssyncset.done @!p0 $0x0  }
0x135: {  	s8 =	simm.s32 @!p0 $0x9600;
	[sflag:s5] =	ssyncadd.s32 @!p0 $0xFFFFE000;
	s5 =	sadd.s32 @!p0 $0x200, s9  }
0x136: {  	[tilespmem:s8], [sflag:$0x1] =	stream.indirect.gather @!p0 [hbm4b:s4+s6], $0x40, s5, s6, $0xb8;
	[tilespmem:$0x19E00] =	vst v63  }
0x137: {  	_ =	swait.ge [sflag:s21], $0x2000  }
0x138: {  	s8 =	sshll.u32 s1, $0x6;
	[sflag:s21] =	ssyncset.done $0x0  }
0x139: {  	s6 =	sand.u32 $0x3FFFFFC0, s8;
	[sflag:s21] =	ssyncadd.s32 $0xFFFFE000  }
0x13a: {  	s12 =	simm.s32 $0x3;
	s5 =	simm.s32 $0xD6F0;
	v9 =	vld [tilespmem:s6+$0x6400]  }
0x13b: {  	v4 =	vmov s12;
	v7 =	vld [tilespmem:s5+$0xFFFFFFD0]  }
0x13c: {  	v13 =	vand.u32 $0x7F, v4  }
0x13d: {  	s13 =	simm.s32 $0x0;
	v8 =	vadd.s32 v0, v13;
	v6 =	vld [tilespmem:s6+$0x6410]  }
0x13e: {  	s12 =	simm.s32 $0x2;
	s14 =	simm.s32 $0x1;
	v4 =	vmov s13;
	v10 =	vld [tilespmem:s5+$0xFFFFFF10]  }
0x13f: {  	v14 =	vmov s12;
	v12 =	vand.u32 $0x7C, v4;
	v4 =	vmov s14;
	v11 =	vld [tilespmem:s5+$0xFFFFFF50]  }
0x140: {  	v15 =	vadd.s32 v0, v12;
	v19 =	vand.u32 $0x7D, v4;
	v16 =	vld [tilespmem:s5+$0xFFFFFF90];
	v7 =	vadd.f32 v7, v9  }
0x141: {  	v20 =	vand.u32 $0x7E, v14;
	v17 =	vadd.s32 v0, v19;
	v5 =	vld [tilespmem:s6+$0x6420]  }
0x142: {  	v14 =	vadd.s32 v0, v20;
	v4 =	vld [tilespmem:s6+$0x6430];
	[tilespmem:v8+s22+$0x0] =	vst.idx.msk $0xffff, v7  }
0x143: {  	v7 =	vadd.f32 v10, v9;
	v8 =	vld [tilespmem:s5+$0xFFFFFFE0]  }
0x144: {  	v10 =	vadd.f32 v11, v9  }
0x145: {  	v11 =	vadd.s32 v1, v13;
	[tilespmem:v15+s22+$0x0] =	vst.idx.msk $0xffff, v7;
	v7 =	vadd.f32 v16, v9  }
0x146: {  	[tilespmem:v17+s22+$0x0] =	vst.idx.msk $0xffff, v10;
	v15 =	vld [tilespmem:s5+$0xFFFFFF20]  }
0x147: {  	v10 =	vld [tilespmem:s5+$0xFFFFFF60];
	[tilespmem:v14+s22+$0x0] =	vst.idx.msk $0xffff, v7  }
0x148: {  	v14 =	vld [tilespmem:s5+$0xFFFFFFA0];
	v7 =	vadd.f32 v8, v6  }
0x149: {  	s12 =	simm.s32 $0xD7F0;
	s14 =	simm.s32 $0x7;
	v16 =	vadd.s32 v1, v19  }
0x14a: {  	s13 =	simm.s32 $0x4;
	v26 =	vadd.s32 v2, v13;
	v18 =	vld [tilespmem:s12+$0xFFFFFFD0];
	v17 =	vadd.s32 v1, v20;
	[tilespmem:v11+s22+$0x0] =	vst.idx.msk $0xffff, v7;
	v7 =	vmov s14  }
0x14b: {  	v21 =	vadd.s32 v1, v12;
	v8 =	vmov s13;
	v7 =	vand.u32 $0x7F, v7;
	v22 =	vld [tilespmem:s5+$0xFFFFFFF0]  }
0x14c: {  	v23 =	vld [tilespmem:s12+$0xFFFFFF10];
	s13 =	simm.s32 $0x5;
	v8 =	vand.u32 $0x7C, v8;
	v10 =	vadd.f32 v10, v6;
	v24 =	vadd.s32 v0, v7  }
0x14d: {  	v25 =	vld [tilespmem:s12+$0xFFFFFF50];
	v15 =	vadd.f32 v15, v6;
	s14 =	simm.s32 $0x6;
	v11 =	vadd.f32 v14, v6;
	v14 =	vmov s13  }
0x14e: {  	v27 =	vadd.s32 v0, v8;
	[tilespmem:v16+s22+$0x0] =	vst.idx.msk $0xffff, v10;
	v16 =	vmov s14;
	v10 =	vand.u32 $0x7D, v14;
	v14 =	vld [tilespmem:s12+$0xFFFFFF90]  }
0x14f: {  	[tilespmem:v17+s22+$0x0] =	vst.idx.msk $0xffff, v11;
	v17 =	vadd.s32 v0, v10;
	v11 =	vand.u32 $0x7E, v16;
	v16 =	vadd.f32 v18, v9;
	v18 =	vld [tilespmem:s5+$0xFFFFFF70]  }
0x150: {  	[tilespmem:v21+s22+$0x0] =	vst.idx.msk $0xffff, v15;
	v15 =	vadd.s32 v0, v11;
	v21 =	vld [tilespmem:s5+$0xFFFFFFB0];
	v22 =	vadd.f32 v22, v5  }
0x151: {  	v23 =	vadd.f32 v23, v9;
	[tilespmem:v24+s22+$0x0] =	vst.idx.msk $0xffff, v16;
	v16 =	vld [tilespmem:s5+$0xFFFFFF30];
	v24 =	vadd.s32 v2, v19  }
0x152: {  	v29 =	vadd.s32 v2, v20;
	v25 =	vadd.f32 v25, v9;
	v28 =	vld [tilespmem:s12+$0xFFFFFFE0];
	[tilespmem:v26+s22+$0x0] =	vst.idx.msk $0xffff, v22  }
0x153: {  	[tilespmem:v27+s22+$0x0] =	vst.idx.msk $0xffff, v23;
	v23 =	vadd.s32 v2, v12;
	v14 =	vadd.f32 v14, v9;
	v26 =	vld [tilespmem:s5+$0x0]  }
0x154: {  	v27 =	vld [tilespmem:s12+$0xFFFFFF20];
	[tilespmem:v17+s22+$0x0] =	vst.idx.msk $0xffff, v25;
	v25 =	vadd.s32 v1, v7;
	v18 =	vadd.f32 v18, v5  }
0x155: {  	v31 =	vadd.s32 v3, v13;
	v30 =	vld [tilespmem:s12+$0xFFFFFF60];
	[tilespmem:v15+s22+$0x0] =	vst.idx.msk $0xffff, v14;
	v14 =	vadd.f32 v21, v5  }
0x156: {  	v22 =	vadd.s32 v1, v8;
	v17 =	vld [tilespmem:s12+$0xFFFFFFA0];
	v13 =	vadd.f32 v16, v5;
	[tilespmem:v24+s22+$0x0] =	vst.idx.msk $0xffff, v18  }
0x157: {  	s14 =	simm.s32 $0x8;
	v21 =	vadd.s32 v1, v10;
	[tilespmem:v29+s22+$0x0] =	vst.idx.msk $0xffff, v14;
	v18 =	vadd.f32 v28, v6;
	v16 =	vld [tilespmem:s5+$0xFFFFFF80]  }
0x158: {  	v24 =	vmov s14;
	v14 =	vadd.s32 v1, v11;
	v15 =	vld [tilespmem:s5+$0xFFFFFFC0];
	[tilespmem:v23+s22+$0x0] =	vst.idx.msk $0xffff, v13;
	v63 =	vadd.f32 v26, v4  }
0x159: {  	s8 =	simm.s32 $0xB;
	s13 =	simm.s32 $0xD8F0;
	v19 =	vadd.s32 v3, v19;
	v13 =	vand.u32 $0x7C, v24;
	v24 =	vadd.f32 v27, v6;
	[tilespmem:v25+s22+$0x0] =	vst.idx.msk $0xffff, v18;
	v18 =	vld [tilespmem:s5+$0xFFFFFF40]  }
0x15a: {  	v20 =	vadd.s32 v3, v20;
	v26 =	vmov s8;
	v23 =	vld [tilespmem:s13+$0xFFFFFFD0];
	s5 =	simm.s32 $0xC;
	v25 =	vadd.f32 v30, v6;
	[tilespmem:v31+s22+$0x0] =	vst.idx.msk $0xffff, v63  }
.LBB2_11:
0x15b: {  	p1 =	slt.u32 s5, $0x7C;
	s6 =	sadd.s32 $0x1, s14;
	v26 =	vand.u32 $0x7F, v26;
	[tilespmem:v22+s22+$0x0] =	vst.idx.msk $0xffff, v24;
	v17 =	vadd.f32 v17, v6;
	v22 =	vld [tilespmem:s12+$0xFFFFFFF0];
	v24 =	vadd.s32 v3, v12  }
0x15c: {  	v30 =	vmovc v11;
	v27 =	vld [tilespmem:s13+$0xFFFFFF10];
	v28 =	vmov s6;
	s6 =	sadd.s32 $0x2, s14;
	v29 =	vadd.s32 v0, v26;
	[tilespmem:v21+s22+$0x0] =	vst.idx.msk $0xffff, v25;
	v16 =	vadd.f32 v16, v4;
	s14 =	smov.u32 s5  }
0x15d: {  	v12 =	vmovc v8;
	v21 =	vld [tilespmem:s13+$0xFFFFFF50];
	v11 =	vmov s6;
	[tilespmem:v14+s22+$0x0] =	vst.idx.msk $0xffff, v17;
	v14 =	vadd.s32 v2, v7;
	v15 =	vadd.f32 v15, v4  }
0x15e: {  	v17 =	vadd.s32 v0, v13;
	v28 =	vand.u32 $0x7D, v28;
	v25 =	vld [tilespmem:s13+$0xFFFFFF90];
	v31 =	vadd.f32 v18, v4;
	[tilespmem:v19+s22+$0x0] =	vst.idx.msk $0xffff, v16  }
0x15f: {  	v16 =	vadd.s32 v0, v28;
	v11 =	vand.u32 $0x7E, v11;
	v18 =	vadd.f32 v23, v9;
	v19 =	vld [tilespmem:s12+$0xFFFFFF70];
	[tilespmem:v20+s22+$0x0] =	vst.idx.msk $0xffff, v15  }
0x160: {  	v8 =	vmov v13;
	v15 =	vadd.s32 v0, v11;
	v20 =	vld [tilespmem:s12+$0xFFFFFFB0];
	v22 =	vadd.f32 v22, v5;
	[tilespmem:v24+s22+$0x0] =	vst.idx.msk $0xffff, v31  }
0x161: {  	v23 =	vadd.s32 v2, v10;
	v13 =	vadd.f32 v27, v9;
	[tilespmem:v29+s22+$0x0] =	vst.idx.msk $0xffff, v18;
	v18 =	vld [tilespmem:s12+$0xFFFFFF30]  }
0x162: {  	v27 =	vadd.s32 v2, v30;
	v21 =	vadd.f32 v21, v9;
	v24 =	vld [tilespmem:s13+$0xFFFFFFE0];
	[tilespmem:v14+s22+$0x0] =	vst.idx.msk $0xffff, v22  }
0x163: {  	[tilespmem:v17+s22+$0x0] =	vst.idx.msk $0xffff, v13;
	v13 =	vadd.f32 v25, v9;
	v25 =	vadd.s32 v2, v12;
	v29 =	vld [tilespmem:s12+$0x0]  }
0x164: {  	v32 =	vadd.s32 v1, v26;
	v31 =	vld [tilespmem:s13+$0xFFFFFF20];
	[tilespmem:v16+s22+$0x0] =	vst.idx.msk $0xffff, v21;
	v14 =	vadd.f32 v19, v5  }
0x165: {  	v34 =	vadd.s32 v3, v7;
	v7 =	vmov v26;
	v33 =	vld [tilespmem:s13+$0xFFFFFF60];
	[tilespmem:v15+s22+$0x0] =	vst.idx.msk $0xffff, v13;
	v13 =	vadd.f32 v20, v5  }
.Ltmp4:
0x166: {  	v22 =	vadd.s32 v1, v8;
	v17 =	vld [tilespmem:s13+$0xFFFFFFA0];
	v15 =	vadd.f32 v18, v5;
	[tilespmem:v23+s22+$0x0] =	vst.idx.msk $0xffff, v14;
	(pc) =	sbr.rel @p1 .LBB2_11-.Ltmp4, $4  }
0x167: {  	v21 =	vadd.s32 v1, v28;
	v18 =	vadd.f32 v24, v6;
	v16 =	vld [tilespmem:s12+$0xFFFFFF80];
	[tilespmem:v27+s22+$0x0] =	vst.idx.msk $0xffff, v13  }
0x168: {  	v14 =	vadd.s32 v1, v11;
	v13 =	vmov s5;
	[tilespmem:v25+s22+$0x0] =	vst.idx.msk $0xffff, v15;
	v15 =	vld [tilespmem:s12+$0xFFFFFFC0];
	v27 =	vadd.f32 v29, v4  }
0x169: {  	s6 =	sadd.s32 $0x3, s5;
	v19 =	vadd.s32 v3, v10;
	v13 =	vand.u32 $0x7C, v13;
	v24 =	vadd.f32 v31, v6;
	[tilespmem:v32+s22+$0x0] =	vst.idx.msk $0xffff, v18;
	v18 =	vld [tilespmem:s12+$0xFFFFFF40];
	s12 =	smov.u32 s13;
	s13 =	sadd.s32 $0x100, s13  }
0x16a: {  	v26 =	vmov s6;
	v10 =	vmovc v28;
	v20 =	vadd.s32 v3, v30;
	s5 =	sadd.s32 $0x4, s5;
	v23 =	vld [tilespmem:s13+$0xFFFFFFD0];
	v25 =	vadd.f32 v33, v6;
	[tilespmem:v34+s22+$0x0] =	vst.idx.msk $0xffff, v27  }
0x16b: {  	s5 =	sadd.s32 $0x1, s14  }
0x16c: {  	v26 =	vand.u32 $0x7F, v26;
	s6 =	sadd.s32 $0x2, s14;
	v28 =	vld [tilespmem:s13+$0xFFFFFF50];
	v27 =	vmov s5  }
0x16d: {  	v31 =	vld [tilespmem:s13+$0xFFFFFF90];
	v29 =	vadd.s32 v0, v26;
	v30 =	vmov s6;
	v27 =	vand.u32 $0x7D, v27  }
0x16e: {  	v32 =	vld [tilespmem:s13+$0xFFFFFF10];
	v30 =	vand.u32 $0x7E, v30;
	v33 =	vadd.s32 v0, v27  }
0x16f: {  	v34 =	vadd.s32 v0, v30  }
0x170: {  	[tilespmem:v22+s22+$0x0] =	vst.idx.msk $0xffff, v24;
	v44 =	vadd.s32 v0, v13;
	v23 =	vadd.f32 v23, v9  }
0x171: {  	[tilespmem:v21+s22+$0x0] =	vst.idx.msk $0xffff, v25;
	v45 =	vadd.f32 v28, v9  }
0x172: {  	v46 =	vadd.f32 v31, v9;
	[tilespmem:v29+s22+$0x0] =	vst.idx.msk $0xffff, v23  }
0x173: {  	v47 =	vadd.f32 v32, v9;
	v48 =	vld [tilespmem:s13+$0xFFFFFFE0];
	[tilespmem:v33+s22+$0x0] =	vst.idx.msk $0xffff, v45  }
0x174: {  	v17 =	vadd.f32 v17, v6;
	v12 =	vadd.s32 v3, v12;
	[tilespmem:v34+s22+$0x0] =	vst.idx.msk $0xffff, v46;
	v21 =	vld [tilespmem:s13+$0xFFFFFF60]  }
0x175: {  	v16 =	vadd.f32 v16, v4;
	v49 =	vadd.s32 v1, v26;
	[tilespmem:v44+s22+$0x0] =	vst.idx.msk $0xffff, v47;
	v50 =	vld [tilespmem:s13+$0xFFFFFFA0]  }
0x176: {  	[tilespmem:v14+s22+$0x0] =	vst.idx.msk $0xffff, v17;
	v51 =	vadd.f32 v15, v4;
	v53 =	vadd.s32 v1, v27;
	v52 =	vld [tilespmem:s13+$0xFFFFFF20]  }
0x177: {  	v54 =	vld [tilespmem:s12+$0xFFFFFFF0];
	v18 =	vadd.f32 v18, v4;
	[tilespmem:v19+s22+$0x0] =	vst.idx.msk $0xffff, v16;
	v55 =	vadd.s32 v1, v30  }
0x178: {  	v57 =	vadd.s32 v1, v13;
	v60 =	vld [tilespmem:s12+$0xFFFFFFB0];
	[tilespmem:v20+s22+$0x0] =	vst.idx.msk $0xffff, v51;
	v58 =	vadd.f32 v48, v6  }
0x179: {  	v59 =	vadd.s32 v2, v7;
	v56 =	vld [tilespmem:s12+$0xFFFFFF70];
	[tilespmem:v12+s22+$0x0] =	vst.idx.msk $0xffff, v18;
	v61 =	vadd.f32 v21, v6  }
0x17a: {  	v62 =	vld [tilespmem:s12+$0xFFFFFF30];
	v29 =	vadd.s32 v2, v11;
	[tilespmem:v49+s22+$0x0] =	vst.idx.msk $0xffff, v58;
	v28 =	vadd.f32 v50, v6  }
0x17b: {  	v63 =	vadd.s32 v2, v10;
	v31 =	vadd.f32 v52, v6;
	v32 =	vld [tilespmem:s13+$0xFFFFFFF0];
	[tilespmem:v53+s22+$0x0] =	vst.idx.msk $0xffff, v61  }
0x17c: {  	v33 =	vadd.f32 v54, v5;
	v34 =	vadd.s32 v2, v8;
	[tilespmem:v55+s22+$0x0] =	vst.idx.msk $0xffff, v28;
	v35 =	vld [tilespmem:s13+$0xFFFFFF70]  }
0x17d: {  	v37 =	vadd.s32 v2, v26;
	v39 =	vadd.f32 v60, v5;
	[tilespmem:v57+s22+$0x0] =	vst.idx.msk $0xffff, v31;
	v38 =	vld [tilespmem:s13+$0xFFFFFFB0]  }
0x17e: {  	v41 =	vadd.s32 v2, v27;
	v36 =	vadd.f32 v56, v5;
	[tilespmem:v59+s22+$0x0] =	vst.idx.msk $0xffff, v33;
	v40 =	vld [tilespmem:s13+$0xFFFFFF30]  }
0x17f: {  	v43 =	vadd.s32 v2, v30;
	v18 =	vadd.f32 v62, v5;
	v42 =	vld [tilespmem:s12+$0x0];
	[tilespmem:v29+s22+$0x0] =	vst.idx.msk $0xffff, v39  }
0x180: {  	v45 =	vadd.s32 v2, v13;
	[tilespmem:v63+s22+$0x0] =	vst.idx.msk $0xffff, v36;
	v47 =	vld [tilespmem:s12+$0xFFFFFFC0];
	v44 =	vadd.f32 v32, v5  }
0x181: {  	v46 =	vadd.s32 v3, v7;
	[tilespmem:v34+s22+$0x0] =	vst.idx.msk $0xffff, v18;
	v21 =	vld [tilespmem:s12+$0xFFFFFF80];
	v9 =	vadd.f32 v35, v5  }
0x182: {  	v18 =	vld [tilespmem:s12+$0xFFFFFF40];
	v50 =	vadd.s32 v3, v11;
	[tilespmem:v37+s22+$0x0] =	vst.idx.msk $0xffff, v44;
	v49 =	vadd.f32 v38, v5  }
0x183: {  	v48 =	vadd.s32 v3, v10;
	v5 =	vadd.f32 v40, v5;
	v12 =	vld [tilespmem:s13+$0x0];
	[tilespmem:v41+s22+$0x0] =	vst.idx.msk $0xffff, v9  }
0x184: {  	v52 =	vadd.s32 v3, v8;
	v51 =	vadd.f32 v42, v4;
	[tilespmem:v43+s22+$0x0] =	vst.idx.msk $0xffff, v49;
	v53 =	vld [tilespmem:s13+$0xFFFFFF80]  }
0x185: {  	v55 =	vadd.s32 v3, v26;
	v56 =	vadd.f32 v47, v4;
	[tilespmem:v45+s22+$0x0] =	vst.idx.msk $0xffff, v5;
	v5 =	vld [tilespmem:s13+$0xFFFFFFC0]  }
0x186: {  	v58 =	vadd.s32 v3, v27;
	[tilespmem:v46+s22+$0x0] =	vst.idx.msk $0xffff, v51;
	v54 =	vadd.f32 v21, v4;
	v57 =	vld [tilespmem:s13+$0xFFFFFF40]  }
0x187: {  	v60 =	vadd.s32 v3, v30;
	v59 =	vadd.f32 v18, v4;
	[tilespmem:v50+s22+$0x0] =	vst.idx.msk $0xffff, v56  }
0x188: {  	v62 =	vadd.s32 v3, v13;
	[tilespmem:v48+s22+$0x0] =	vst.idx.msk $0xffff, v54;
	v61 =	vadd.f32 v12, v4  }
0x189: {  	[tilespmem:v52+s22+$0x0] =	vst.idx.msk $0xffff, v59;
	v63 =	vadd.f32 v53, v4  }
0x18a: {  	s1 =	sshll.u32 s1, $0x12;
	[tilespmem:v55+s22+$0x0] =	vst.idx.msk $0xffff, v61;
	v5 =	vadd.f32 v5, v4  }
0x18b: {  	s1 =	sor.u32 s7, s1;
	v4 =	vadd.f32 v57, v4;
	[tilespmem:v58+s22+$0x0] =	vst.idx.msk $0xffff, v63  }
0x18c: {  	s1 =	sshrl.u32 s1, $0x3;
	[tilespmem:v60+s22+$0x0] =	vst.idx.msk $0xffff, v5  }
0x18d: {  	s8 =	simm.s32 $0x15A00;
	s5 =	sadd.s32 s2, s1;
	[tilespmem:v62+s22+$0x0] =	vst.idx.msk $0xffff, v4  }
0x18e: {  	[hbm4b:s5+s3] =	stream.linear.scatter [tilespmem:s8], [sflag:$0x7], $0x80, $0x38;
	[tilespmem:$0x19E00] =	vst v63  }
0x18f: {  	s6 =	sadd.s32 $0x10, s5;
	s12 =	simm.s32 $0x15A88  }
0x190: {  	[hbm4b:s6+s3] =	stream.linear.scatter [tilespmem:s12], [sflag:$0x7], $0x80, $0x38;
	[tilespmem:$0x19E00] =	vst v63  }
0x191: {  	s14 =	sadd.s32 $0x20, s5;
	s13 =	simm.s32 $0x15B10  }
0x192: {  	[hbm4b:s14+s3] =	stream.linear.scatter [tilespmem:s13], [sflag:$0x7], $0x80, $0x38;
	[tilespmem:$0x19E00] =	vst v63  }
0x193: {  	s8 =	simm.s32 $0x15B98;
	s12 =	sadd.s32 $0x30, s5  }
0x194: {  	[hbm4b:s12+s3] =	stream.linear.scatter [tilespmem:s8], [sflag:$0x7], $0x80, $0x38;
	[tilespmem:$0x19E00] =	vst v63  }
0x195: {  	s13 =	simm.s32 $0x15C20;
	s14 =	sadd.s32 $0x40, s5  }
0x196: {  	[hbm4b:s14+s3] =	stream.linear.scatter [tilespmem:s13], [sflag:$0x7], $0x80, $0x38;
	[tilespmem:$0x19E00] =	vst v63  }
0x197: {  	s1 =	simm.s32 $0x440;
	s8 =	simm.s32 $0x15CA8;
	s12 =	sadd.s32 $0x50, s5  }
0x198: {  	[hbm4b:s12+s3] =	stream.linear.scatter [tilespmem:s8], [sflag:$0x7], $0x80, $0x38;
	[tilespmem:$0x19E00] =	vst v63  }
0x199: {  	s13 =	simm.s32 $0x15D30;
	s14 =	sadd.s32 $0x60, s5;
	s12 =	simm.s32 $0x2200  }
0x19a: {  	[hbm4b:s14+s3] =	stream.linear.scatter [tilespmem:s13], [sflag:$0x7], $0x80, $0x38;
	[tilespmem:$0x19E00] =	vst v63  }
0x19b: {  	s13 =	simm.s32 $0x15DB8;
	s14 =	sadd.s32 $0x70, s5;
	s5 =	sadd.s32 $0x1000, s5  }
.LBB2_13:
0x19c: {  	[hbm4b:s14+s3] =	stream.linear.scatter [tilespmem:s13], [sflag:$0x7], $0x80, $0x38;
	[tilespmem:$0x19E00] =	vst v63  }
0x19d: {  	s6 =	smov.u32 s1;
	s1 =	smov.u32 s12  }
0x19e: {  	s8 =	sadd.s32 $0x1100, s12;
	s1 =	sshra.s32 s1, $0x2;
	s13 =	sadd.s32 $0x15A00, s6  }
0x19f: {  	[hbm4b:s5+s3] =	stream.linear.scatter [tilespmem:s13], [sflag:$0x7], $0x80, $0x38;
	[tilespmem:$0x19E00] =	vst v63  }
0x1a0: {  	p1 =	sne.s32 s12, $0x7700;
	s12 =	sadd.s32 $0x15A88, s6;
	s13 =	sadd.s32 $0x10, s5  }
0x1a1: {  	[hbm4b:s13+s3] =	stream.linear.scatter [tilespmem:s12], [sflag:$0x7], $0x80, $0x38;
	[tilespmem:$0x19E00] =	vst v63  }
0x1a2: {  	s12 =	sadd.s32 $0x15B10, s6;
	s13 =	sadd.s32 $0x20, s5  }
0x1a3: {  	[hbm4b:s13+s3] =	stream.linear.scatter [tilespmem:s12], [sflag:$0x7], $0x80, $0x38;
	[tilespmem:$0x19E00] =	vst v63  }
0x1a4: {  	s12 =	sadd.s32 $0x15B98, s6;
	s13 =	sadd.s32 $0x30, s5  }
0x1a5: {  	[hbm4b:s13+s3] =	stream.linear.scatter [tilespmem:s12], [sflag:$0x7], $0x80, $0x38;
	[tilespmem:$0x19E00] =	vst v63  }
0x1a6: {  	s12 =	sadd.s32 $0x15C20, s6;
	s13 =	sadd.s32 $0x40, s5  }
0x1a7: {  	[hbm4b:s13+s3] =	stream.linear.scatter [tilespmem:s12], [sflag:$0x7], $0x80, $0x38;
	[tilespmem:$0x19E00] =	vst v63  }
.Ltmp5:
0x1a8: {  	s12 =	sadd.s32 $0x15CA8, s6;
	s13 =	sadd.s32 $0x50, s5;
	(pc) =	sbr.rel @p1 .LBB2_13-.Ltmp5, $4  }
0x1a9: {  	[hbm4b:s13+s3] =	stream.linear.scatter [tilespmem:s12], [sflag:$0x7], $0x80, $0x38;
	[tilespmem:$0x19E00] =	vst v63  }
0x1aa: {  	s14 =	sadd.s32 $0x70, s5;
	s12 =	sadd.s32 $0x15D30, s6;
	s13 =	sadd.s32 $0x60, s5  }
0x1ab: {  	[hbm4b:s13+s3] =	stream.linear.scatter [tilespmem:s12], [sflag:$0x7], $0x80, $0x38;
	[tilespmem:$0x19E00] =	vst v63  }
0x1ac: {  	s5 =	sadd.s32 $0x1000, s5;
	s13 =	sadd.s32 $0x15DB8, s6;
	s12 =	smov.u32 s8  }
0x1ad: {  	[hbm4b:s14+s3] =	stream.linear.scatter [tilespmem:s13], [sflag:$0x7], $0x80, $0x38;
	[tilespmem:$0x19E00] =	vst v63  }
0x1ae: {  	s6 =	sadd.s32 $0x15A00, s1  }
0x1af: {  	[hbm4b:s5+s3] =	stream.linear.scatter [tilespmem:s6], [sflag:$0x7], $0x80, $0x38;
	[tilespmem:$0x19E00] =	vst v63  }
0x1b0: {  	s14 =	sadd.s32 $0x15A88, s1;
	s8 =	sadd.s32 $0x10, s5  }
0x1b1: {  	[hbm4b:s8+s3] =	stream.linear.scatter [tilespmem:s14], [sflag:$0x7], $0x80, $0x38;
	[tilespmem:$0x19E00] =	vst v63  }
0x1b2: {  	s12 =	sadd.s32 $0x20, s5;
	s8 =	sadd.s32 $0x15B10, s1  }
0x1b3: {  	[hbm4b:s12+s3] =	stream.linear.scatter [tilespmem:s8], [sflag:$0x7], $0x80, $0x38;
	[tilespmem:$0x19E00] =	vst v63  }
0x1b4: {  	s13 =	sadd.s32 $0x15B98, s1;
	s14 =	sadd.s32 $0x30, s5  }
0x1b5: {  	[hbm4b:s14+s3] =	stream.linear.scatter [tilespmem:s13], [sflag:$0x7], $0x80, $0x38;
	[tilespmem:$0x19E00] =	vst v63  }
0x1b6: {  	s8 =	sadd.s32 $0x15C20, s1;
	s12 =	sadd.s32 $0x40, s5  }
0x1b7: {  	[hbm4b:s12+s3] =	stream.linear.scatter [tilespmem:s8], [sflag:$0x7], $0x80, $0x38;
	[tilespmem:$0x19E00] =	vst v63  }
0x1b8: {  	s13 =	sadd.s32 $0x15CA8, s1;
	s14 =	sadd.s32 $0x50, s5  }
0x1b9: {  	[hbm4b:s14+s3] =	stream.linear.scatter [tilespmem:s13], [sflag:$0x7], $0x80, $0x38;
	[tilespmem:$0x19E00] =	vst v63  }
0x1ba: {  	s12 =	sadd.s32 $0x15D30, s1;
	s13 =	sadd.s32 $0x60, s5  }
0x1bb: {  	[hbm4b:s13+s3] =	stream.linear.scatter [tilespmem:s12], [sflag:$0x7], $0x80, $0x38;
	[tilespmem:$0x19E00] =	vst v63  }
0x1bc: {  	s6 =	sadd.s32 $0x70, s5;
	s14 =	sadd.s32 $0x15DB8, s1;
	s1 =	simm.s32 @!p0 $0x6  }
0x1bd: {  	[hbm4b:s6+s3] =	stream.linear.scatter [tilespmem:s14], [sflag:$0x7], $0x80, $0x38;
	[tilespmem:$0x19E00] =	vst v63  }
0x1be: {  	_ =	swait.ge @!p0 [sflag:s1], $0x2000  }
0x1bf: {  	s5 =	simm.s32 @!p0 $0x80;
	[sflag:s1] =	ssyncset.done @!p0 $0x0  }
0x1c0: {  	s6 =	simm.s32 @!p0 $0xB600;
	[sflag:s1] =	ssyncadd.s32 @!p0 $0xFFFFE000;
	s1 =	sadd.s32 @!p0 $0x280, s9  }
0x1c1: {  	[tilespmem:s6], [sflag:$0x2] =	stream.indirect.gather @!p0 [hbm4b:s4+s5], $0x40, s1, s5, $0xb8;
	[tilespmem:$0x19E00] =	vst v63  }
0x1c2: {  	_ =	swait.ge [sflag:s23], $0x2000  }
0x1c3: {  	s8 =	sshll.u32 s0, $0x6;
	[sflag:s23] =	ssyncset.done $0x0  }
0x1c4: {  	s1 =	sand.u32 $0x3FFFFFC0, s8;
	[sflag:s23] =	ssyncadd.s32 $0xFFFFE000  }
0x1c5: {  	s9 =	simm.s32 $0x3;
	s5 =	simm.s32 $0xF6F0;
	v9 =	vld [tilespmem:s1+$0x6400]  }
0x1c6: {  	v4 =	vmov s9;
	v7 =	vld [tilespmem:s5+$0xFFFFFFD0]  }
0x1c7: {  	v13 =	vand.u32 $0x7F, v4  }
0x1c8: {  	s12 =	simm.s32 $0x0;
	v8 =	vadd.s32 v0, v13;
	v6 =	vld [tilespmem:s1+$0x6410]  }
0x1c9: {  	s13 =	simm.s32 $0x1;
	s14 =	simm.s32 $0x2;
	v4 =	vmov s12;
	v10 =	vld [tilespmem:s5+$0xFFFFFF10]  }
0x1ca: {  	v14 =	vmov s14;
	v12 =	vand.u32 $0x7C, v4;
	v4 =	vmov s13;
	v11 =	vld [tilespmem:s5+$0xFFFFFF50]  }
0x1cb: {  	v15 =	vadd.s32 v0, v12;
	v19 =	vand.u32 $0x7D, v4;
	v16 =	vld [tilespmem:s5+$0xFFFFFF90];
	v7 =	vadd.f32 v7, v9  }
0x1cc: {  	v20 =	vand.u32 $0x7E, v14;
	v5 =	vld [tilespmem:s1+$0x6420];
	v17 =	vadd.s32 v0, v19  }
0x1cd: {  	v14 =	vadd.s32 v0, v20;
	v4 =	vld [tilespmem:s1+$0x6430];
	[tilespmem:v8+s24+$0x0] =	vst.idx.msk $0xffff, v7  }
0x1ce: {  	v7 =	vadd.f32 v10, v9;
	v8 =	vld [tilespmem:s5+$0xFFFFFFE0]  }
0x1cf: {  	v10 =	vadd.f32 v11, v9  }
0x1d0: {  	v11 =	vadd.s32 v1, v13;
	[tilespmem:v15+s24+$0x0] =	vst.idx.msk $0xffff, v7;
	v7 =	vadd.f32 v16, v9  }
0x1d1: {  	[tilespmem:v17+s24+$0x0] =	vst.idx.msk $0xffff, v10;
	v15 =	vld [tilespmem:s5+$0xFFFFFF20]  }
0x1d2: {  	v10 =	vld [tilespmem:s5+$0xFFFFFF60];
	[tilespmem:v14+s24+$0x0] =	vst.idx.msk $0xffff, v7  }
0x1d3: {  	v14 =	vld [tilespmem:s5+$0xFFFFFFA0];
	v7 =	vadd.f32 v8, v6  }
0x1d4: {  	s9 =	simm.s32 $0x7;
	s1 =	simm.s32 $0xF7F0;
	v16 =	vadd.s32 v1, v19  }
0x1d5: {  	s8 =	simm.s32 $0x4;
	v26 =	vadd.s32 v2, v13;
	v18 =	vld [tilespmem:s1+$0xFFFFFFD0];
	v17 =	vadd.s32 v1, v20;
	[tilespmem:v11+s24+$0x0] =	vst.idx.msk $0xffff, v7;
	v7 =	vmov s9  }
0x1d6: {  	v21 =	vadd.s32 v1, v12;
	v8 =	vmov s8;
	v7 =	vand.u32 $0x7F, v7;
	v22 =	vld [tilespmem:s5+$0xFFFFFFF0]  }
0x1d7: {  	s12 =	simm.s32 $0x5;
	v23 =	vld [tilespmem:s1+$0xFFFFFF10];
	v8 =	vand.u32 $0x7C, v8;
	v10 =	vadd.f32 v10, v6;
	v24 =	vadd.s32 v0, v7  }
0x1d8: {  	s13 =	simm.s32 $0x6;
	v25 =	vld [tilespmem:s1+$0xFFFFFF50];
	v15 =	vadd.f32 v15, v6;
	v11 =	vadd.f32 v14, v6;
	v14 =	vmov s12  }
0x1d9: {  	v27 =	vadd.s32 v0, v8;
	[tilespmem:v16+s24+$0x0] =	vst.idx.msk $0xffff, v10;
	v16 =	vmov s13;
	v10 =	vand.u32 $0x7D, v14;
	v14 =	vld [tilespmem:s1+$0xFFFFFF90]  }
0x1da: {  	[tilespmem:v17+s24+$0x0] =	vst.idx.msk $0xffff, v11;
	v17 =	vadd.s32 v0, v10;
	v11 =	vand.u32 $0x7E, v16;
	v16 =	vadd.f32 v18, v9;
	v18 =	vld [tilespmem:s5+$0xFFFFFF70]  }
0x1db: {  	[tilespmem:v21+s24+$0x0] =	vst.idx.msk $0xffff, v15;
	v15 =	vadd.s32 v0, v11;
	v21 =	vld [tilespmem:s5+$0xFFFFFFB0];
	v22 =	vadd.f32 v22, v5  }
0x1dc: {  	v23 =	vadd.f32 v23, v9;
	[tilespmem:v24+s24+$0x0] =	vst.idx.msk $0xffff, v16;
	v16 =	vld [tilespmem:s5+$0xFFFFFF30];
	v24 =	vadd.s32 v2, v19  }
0x1dd: {  	v29 =	vadd.s32 v2, v20;
	v25 =	vadd.f32 v25, v9;
	v28 =	vld [tilespmem:s1+$0xFFFFFFE0];
	[tilespmem:v26+s24+$0x0] =	vst.idx.msk $0xffff, v22  }
0x1de: {  	[tilespmem:v27+s24+$0x0] =	vst.idx.msk $0xffff, v23;
	v23 =	vadd.s32 v2, v12;
	v14 =	vadd.f32 v14, v9;
	v26 =	vld [tilespmem:s5+$0x0]  }
0x1df: {  	v27 =	vld [tilespmem:s1+$0xFFFFFF20];
	[tilespmem:v17+s24+$0x0] =	vst.idx.msk $0xffff, v25;
	v25 =	vadd.s32 v1, v7;
	v18 =	vadd.f32 v18, v5  }
0x1e0: {  	v31 =	vadd.s32 v3, v13;
	v30 =	vld [tilespmem:s1+$0xFFFFFF60];
	[tilespmem:v15+s24+$0x0] =	vst.idx.msk $0xffff, v14;
	v14 =	vadd.f32 v21, v5  }
0x1e1: {  	v22 =	vadd.s32 v1, v8;
	v17 =	vld [tilespmem:s1+$0xFFFFFFA0];
	v13 =	vadd.f32 v16, v5;
	[tilespmem:v24+s24+$0x0] =	vst.idx.msk $0xffff, v18  }
0x1e2: {  	s12 =	simm.s32 $0x8;
	v21 =	vadd.s32 v1, v10;
	[tilespmem:v29+s24+$0x0] =	vst.idx.msk $0xffff, v14;
	v18 =	vadd.f32 v28, v6;
	v16 =	vld [tilespmem:s5+$0xFFFFFF80]  }
0x1e3: {  	v24 =	vmov s12;
	v14 =	vadd.s32 v1, v11;
	v15 =	vld [tilespmem:s5+$0xFFFFFFC0];
	[tilespmem:v23+s24+$0x0] =	vst.idx.msk $0xffff, v13;
	v63 =	vadd.f32 v26, v4  }
0x1e4: {  	s14 =	simm.s32 $0xB;
	s9 =	simm.s32 $0xF8F0;
	v19 =	vadd.s32 v3, v19;
	v13 =	vand.u32 $0x7C, v24;
	v24 =	vadd.f32 v27, v6;
	[tilespmem:v25+s24+$0x0] =	vst.idx.msk $0xffff, v18;
	v18 =	vld [tilespmem:s5+$0xFFFFFF40]  }
0x1e5: {  	v20 =	vadd.s32 v3, v20;
	v26 =	vmov s14;
	v23 =	vld [tilespmem:s9+$0xFFFFFFD0];
	s5 =	simm.s32 $0xC;
	v25 =	vadd.f32 v30, v6;
	[tilespmem:v31+s24+$0x0] =	vst.idx.msk $0xffff, v63  }
.LBB2_15:
0x1e6: {  	p0 =	slt.u32 s5, $0x7C;
	s6 =	sadd.s32 $0x1, s12;
	v26 =	vand.u32 $0x7F, v26;
	[tilespmem:v22+s24+$0x0] =	vst.idx.msk $0xffff, v24;
	v17 =	vadd.f32 v17, v6;
	v22 =	vld [tilespmem:s1+$0xFFFFFFF0];
	v24 =	vadd.s32 v3, v12  }
0x1e7: {  	v30 =	vmovc v11;
	v27 =	vld [tilespmem:s9+$0xFFFFFF10];
	v28 =	vmov s6;
	s6 =	sadd.s32 $0x2, s12;
	v29 =	vadd.s32 v0, v26;
	[tilespmem:v21+s24+$0x0] =	vst.idx.msk $0xffff, v25;
	v16 =	vadd.f32 v16, v4;
	s12 =	smov.u32 s5  }
0x1e8: {  	v12 =	vmovc v8;
	v21 =	vld [tilespmem:s9+$0xFFFFFF50];
	v11 =	vmov s6;
	[tilespmem:v14+s24+$0x0] =	vst.idx.msk $0xffff, v17;
	v14 =	vadd.s32 v2, v7;
	v15 =	vadd.f32 v15, v4  }
0x1e9: {  	v17 =	vadd.s32 v0, v13;
	v28 =	vand.u32 $0x7D, v28;
	v25 =	vld [tilespmem:s9+$0xFFFFFF90];
	v31 =	vadd.f32 v18, v4;
	[tilespmem:v19+s24+$0x0] =	vst.idx.msk $0xffff, v16  }
0x1ea: {  	v16 =	vadd.s32 v0, v28;
	v11 =	vand.u32 $0x7E, v11;
	v18 =	vadd.f32 v23, v9;
	v19 =	vld [tilespmem:s1+$0xFFFFFF70];
	[tilespmem:v20+s24+$0x0] =	vst.idx.msk $0xffff, v15  }
0x1eb: {  	v8 =	vmov v13;
	v15 =	vadd.s32 v0, v11;
	v20 =	vld [tilespmem:s1+$0xFFFFFFB0];
	v22 =	vadd.f32 v22, v5;
	[tilespmem:v24+s24+$0x0] =	vst.idx.msk $0xffff, v31  }
0x1ec: {  	v23 =	vadd.s32 v2, v10;
	v13 =	vadd.f32 v27, v9;
	[tilespmem:v29+s24+$0x0] =	vst.idx.msk $0xffff, v18;
	v18 =	vld [tilespmem:s1+$0xFFFFFF30]  }
0x1ed: {  	v27 =	vadd.s32 v2, v30;
	v21 =	vadd.f32 v21, v9;
	v24 =	vld [tilespmem:s9+$0xFFFFFFE0];
	[tilespmem:v14+s24+$0x0] =	vst.idx.msk $0xffff, v22  }
0x1ee: {  	[tilespmem:v17+s24+$0x0] =	vst.idx.msk $0xffff, v13;
	v13 =	vadd.f32 v25, v9;
	v25 =	vadd.s32 v2, v12;
	v29 =	vld [tilespmem:s1+$0x0]  }
0x1ef: {  	v32 =	vadd.s32 v1, v26;
	v31 =	vld [tilespmem:s9+$0xFFFFFF20];
	[tilespmem:v16+s24+$0x0] =	vst.idx.msk $0xffff, v21;
	v14 =	vadd.f32 v19, v5  }
0x1f0: {  	v34 =	vadd.s32 v3, v7;
	v7 =	vmov v26;
	v33 =	vld [tilespmem:s9+$0xFFFFFF60];
	[tilespmem:v15+s24+$0x0] =	vst.idx.msk $0xffff, v13;
	v13 =	vadd.f32 v20, v5  }
.Ltmp6:
0x1f1: {  	v22 =	vadd.s32 v1, v8;
	v17 =	vld [tilespmem:s9+$0xFFFFFFA0];
	v15 =	vadd.f32 v18, v5;
	[tilespmem:v23+s24+$0x0] =	vst.idx.msk $0xffff, v14;
	(pc) =	sbr.rel @p0 .LBB2_15-.Ltmp6, $4  }
0x1f2: {  	v21 =	vadd.s32 v1, v28;
	v18 =	vadd.f32 v24, v6;
	v16 =	vld [tilespmem:s1+$0xFFFFFF80];
	[tilespmem:v27+s24+$0x0] =	vst.idx.msk $0xffff, v13  }
0x1f3: {  	v14 =	vadd.s32 v1, v11;
	v13 =	vmov s5;
	[tilespmem:v25+s24+$0x0] =	vst.idx.msk $0xffff, v15;
	v15 =	vld [tilespmem:s1+$0xFFFFFFC0];
	v27 =	vadd.f32 v29, v4  }
0x1f4: {  	s6 =	sadd.s32 $0x3, s5;
	v19 =	vadd.s32 v3, v10;
	v13 =	vand.u32 $0x7C, v13;
	v24 =	vadd.f32 v31, v6;
	[tilespmem:v32+s24+$0x0] =	vst.idx.msk $0xffff, v18;
	v18 =	vld [tilespmem:s1+$0xFFFFFF40];
	s1 =	smov.u32 s9;
	s9 =	sadd.s32 $0x100, s9  }
0x1f5: {  	v26 =	vmov s6;
	v10 =	vmovc v28;
	v20 =	vadd.s32 v3, v30;
	s5 =	sadd.s32 $0x4, s5;
	v23 =	vld [tilespmem:s9+$0xFFFFFFD0];
	v25 =	vadd.f32 v33, v6;
	[tilespmem:v34+s24+$0x0] =	vst.idx.msk $0xffff, v27  }
0x1f6: {  	s5 =	sadd.s32 $0x1, s12  }
0x1f7: {  	v26 =	vand.u32 $0x7F, v26;
	s14 =	sadd.s32 $0x2, s12;
	v28 =	vld [tilespmem:s9+$0xFFFFFF50];
	v27 =	vmov s5  }
0x1f8: {  	v31 =	vld [tilespmem:s9+$0xFFFFFF90];
	v29 =	vadd.s32 v0, v26;
	v30 =	vmov s14;
	v27 =	vand.u32 $0x7D, v27  }
0x1f9: {  	v32 =	vld [tilespmem:s9+$0xFFFFFF10];
	v30 =	vand.u32 $0x7E, v30;
	v33 =	vadd.s32 v0, v27  }
0x1fa: {  	v34 =	vadd.s32 v0, v30  }
0x1fb: {  	[tilespmem:v22+s24+$0x0] =	vst.idx.msk $0xffff, v24;
	v44 =	vadd.s32 v0, v13;
	v23 =	vadd.f32 v23, v9  }
0x1fc: {  	[tilespmem:v21+s24+$0x0] =	vst.idx.msk $0xffff, v25;
	v45 =	vadd.f32 v28, v9  }
0x1fd: {  	v46 =	vadd.f32 v31, v9;
	[tilespmem:v29+s24+$0x0] =	vst.idx.msk $0xffff, v23  }
0x1fe: {  	v47 =	vadd.f32 v32, v9;
	v48 =	vld [tilespmem:s9+$0xFFFFFFE0];
	[tilespmem:v33+s24+$0x0] =	vst.idx.msk $0xffff, v45  }
0x1ff: {  	v17 =	vadd.f32 v17, v6;
	v12 =	vadd.s32 v3, v12;
	[tilespmem:v34+s24+$0x0] =	vst.idx.msk $0xffff, v46;
	v21 =	vld [tilespmem:s9+$0xFFFFFF60]  }
0x200: {  	v16 =	vadd.f32 v16, v4;
	v49 =	vadd.s32 v1, v26;
	[tilespmem:v44+s24+$0x0] =	vst.idx.msk $0xffff, v47;
	v50 =	vld [tilespmem:s9+$0xFFFFFFA0]  }
0x201: {  	[tilespmem:v14+s24+$0x0] =	vst.idx.msk $0xffff, v17;
	v51 =	vadd.f32 v15, v4;
	v53 =	vadd.s32 v1, v27;
	v52 =	vld [tilespmem:s9+$0xFFFFFF20]  }
0x202: {  	v54 =	vld [tilespmem:s1+$0xFFFFFFF0];
	v18 =	vadd.f32 v18, v4;
	[tilespmem:v19+s24+$0x0] =	vst.idx.msk $0xffff, v16;
	v55 =	vadd.s32 v1, v30  }
0x203: {  	v57 =	vadd.s32 v1, v13;
	v60 =	vld [tilespmem:s1+$0xFFFFFFB0];
	[tilespmem:v20+s24+$0x0] =	vst.idx.msk $0xffff, v51;
	v58 =	vadd.f32 v48, v6  }
0x204: {  	v59 =	vadd.s32 v2, v7;
	v56 =	vld [tilespmem:s1+$0xFFFFFF70];
	[tilespmem:v12+s24+$0x0] =	vst.idx.msk $0xffff, v18;
	v61 =	vadd.f32 v21, v6  }
0x205: {  	v62 =	vld [tilespmem:s1+$0xFFFFFF30];
	v29 =	vadd.s32 v2, v11;
	[tilespmem:v49+s24+$0x0] =	vst.idx.msk $0xffff, v58;
	v28 =	vadd.f32 v50, v6  }
0x206: {  	v63 =	vadd.s32 v2, v10;
	v31 =	vadd.f32 v52, v6;
	v32 =	vld [tilespmem:s9+$0xFFFFFFF0];
	[tilespmem:v53+s24+$0x0] =	vst.idx.msk $0xffff, v61  }
0x207: {  	v33 =	vadd.f32 v54, v5;
	v34 =	vadd.s32 v2, v8;
	[tilespmem:v55+s24+$0x0] =	vst.idx.msk $0xffff, v28;
	v35 =	vld [tilespmem:s9+$0xFFFFFF70]  }
0x208: {  	v37 =	vadd.s32 v2, v26;
	v39 =	vadd.f32 v60, v5;
	[tilespmem:v57+s24+$0x0] =	vst.idx.msk $0xffff, v31;
	v38 =	vld [tilespmem:s9+$0xFFFFFFB0]  }
0x209: {  	v41 =	vadd.s32 v2, v27;
	v36 =	vadd.f32 v56, v5;
	[tilespmem:v59+s24+$0x0] =	vst.idx.msk $0xffff, v33;
	v40 =	vld [tilespmem:s9+$0xFFFFFF30]  }
0x20a: {  	v43 =	vadd.s32 v2, v30;
	v18 =	vadd.f32 v62, v5;
	v42 =	vld [tilespmem:s1+$0x0];
	[tilespmem:v29+s24+$0x0] =	vst.idx.msk $0xffff, v39  }
0x20b: {  	v45 =	vadd.s32 v2, v13;
	[tilespmem:v63+s24+$0x0] =	vst.idx.msk $0xffff, v36;
	v47 =	vld [tilespmem:s1+$0xFFFFFFC0];
	v44 =	vadd.f32 v32, v5  }
0x20c: {  	v46 =	vadd.s32 v3, v7;
	[tilespmem:v34+s24+$0x0] =	vst.idx.msk $0xffff, v18;
	v21 =	vld [tilespmem:s1+$0xFFFFFF80];
	v9 =	vadd.f32 v35, v5  }
0x20d: {  	v18 =	vld [tilespmem:s1+$0xFFFFFF40];
	v50 =	vadd.s32 v3, v11;
	[tilespmem:v37+s24+$0x0] =	vst.idx.msk $0xffff, v44;
	v49 =	vadd.f32 v38, v5  }
0x20e: {  	v48 =	vadd.s32 v3, v10;
	v5 =	vadd.f32 v40, v5;
	v12 =	vld [tilespmem:s9+$0x0];
	[tilespmem:v41+s24+$0x0] =	vst.idx.msk $0xffff, v9  }
0x20f: {  	v52 =	vadd.s32 v3, v8;
	v51 =	vadd.f32 v42, v4;
	[tilespmem:v43+s24+$0x0] =	vst.idx.msk $0xffff, v49;
	v53 =	vld [tilespmem:s9+$0xFFFFFF80]  }
0x210: {  	v55 =	vadd.s32 v3, v26;
	v56 =	vadd.f32 v47, v4;
	[tilespmem:v45+s24+$0x0] =	vst.idx.msk $0xffff, v5;
	v5 =	vld [tilespmem:s9+$0xFFFFFFC0]  }
0x211: {  	v58 =	vadd.s32 v3, v27;
	[tilespmem:v46+s24+$0x0] =	vst.idx.msk $0xffff, v51;
	v54 =	vadd.f32 v21, v4;
	v57 =	vld [tilespmem:s9+$0xFFFFFF40]  }
0x212: {  	v60 =	vadd.s32 v3, v30;
	v59 =	vadd.f32 v18, v4;
	[tilespmem:v50+s24+$0x0] =	vst.idx.msk $0xffff, v56  }
0x213: {  	v62 =	vadd.s32 v3, v13;
	[tilespmem:v48+s24+$0x0] =	vst.idx.msk $0xffff, v54;
	v61 =	vadd.f32 v12, v4  }
0x214: {  	[tilespmem:v52+s24+$0x0] =	vst.idx.msk $0xffff, v59;
	v63 =	vadd.f32 v53, v4  }
0x215: {  	s0 =	sshll.u32 s0, $0x12;
	[tilespmem:v55+s24+$0x0] =	vst.idx.msk $0xffff, v61;
	v5 =	vadd.f32 v5, v4  }
0x216: {  	s0 =	sor.u32 s7, s0;
	v4 =	vadd.f32 v57, v4;
	[tilespmem:v58+s24+$0x0] =	vst.idx.msk $0xffff, v63  }
0x217: {  	s0 =	sshrl.u32 s0, $0x3;
	[tilespmem:v60+s24+$0x0] =	vst.idx.msk $0xffff, v5  }
0x218: {  	s5 =	simm.s32 $0x17C00;
	s1 =	sadd.s32 s2, s0;
	[tilespmem:v62+s24+$0x0] =	vst.idx.msk $0xffff, v4  }
0x219: {  	[hbm4b:s1+s3] =	stream.linear.scatter [tilespmem:s5], [sflag:$0x8], $0x80, $0x38;
	[tilespmem:$0x19E00] =	vst v63  }
0x21a: {  	s6 =	simm.s32 $0x17C88;
	s8 =	sadd.s32 $0x10, s1  }
0x21b: {  	[hbm4b:s8+s3] =	stream.linear.scatter [tilespmem:s6], [sflag:$0x8], $0x80, $0x38;
	[tilespmem:$0x19E00] =	vst v63  }
0x21c: {  	s13 =	simm.s32 $0x17D98;
	s12 =	sadd.s32 $0x20, s1;
	s9 =	simm.s32 $0x17D10  }
0x21d: {  	[hbm4b:s12+s3] =	stream.linear.scatter [tilespmem:s9], [sflag:$0x8], $0x80, $0x38;
	[tilespmem:$0x19E00] =	vst v63  }
0x21e: {  	s0 =	simm.s32 $0x440;
	s14 =	sadd.s32 $0x30, s1;
	s5 =	simm.s32 $0x2200  }
0x21f: {  	[hbm4b:s14+s3] =	stream.linear.scatter [tilespmem:s13], [sflag:$0x8], $0x80, $0x38;
	[tilespmem:$0x19E00] =	vst v63  }
0x220: {  	s6 =	simm.s32 $0x17E20;
	s8 =	sadd.s32 $0x40, s1;
	s9 =	simm.s32 $0x17EA8  }
0x221: {  	[hbm4b:s8+s3] =	stream.linear.scatter [tilespmem:s6], [sflag:$0x8], $0x80, $0x38;
	[tilespmem:$0x19E00] =	vst v63  }
0x222: {  	s12 =	sadd.s32 $0x50, s1;
	s13 =	simm.s32 $0x17F30;
	s14 =	sadd.s32 $0x60, s1  }
0x223: {  	[hbm4b:s12+s3] =	stream.linear.scatter [tilespmem:s9], [sflag:$0x8], $0x80, $0x38;
	[tilespmem:$0x19E00] =	vst v63  }
0x224: {  	s9 =	simm.s32 $0x17FB8;
	s12 =	sadd.s32 $0x70, s1;
	s1 =	sadd.s32 $0x1000, s1  }
0x225: {  	[hbm4b:s14+s3] =	stream.linear.scatter [tilespmem:s13], [sflag:$0x8], $0x80, $0x38;
	[tilespmem:$0x19E00] =	vst v63  }
.LBB2_17:
0x226: {  	[hbm4b:s12+s3] =	stream.linear.scatter [tilespmem:s9], [sflag:$0x8], $0x80, $0x38;
	[tilespmem:$0x19E00] =	vst v63  }
0x227: {  	s6 =	smov.u32 s0;
	s0 =	smov.u32 s5  }
0x228: {  	s8 =	sadd.s32 $0x1100, s5;
	s0 =	sshra.s32 s0, $0x2;
	s9 =	sadd.s32 $0x17C00, s6  }
0x229: {  	[hbm4b:s1+s3] =	stream.linear.scatter [tilespmem:s9], [sflag:$0x8], $0x80, $0x38;
	[tilespmem:$0x19E00] =	vst v63  }
0x22a: {  	p0 =	sne.s32 s5, $0x7700;
	s5 =	sadd.s32 $0x17C88, s6;
	s9 =	sadd.s32 $0x10, s1  }
0x22b: {  	[hbm4b:s9+s3] =	stream.linear.scatter [tilespmem:s5], [sflag:$0x8], $0x80, $0x38;
	[tilespmem:$0x19E00] =	vst v63  }
0x22c: {  	s5 =	sadd.s32 $0x17D10, s6;
	s9 =	sadd.s32 $0x20, s1  }
0x22d: {  	[hbm4b:s9+s3] =	stream.linear.scatter [tilespmem:s5], [sflag:$0x8], $0x80, $0x38;
	[tilespmem:$0x19E00] =	vst v63  }
0x22e: {  	s5 =	sadd.s32 $0x17D98, s6;
	s9 =	sadd.s32 $0x30, s1  }
0x22f: {  	[hbm4b:s9+s3] =	stream.linear.scatter [tilespmem:s5], [sflag:$0x8], $0x80, $0x38;
	[tilespmem:$0x19E00] =	vst v63  }
0x230: {  	s5 =	sadd.s32 $0x17E20, s6;
	s9 =	sadd.s32 $0x40, s1  }
0x231: {  	[hbm4b:s9+s3] =	stream.linear.scatter [tilespmem:s5], [sflag:$0x8], $0x80, $0x38;
	[tilespmem:$0x19E00] =	vst v63  }
.Ltmp7:
0x232: {  	s5 =	sadd.s32 $0x17EA8, s6;
	s9 =	sadd.s32 $0x50, s1;
	(pc) =	sbr.rel @p0 .LBB2_17-.Ltmp7, $4  }
0x233: {  	[hbm4b:s9+s3] =	stream.linear.scatter [tilespmem:s5], [sflag:$0x8], $0x80, $0x38;
	[tilespmem:$0x19E00] =	vst v63  }
0x234: {  	s12 =	sadd.s32 $0x70, s1;
	s5 =	sadd.s32 $0x17F30, s6;
	s9 =	sadd.s32 $0x60, s1  }
0x235: {  	[hbm4b:s9+s3] =	stream.linear.scatter [tilespmem:s5], [sflag:$0x8], $0x80, $0x38;
	[tilespmem:$0x19E00] =	vst v63  }
0x236: {  	s1 =	sadd.s32 $0x1000, s1;
	s9 =	sadd.s32 $0x17FB8, s6;
	s5 =	smov.u32 s8  }
0x237: {  	[hbm4b:s12+s3] =	stream.linear.scatter [tilespmem:s9], [sflag:$0x8], $0x80, $0x38;
	[tilespmem:$0x19E00] =	vst v63  }
0x238: {  	s5 =	sadd.s32 $0x17C00, s0  }
0x239: {  	[hbm4b:s1+s3] =	stream.linear.scatter [tilespmem:s5], [sflag:$0x8], $0x80, $0x38;
	[tilespmem:$0x19E00] =	vst v63  }
0x23a: {  	s14 =	sadd.s32 $0x17C88, s0;
	s6 =	sadd.s32 $0x10, s1  }
0x23b: {  	[hbm4b:s6+s3] =	stream.linear.scatter [tilespmem:s14], [sflag:$0x8], $0x80, $0x38;
	[tilespmem:$0x19E00] =	vst v63  }
0x23c: {  	s8 =	sadd.s32 $0x20, s1;
	s6 =	sadd.s32 $0x17D10, s0  }
0x23d: {  	[hbm4b:s8+s3] =	stream.linear.scatter [tilespmem:s6], [sflag:$0x8], $0x80, $0x38;
	[tilespmem:$0x19E00] =	vst v63  }
0x23e: {  	s9 =	sadd.s32 $0x17D98, s0;
	s12 =	sadd.s32 $0x30, s1  }
0x23f: {  	[hbm4b:s12+s3] =	stream.linear.scatter [tilespmem:s9], [sflag:$0x8], $0x80, $0x38;
	[tilespmem:$0x19E00] =	vst v63  }
0x240: {  	s13 =	sadd.s32 $0x17E20, s0;
	s31 =	sadd.s32 $0x1, s31;
	s14 =	sadd.s32 $0x40, s1  }
0x241: {  	[hbm4b:s14+s3] =	stream.linear.scatter [tilespmem:s13], [sflag:$0x8], $0x80, $0x38;
	[tilespmem:$0x19E00] =	vst v63  }
0x242: {  	p0 =	sne.s32 s31, $0x32;
	s6 =	sadd.s32 $0x17EA8, s0;
	s8 =	sadd.s32 $0x50, s1  }
0x243: {  	[hbm4b:s8+s3] =	stream.linear.scatter [tilespmem:s6], [sflag:$0x8], $0x80, $0x38;
	[tilespmem:$0x19E00] =	vst v63  }
.Ltmp8:
0x244: {  	_ = 	snop;
	(pc) =	sbr.rel @p0 .LBB2_2-.Ltmp8, $4  }
0x245: {  	s9 =	sadd.s32 $0x17F30, s0;
	s12 =	sadd.s32 $0x60, s1  }
0x246: {  	[hbm4b:s12+s3] =	stream.linear.scatter [tilespmem:s9], [sflag:$0x8], $0x80, $0x38;
	[tilespmem:$0x19E00] =	vst v63  }
0x247: {  	s13 =	sadd.s32 $0x17FB8, s0;
	s14 =	sadd.s32 $0x70, s1  }
0x248: {  	[hbm4b:s14+s3] =	stream.linear.scatter [tilespmem:s13], [sflag:$0x8], $0x80, $0x38;
	[tilespmem:$0x19E00] =	vst v63  }
0x249: {  	_ =	swait.ge [sflag:s25], $0x2000  }
0x24a: {  	[sflag:s25] =	ssyncset.done $0x0  }
0x24b: {  	[sflag:s25] =	ssyncadd.s32 $0xFFFFE000  }
0x24c: {  	_ =	swait.ge [sflag:s26], $0x2000  }
0x24d: {  	[sflag:s26] =	ssyncset.done $0x0  }
0x24e: {  	[sflag:s26] =	ssyncadd.s32 $0xFFFFE000  }
0x24f: {  	_ =	swait.ge [sflag:s28], $0x2000  }
0x250: {  	[sflag:s28] =	ssyncset.done $0x0  }
0x251: {  	[sflag:s28] =	ssyncadd.s32 $0xFFFFE000  }
0x252: {  	_ =	swait.ge [sflag:s29], $0x2000  }
0x253: {  	s30 =	sadd.s32 $0x1, s30;
	s0 =	rddreg [dreg:$0x5]  }
0x254: {  	p0 =	sne.s32 s30, s0  }
.Ltmp9:
0x255: {  	_ = 	snop;
	(pc) =	sbr.rel @p0 .LBB2_1-.Ltmp9, $3  }
0x256: {  	_ =	sdelay $0x1  }
0x257: {  	[sflag:s29] =	ssyncset.done $0x0  }
0x258: {  	[sflag:s29] =	ssyncadd.s32 $0xFFFFE000  }
0x259: {  	_ =	sfence.sel $0x180000  }
0x25a: {  	[bflag:$0x0] =	sbarrier.arrive $0xFFFF  }
0x25b: {  	_ =	strace $0x90000047  }
0x25c: {  	s0 =	stileid.u32;
	[bflag:$0x2] =	sbarrier.arrive $0xFFFF  }
0x25d: {  	p0 =	sne.s32 s0, $0x0;
	s0 =	rddreg [dreg:$0x2]  }
0x25e: {  	s0 =	sadd.s32 @!p0 $0x100000, s0  }
0x25f: {  	[sflag:s0] =	ssyncadd.tile.s32 @!p0 $0x1;
	_ =	shalt  }
.Lfunc_end2:
_tile_overlayer_lowered:
.L_overlay_start_2:
0x260: {  	(tag) =	ssettag $0x2  }
0x261: {  	s0 =	rddreg [dreg:$0x0];
	s2 =	stileid.u32  }
0x262: {  	s1 =	rddreg [dreg:$0x1];
	p0 =	sne.s32 s2, $0x0  }
0x263: {  	s3 =	rddreg [dreg:$0x2];
	[bflag:$0x3] =	sbarrier.arrive $0xFFFF;
	s2 =	simm.s32 @!p0 $0x1C09  }
0x264: {  	[timem:s3], [sflag:s2] =	dma.local @!p0 [hbm:s0], s1  }
0x265: {  	s0 =	simm.s32 @!p0 $0x9  }
0x266: {  	_ =	swait.ge @!p0 [sflag:s0], s1  }
0x267: {  	s1 =	ssub.s32 @!p0 $0x0, s1;
	[sflag:s0] =	ssyncset.done @!p0 $0x0  }
0x268: {  	[sflag:s0] =	ssyncadd.s32 @!p0 s1  }
0x269: {  	[bflag:$0x3] =	sbarrier.arrive $0xFFFF  }
0x26a: {  	_ =	shalt  }

</sc_bundles>
